<compile_context>
chip_gen: v7x
topology: tpu7x:2x2x1
jax: 0.10.2.dev20260603
libtpu: 0.0.44.dev20260713+nightly
codegen_flags: <defaults>
</compile_context>

<pallas_src>
import functools

import jax
import jax.numpy as jnp
from jax import lax
from jax.experimental import pallas as pl
from jax.experimental.pallas import tpu as pltpu
from jax.experimental.pallas import tpu_sc as plsc

N = 10000
D_IN = 128
HID = 16
LAT = 32
HEADS = 8
E = 320000

NP = 10240
SPT = NP // 16
ET = E + N
NW = 32
BW = 10496
ET_PAD = BW * NW
BR = 512
GRID = NP // BR


def _make_agg(F, C):
    nh = F // 16
    head_of = [(j * 16) // C for j in range(nh)]
    CH = 128 if F == 128 else 256
    NCH = BW // CH
    mesh = plsc.VectorSubcoreMesh(core_axis_name="c", subcore_axis_name="s")

    @functools.partial(
        pl.kernel,
        mesh=mesh,
        compiler_params=pltpu.CompilerParams(use_tc_tiling_on_sc=False),
        out_type=[
            jax.ShapeDtypeStruct((2, NP, F), jnp.float32),
            jax.ShapeDtypeStruct((2, NP, 16), jnp.float32),
        ],
        scratch_types=[
            pltpu.VMEM_SHARED((NP, F), jnp.float32),
            pltpu.VMEM_SHARED((NP, 16), jnp.float32),
            pltpu.VMEM((CH,), jnp.int32),
            pltpu.VMEM((CH,), jnp.int32),
            pltpu.VMEM((CH, 16), jnp.float32),
            pltpu.VMEM((CH, 16), jnp.float32),
            pltpu.VMEM((CH, 16), jnp.float32),
            pltpu.VMEM((CH, F), jnp.float32),
            pltpu.SemaphoreType.DMA,
            pltpu.SemaphoreType.DMA,
        ],
    )
    def agg(h_hbm, asrc_hbm, adst_hbm, src_hbm, dst_hbm, zf_hbm, zh_hbm,
            acc_hbm, den_hbm,
            acc_sh, den_sh, srcv, dstv, av, bv, aev, hv, sem_ab, sem_h):
        cid = lax.axis_index("c")
        sid = lax.axis_index("s")
        wid = sid * 2 + cid
        row0 = sid * SPT

        pltpu.sync_copy(zf_hbm, acc_sh.at[pl.ds(row0, SPT)])
        pltpu.sync_copy(zh_hbm, den_sh.at[pl.ds(row0, SPT)])
        plsc.subcore_barrier()

        wbase = wid * BW

        def alpha_body(e, _):
            al = av[e, :] + bv[e, :]
            al = jnp.where(al > 0.0, al, al * 0.2)
            aev[e, :] = jnp.exp(al)
            return 0

        def weight_body(e, _):
            ae = aev[e, :]
            for j in range(nh):
                s = ae[head_of[j]]
                hv[e, pl.ds(j * 16, 16)] = hv[e, pl.ds(j * 16, 16)] * s
            return 0

        def chunk_body(t, _):
            base = wbase + t * CH
            pltpu.sync_copy(src_hbm.at[pl.ds(base, CH)], srcv)
            pltpu.sync_copy(dst_hbm.at[pl.ds(base, CH)], dstv)
            cp_h = pltpu.async_copy(h_hbm.at[srcv], hv, sem_h)
            cp_a = pltpu.async_copy(asrc_hbm.at[srcv], av, sem_ab)
            cp_b = pltpu.async_copy(adst_hbm.at[dstv], bv, sem_ab)
            cp_a.wait()
            cp_b.wait()
            lax.fori_loop(0, CH, alpha_body, 0)
            cp_h.wait()
            lax.fori_loop(0, CH, weight_body, 0)
            pltpu.sync_copy(aev, den_sh.at[dstv], add=True)
            pltpu.sync_copy(hv, acc_sh.at[dstv], add=True)
            return 0

        lax.fori_loop(0, NCH, chunk_body, 0)

        plsc.subcore_barrier()
        pltpu.sync_copy(acc_sh.at[pl.ds(row0, SPT)],
                        acc_hbm.at[cid, pl.ds(row0, SPT)])
        pltpu.sync_copy(den_sh.at[pl.ds(row0, SPT)],
                        den_hbm.at[cid, pl.ds(row0, SPT)])

    return agg


_AGG128 = _make_agg(128, 16)
_AGG32 = _make_agg(32, 32)
_AGG128C = _make_agg(128, 128)


def _dot(a, b):
    return jax.lax.dot_general(a, b, (((1,), (0,)), ((), ())),
                               preferred_element_type=jnp.float32)


def _k1_body(x_ref, w_ref, s_ref, d_ref, h_ref, as_ref, ad_ref):
    h = _dot(x_ref[...], w_ref[...])
    h_ref[...] = h
    as_ref[...] = _dot(h, s_ref[...])
    ad_ref[...] = _dot(h, d_ref[...])


def _dense1(xp, w, s, d, f_out):
    return pl.pallas_call(
        _k1_body,
        grid=(GRID,),
        in_specs=[
            pl.BlockSpec((BR, xp.shape[1]), lambda i: (i, 0)),
            pl.BlockSpec(w.shape, lambda i: (0, 0)),
            pl.BlockSpec(s.shape, lambda i: (0, 0)),
            pl.BlockSpec(d.shape, lambda i: (0, 0)),
        ],
        out_specs=[
            pl.BlockSpec((BR, f_out), lambda i: (i, 0)),
            pl.BlockSpec((BR, 16), lambda i: (i, 0)),
            pl.BlockSpec((BR, 16), lambda i: (i, 0)),
        ],
        out_shape=[
            jax.ShapeDtypeStruct((NP, f_out), jnp.float32),
            jax.ShapeDtypeStruct((NP, 16), jnp.float32),
            jax.ShapeDtypeStruct((NP, 16), jnp.float32),
        ],
    )(xp, w, s, d)


def _finalize_block(acc_ref, den_ref, bias_ref, emat_ref, relu):
    acc = acc_ref[0] + acc_ref[1]
    den = den_ref[0] + den_ref[1]
    rcp = 1.0 / (den + 1e-16)
    out = acc * _dot(rcp, emat_ref[...]) + bias_ref[...]
    if relu:
        out = jnp.maximum(out, 0.0)
    return out


def _k2_body(acc_ref, den_ref, b_ref, e_ref,
             wm_ref, sm_ref, dm_ref, wl_ref, sl_ref, dl_ref,
             hm_ref, ams_ref, amd_ref, hl_ref, als_ref, ald_ref):
    hr = _finalize_block(acc_ref, den_ref, b_ref, e_ref, relu=True)
    hm = _dot(hr, wm_ref[...])
    hm_ref[...] = hm
    ams_ref[...] = _dot(hm, sm_ref[...])
    amd_ref[...] = _dot(hm, dm_ref[...])
    hl = _dot(hr, wl_ref[...])
    hl_ref[...] = hl
    als_ref[...] = _dot(hl, sl_ref[...])
    ald_ref[...] = _dot(hl, dl_ref[...])


def _k3_body(am_ref, dm_ref, al_ref, dl_ref, bm_ref, bl_ref, eps_ref,
             w3_ref, s3_ref, d3_ref,
             mu_ref, lv_ref, h3_ref, a3s_ref, a3d_ref):
    rm = 1.0 / (dm_ref[0, :, :1] + dm_ref[1, :, :1] + 1e-16)
    mu = (am_ref[0] + am_ref[1]) * rm + bm_ref[...]
    rl = 1.0 / (dl_ref[0, :, :1] + dl_ref[1, :, :1] + 1e-16)
    lv = (al_ref[0] + al_ref[1]) * rl + bl_ref[...]
    mu_ref[...] = mu
    lv_ref[...] = lv
    z = eps_ref[...] * jnp.exp(lv) + mu
    h3 = _dot(z, w3_ref[...])
    h3_ref[...] = h3
    a3s_ref[...] = _dot(h3, s3_ref[...])
    a3d_ref[...] = _dot(h3, d3_ref[...])


def _k4_body(acc_ref, den_ref, b_ref, w4_ref, s4_ref, d4_ref,
             h4_ref, a4s_ref, a4d_ref):
    rc = 1.0 / (den_ref[0, :, :1] + den_ref[1, :, :1] + 1e-16)
    dd = jnp.maximum((acc_ref[0] + acc_ref[1]) * rc + b_ref[...], 0.0)
    h4 = _dot(dd, w4_ref[...])
    h4_ref[...] = h4
    a4s_ref[...] = _dot(h4, s4_ref[...])
    a4d_ref[...] = _dot(h4, d4_ref[...])


def _k5_body(acc_ref, den_ref, b_ref, e_ref, out_ref):
    out_ref[...] = _finalize_block(acc_ref, den_ref, b_ref, e_ref, relu=False)


def _row_specs(shapes):
    return [pl.BlockSpec((2, BR) + s[2:], lambda i: (0, i) + (0,) * (len(s) - 2))
            if len(s) == 3 else pl.BlockSpec((BR,) + s[1:], lambda i: (i, 0))
            for s in shapes]


def _full_spec(a):
    nd = a.ndim
    return pl.BlockSpec(a.shape, lambda i, _n=nd: (0,) * _n)


def _att_mats(att_src, att_dst, heads, out_ch):
    f = heads * out_ch
    a_s = att_src[0]
    a_d = att_dst[0]
    fi = jnp.arange(f)[:, None] // out_ch
    hi = jnp.arange(16)[None, :]
    mask = (fi == hi).astype(jnp.float32)
    pad_s = jnp.pad(a_s, ((0, 16 - heads), (0, 0)))
    pad_d = jnp.pad(a_d, ((0, 16 - heads), (0, 0)))
    tile_s = jnp.tile(pad_s.T, (heads, 1))
    tile_d = jnp.tile(pad_d.T, (heads, 1))
    return mask * tile_s, mask * tile_d, mask.T


def kernel(x, edge_index, params, eps):
    f32 = jnp.float32
    xp = jnp.pad(x.astype(f32), ((0, NP - N), (0, 0)))
    epsp = jnp.pad(eps.astype(f32), ((0, NP - N), (0, 0)))
    loop = jnp.arange(N, dtype=jnp.int32)
    padi = jnp.full((ET_PAD - ET,), N, jnp.int32)
    src = jnp.concatenate([edge_index[0].astype(jnp.int32), loop, padi])
    dst = jnp.concatenate([edge_index[1].astype(jnp.int32), loop, padi])
    zf = jnp.zeros((SPT, 128), f32)
    zf32 = jnp.zeros((SPT, 32), f32)
    zh = jnp.zeros((SPT, 16), f32)

    p1 = params["enc1"]
    pm = params["enc2_mu"]
    plv = params["enc2_lv"]
    p3 = params["dec1"]
    p4 = params["dec2"]
    s1, d1, e1 = _att_mats(p1["att_src"], p1["att_dst"], HEADS, HID)
    sm, dm, _ = _att_mats(pm["att_src"], pm["att_dst"], 1, LAT)
    sl, dl, _ = _att_mats(plv["att_src"], plv["att_dst"], 1, LAT)
    s3, d3, _ = _att_mats(p3["att_src"], p3["att_dst"], 1, HID * HEADS)
    s4, d4, e4 = _att_mats(p4["att_src"], p4["att_dst"], HEADS, D_IN // HEADS)

    h1, a1s, a1d = _dense1(xp, p1["W"], s1, d1, 128)
    acc1, den1 = _AGG128(h1, a1s, a1d, src, dst, zf, zh)

    hm, ams, amd, hl, als, ald = pl.pallas_call(
        _k2_body,
        grid=(GRID,),
        in_specs=(
            _row_specs([(2, NP, 128), (2, NP, 16)])
            + [_full_spec(a) for a in
               (p1["bias"][None], e1, pm["W"], sm, dm, plv["W"], sl, dl)]
        ),
        out_specs=[pl.BlockSpec((BR, 32), lambda i: (i, 0)),
                   pl.BlockSpec((BR, 16), lambda i: (i, 0)),
                   pl.BlockSpec((BR, 16), lambda i: (i, 0)),
                   pl.BlockSpec((BR, 32), lambda i: (i, 0)),
                   pl.BlockSpec((BR, 16), lambda i: (i, 0)),
                   pl.BlockSpec((BR, 16), lambda i: (i, 0))],
        out_shape=[jax.ShapeDtypeStruct((NP, 32), f32),
                   jax.ShapeDtypeStruct((NP, 16), f32),
                   jax.ShapeDtypeStruct((NP, 16), f32),
                   jax.ShapeDtypeStruct((NP, 32), f32),
                   jax.ShapeDtypeStruct((NP, 16), f32),
                   jax.ShapeDtypeStruct((NP, 16), f32)],
    )(acc1, den1, p1["bias"][None], e1, pm["W"], sm, dm, plv["W"], sl, dl)

    accm, denm = _AGG32(hm, ams, amd, src, dst, zf32, zh)
    accl, denl = _AGG32(hl, als, ald, src, dst, zf32, zh)

    mu, lv, h3, a3s, a3d = pl.pallas_call(
        _k3_body,
        grid=(GRID,),
        in_specs=(
            _row_specs([(2, NP, 32), (2, NP, 16), (2, NP, 32), (2, NP, 16)])
            + [_full_spec(pm["bias"][None]), _full_spec(plv["bias"][None]),
               pl.BlockSpec((BR, 32), lambda i: (i, 0)),
               _full_spec(p3["W"]), _full_spec(s3), _full_spec(d3)]
        ),
        out_specs=[pl.BlockSpec((BR, 32), lambda i: (i, 0)),
                   pl.BlockSpec((BR, 32), lambda i: (i, 0)),
                   pl.BlockSpec((BR, 128), lambda i: (i, 0)),
                   pl.BlockSpec((BR, 16), lambda i: (i, 0)),
                   pl.BlockSpec((BR, 16), lambda i: (i, 0))],
        out_shape=[jax.ShapeDtypeStruct((NP, 32), f32),
                   jax.ShapeDtypeStruct((NP, 32), f32),
                   jax.ShapeDtypeStruct((NP, 128), f32),
                   jax.ShapeDtypeStruct((NP, 16), f32),
                   jax.ShapeDtypeStruct((NP, 16), f32)],
    )(accm, denm, accl, denl, pm["bias"][None], plv["bias"][None], epsp,
      p3["W"], s3, d3)

    acc3, den3 = _AGG128C(h3, a3s, a3d, src, dst, zf, zh)

    h4, a4s, a4d = pl.pallas_call(
        _k4_body,
        grid=(GRID,),
        in_specs=(
            _row_specs([(2, NP, 128), (2, NP, 16)])
            + [_full_spec(a) for a in (p3["bias"][None], p4["W"], s4, d4)]
        ),
        out_specs=[pl.BlockSpec((BR, 128), lambda i: (i, 0)),
                   pl.BlockSpec((BR, 16), lambda i: (i, 0)),
                   pl.BlockSpec((BR, 16), lambda i: (i, 0))],
        out_shape=[jax.ShapeDtypeStruct((NP, 128), f32),
                   jax.ShapeDtypeStruct((NP, 16), f32),
                   jax.ShapeDtypeStruct((NP, 16), f32)],
    )(acc3, den3, p3["bias"][None], p4["W"], s4, d4)

    acc4, den4 = _AGG128(h4, a4s, a4d, src, dst, zf, zh)

    recon = pl.pallas_call(
        _k5_body,
        grid=(GRID,),
        in_specs=(
            _row_specs([(2, NP, 128), (2, NP, 16)])
            + [_full_spec(p4["bias"][None]), _full_spec(e4)]
        ),
        out_specs=pl.BlockSpec((BR, 128), lambda i: (i, 0)),
        out_shape=jax.ShapeDtypeStruct((NP, 128), f32),
    )(acc4, den4, p4["bias"][None], e4)

    return (recon[:N], mu[:N], lv[:N])

# --- scband reference (transcript-rebuilt; emitter-appended) ---
"""Pipeline reference for scband-gatmodel-vae-30769145708621 (READ-ONLY COPY).

The authoritative reference and input builder live on the scoring server;
editing this copy changes nothing except your own understanding.
"""

import jax, jax.numpy as jnp
import numpy as np

N = 10000
E = 320000
D_IN = 128
HID = 16
LAT = 32
HEADS = 8


def gat_params(key, in_ch, heads, out_ch):
    k1, k2, k3, k4 = jax.random.split(key, 4)
    return {
        "W": jax.random.normal(k1, (in_ch, heads * out_ch), jnp.float32) * 0.05,
        "att_src": jax.random.normal(k2, (1, heads, out_ch), jnp.float32) * 0.05,
        "att_dst": jax.random.normal(k3, (1, heads, out_ch), jnp.float32) * 0.05,
        "bias": jnp.zeros((heads * out_ch,), jnp.float32),
    }


def gat_conv(x, src, dst, p, heads, out_ch, num_nodes):
    # PyG-style GATConv with concat=True, negative_slope=0.2, self-loops already in (src, dst)
    h = (x @ p["W"]).reshape(-1, heads, out_ch)
    a_src = (h * p["att_src"]).sum(-1)  # [N, heads]
    a_dst = (h * p["att_dst"]).sum(-1)  # [N, heads]
    alpha = a_src[src] + a_dst[dst]      # [Etot, heads] (gather)
    alpha = jax.nn.leaky_relu(alpha, 0.2)
    amax = jax.ops.segment_max(alpha, dst, num_segments=num_nodes)
    ex = jnp.exp(alpha - amax[dst])
    denom = jax.ops.segment_sum(ex, dst, num_segments=num_nodes)
    w = ex / (denom[dst] + 1e-16)
    out = jax.ops.segment_sum(h[src] * w[:, :, None], dst, num_segments=num_nodes)
    return out.reshape(num_nodes, heads * out_ch) + p["bias"]


def setup_inputs(seed: int = 0) -> dict:
    key = jax.random.key(seed)
    ks = jax.random.split(key, 8)
    x = jax.random.normal(ks[0], (N, D_IN), jnp.float32)
    edge_index = jax.random.randint(ks[1], (2, E), 0, N, dtype=jnp.int32)
    params = {
        "enc1": gat_params(ks[2], D_IN, HEADS, HID),
        "enc2_mu": gat_params(ks[3], HID * HEADS, 1, LAT),
        "enc2_lv": gat_params(ks[4], HID * HEADS, 1, LAT),
        "dec1": gat_params(ks[5], LAT, 1, HID * HEADS),
        "dec2": gat_params(ks[6], HID * HEADS, HEADS, D_IN // HEADS),
    }
    eps = jax.random.normal(ks[7], (N, LAT), jnp.float32)  # reparameterization noise (fixed sample)
    return {"x": x, "edge_index": edge_index, "params": params, "eps": eps}


def reference(x, edge_index, params, eps):
    loop = jnp.arange(N, dtype=edge_index.dtype)
    src = jnp.concatenate([edge_index[0], loop])
    dst = jnp.concatenate([edge_index[1], loop])
    # encode
    h = jax.nn.relu(gat_conv(x, src, dst, params["enc1"], HEADS, HID, N))
    mu = gat_conv(h, src, dst, params["enc2_mu"], 1, LAT, N)
    logvar = gat_conv(h, src, dst, params["enc2_lv"], 1, LAT, N)
    # reparameterize: z = eps * exp(logvar) + mu
    z = eps * jnp.exp(logvar) + mu
    # decode
    d = jax.nn.relu(gat_conv(z, src, dst, params["dec1"], 1, HID * HEADS, N))
    recon = gat_conv(d, src, dst, params["dec2"], HEADS, D_IN // HEADS, N)
    return (recon, mu, logvar)

if __name__ == "__main__":
    import jax
    _d = setup_inputs()
    print(jax.jit(kernel)(*tuple(_d.values())))

</pallas_src>

<mosaic_0001>
#map = affine_map<(d0, d1) -> (0, 0)>
#map1 = affine_map<(d0, d1) -> (0)>
#map2 = affine_map<(d0, d1) -> (0, 0, 0)>
module attributes {stable_mosaic.version = 14 : i64} {
  func.func @agg(%arg0: i32, %arg1: i32, %arg2: memref<10240x128xf32, #tpu.memory_space<hbm>>, %arg3: memref<10240x16xf32, #tpu.memory_space<hbm>>, %arg4: memref<10240x16xf32, #tpu.memory_space<hbm>>, %arg5: memref<335872xi32, #tpu.memory_space<hbm>>, %arg6: memref<335872xi32, #tpu.memory_space<hbm>>, %arg7: memref<640x128xf32, #tpu.memory_space<hbm>>, %arg8: memref<640x16xf32, #tpu.memory_space<hbm>>, %arg9: memref<2x10240x128xf32, #tpu.memory_space<hbm>>, %arg10: memref<2x10240x16xf32, #tpu.memory_space<hbm>>, %arg11: memref<10240x128xf32, #tpu.memory_space<vmem_shared>>, %arg12: memref<10240x16xf32, #tpu.memory_space<vmem_shared>>, %arg13: memref<128xi32, #tpu.memory_space<vmem>>, %arg14: memref<128xi32, #tpu.memory_space<vmem>>, %arg15: memref<128x16xf32, #tpu.memory_space<vmem>>, %arg16: memref<128x16xf32, #tpu.memory_space<vmem>>, %arg17: memref<128x16xf32, #tpu.memory_space<vmem>>, %arg18: memref<128x128xf32, #tpu.memory_space<vmem>>, %arg19: memref<!tpu.dma_semaphore, #tpu.memory_space<semaphore_mem>>, %arg20: memref<!tpu.dma_semaphore, #tpu.memory_space<semaphore_mem>>) attributes {dimension_semantics = [#tpu.dimension_semantics<core_parallel>, #tpu.dimension_semantics<subcore_parallel>], iteration_bounds = array<i64: 2, 16>, scalar_prefetch = 0 : i64, scratch_operands = 10 : i64, tpu.core_type = #tpu.core_type<sc_vector_subcore>, window_params = [{transform_indices = #map}, {transform_indices = #map}, {transform_indices = #map}, {transform_indices = #map1}, {transform_indices = #map1}, {transform_indices = #map}, {transform_indices = #map}, {transform_indices = #map2}, {transform_indices = #map2}]} {
    %mul3A = arith.constant 2 : i32
    %mul3A_0 = arith.muli %arg1, %mul3A : i32
    %add3A = arith.addi %mul3A_0, %arg0 : i32
    %mul3A_1 = arith.constant 640 : i32
    %mul3A_2 = arith.muli %arg1, %mul3A_1 : i32
    "tpu.region"() ({
      %run_scoped3A = tpu.sem_alloc : memref<!tpu.dma_semaphore, #tpu.memory_space<semaphore_mem>>
      %dma_start3A = arith.constant 0 : i32
      %dma_start3A_12 = tpu.memref_slice %arg11[%mul3A_2, %dma_start3A] : memref<10240x128xf32, #tpu.memory_space<vmem_shared>> -> memref<640x128xf32, #tpu.memory_space<vmem_shared>>
      tpu.enqueue_dma source(%arg7 : memref<640x128xf32, #tpu.memory_space<hbm>>) target(%dma_start3A_12 : memref<640x128xf32, #tpu.memory_space<vmem_shared>>) target_semaphore(%run_scoped3A : memref<!tpu.dma_semaphore, #tpu.memory_space<semaphore_mem>>)
      %dma_wait3A = arith.constant 0 : i32
      %dma_wait3A_13 = tpu.memref_slice %arg11[%mul3A_2, %dma_wait3A] : memref<10240x128xf32, #tpu.memory_space<vmem_shared>> -> memref<640x128xf32, #tpu.memory_space<vmem_shared>>
      tpu.wait_dma2 semaphore(%run_scoped3A : memref<!tpu.dma_semaphore, #tpu.memory_space<semaphore_mem>>) src(%arg7 : memref<640x128xf32, #tpu.memory_space<hbm>>) dst(%dma_wait3A_13 : memref<640x128xf32, #tpu.memory_space<vmem_shared>>)
      tpu.yield
    }) : () -> ()
    "tpu.region"() ({
      %run_scoped3A = tpu.sem_alloc : memref<!tpu.dma_semaphore, #tpu.memory_space<semaphore_mem>>
      %dma_start3A = arith.constant 0 : i32
      %dma_start3A_12 = tpu.memref_slice %arg12[%mul3A_2, %dma_start3A] : memref<10240x16xf32, #tpu.memory_space<vmem_shared>> -> memref<640x16xf32, #tpu.memory_space<vmem_shared>>
      tpu.enqueue_dma source(%arg8 : memref<640x16xf32, #tpu.memory_space<hbm>>) target(%dma_start3A_12 : memref<640x16xf32, #tpu.memory_space<vmem_shared>>) target_semaphore(%run_scoped3A : memref<!tpu.dma_semaphore, #tpu.memory_space<semaphore_mem>>)
      %dma_wait3A = arith.constant 0 : i32
      %dma_wait3A_13 = tpu.memref_slice %arg12[%mul3A_2, %dma_wait3A] : memref<10240x16xf32, #tpu.memory_space<vmem_shared>> -> memref<640x16xf32, #tpu.memory_space<vmem_shared>>
      tpu.wait_dma2 semaphore(%run_scoped3A : memref<!tpu.dma_semaphore, #tpu.memory_space<semaphore_mem>>) src(%arg8 : memref<640x16xf32, #tpu.memory_space<hbm>>) dst(%dma_wait3A_13 : memref<640x16xf32, #tpu.memory_space<vmem_shared>>)
      tpu.yield
    }) : () -> ()
    %barrier3A = arith.constant 0 : index
    tpu.barrier barrier_id(%barrier3A)
    %mul3A_3 = arith.constant 10496 : i32
    %mul3A_4 = arith.muli %add3A, %mul3A_3 : i32
    %scan3A = arith.constant 0 : i32
    %scan3A_5 = arith.constant 0 : i32
    %scan3A_6 = arith.constant 82 : i32
    %scan3A_7 = arith.addi %scan3A_5, %scan3A_6 : i32
    %scan3A_8 = arith.constant 1 : i32
    %scan3A_9 = scf.for %scan3A_12 = %scan3A_5 to %scan3A_7 step %scan3A_8 iter_args(%scan3A_13 = %scan3A) -> (i32)  : i32 {
      %mul3A_14 = arith.constant 128 : i32
      %mul3A_15 = arith.muli %scan3A_12, %mul3A_14 : i32
      %add3A_16 = arith.addi %mul3A_4, %mul3A_15 : i32
      "tpu.region"() ({
        %run_scoped3A = tpu.sem_alloc : memref<!tpu.dma_semaphore, #tpu.memory_space<semaphore_mem>>
        %dma_start3A_48 = tpu.memref_slice %arg5[%add3A_16] : memref<335872xi32, #tpu.memory_space<hbm>> -> memref<128xi32, #tpu.memory_space<hbm>>
        %dma_start3A_49 = tpu.memref_slice %arg5[%add3A_16] : memref<335872xi32, #tpu.memory_space<hbm>> -> memref<128xi32, #tpu.memory_space<hbm>>
        tpu.enqueue_dma source(%dma_start3A_49 : memref<128xi32, #tpu.memory_space<hbm>>) target(%arg13 : memref<128xi32, #tpu.memory_space<vmem>>) target_semaphore(%run_scoped3A : memref<!tpu.dma_semaphore, #tpu.memory_space<semaphore_mem>>)
        %dma_wait3A_50 = tpu.memref_slice %arg5[%add3A_16] : memref<335872xi32, #tpu.memory_space<hbm>> -> memref<128xi32, #tpu.memory_space<hbm>>
        %dma_wait3A_51 = tpu.memref_slice %arg5[%add3A_16] : memref<335872xi32, #tpu.memory_space<hbm>> -> memref<128xi32, #tpu.memory_space<hbm>>
        tpu.wait_dma2 semaphore(%run_scoped3A : memref<!tpu.dma_semaphore, #tpu.memory_space<semaphore_mem>>) src(%dma_wait3A_51 : memref<128xi32, #tpu.memory_space<hbm>>) dst(%arg13 : memref<128xi32, #tpu.memory_space<vmem>>)
        tpu.yield
      }) : () -> ()
      "tpu.region"() ({
        %run_scoped3A = tpu.sem_alloc : memref<!tpu.dma_semaphore, #tpu.memory_space<semaphore_mem>>
        %dma_start3A_48 = tpu.memref_slice %arg6[%add3A_16] : memref<335872xi32, #tpu.memory_space<hbm>> -> memref<128xi32, #tpu.memory_space<hbm>>
        %dma_start3A_49 = tpu.memref_slice %arg6[%add3A_16] : memref<335872xi32, #tpu.memory_space<hbm>> -> memref<128xi32, #tpu.memory_space<hbm>>
        tpu.enqueue_dma source(%dma_start3A_49 : memref<128xi32, #tpu.memory_space<hbm>>) target(%arg14 : memref<128xi32, #tpu.memory_space<vmem>>) target_semaphore(%run_scoped3A : memref<!tpu.dma_semaphore, #tpu.memory_space<semaphore_mem>>)
        %dma_wait3A_50 = tpu.memref_slice %arg6[%add3A_16] : memref<335872xi32, #tpu.memory_space<hbm>> -> memref<128xi32, #tpu.memory_space<hbm>>
        %dma_wait3A_51 = tpu.memref_slice %arg6[%add3A_16] : memref<335872xi32, #tpu.memory_space<hbm>> -> memref<128xi32, #tpu.memory_space<hbm>>
        tpu.wait_dma2 semaphore(%run_scoped3A : memref<!tpu.dma_semaphore, #tpu.memory_space<semaphore_mem>>) src(%dma_wait3A_51 : memref<128xi32, #tpu.memory_space<hbm>>) dst(%arg14 : memref<128xi32, #tpu.memory_space<vmem>>)
        tpu.yield
      }) : () -> ()
      %dma_start3A = arith.constant 0 : i32
      %dma_start3A_17 = arith.constant 0 : i32
      %dma_start3A_18 = tpu.memref_slice %arg2[%dma_start3A, %dma_start3A_17] : memref<10240x128xf32, #tpu.memory_space<hbm>> -> memref<10240x128xf32, #tpu.memory_space<hbm>>
      tpu.enqueue_indirect_dma source(%dma_start3A_18 : memref<10240x128xf32, #tpu.memory_space<hbm>>) target(%arg18 : memref<128x128xf32, #tpu.memory_space<vmem>>) offsets(%arg13 : memref<128xi32, #tpu.memory_space<vmem>>) semaphore(%arg20 : memref<!tpu.dma_semaphore, #tpu.memory_space<semaphore_mem>>)
      %dma_start3A_19 = arith.constant 0 : i32
      %dma_start3A_20 = arith.constant 0 : i32
      %dma_start3A_21 = tpu.memref_slice %arg3[%dma_start3A_19, %dma_start3A_20] : memref<10240x16xf32, #tpu.memory_space<hbm>> -> memref<10240x16xf32, #tpu.memory_space<hbm>>
      tpu.enqueue_indirect_dma source(%dma_start3A_21 : memref<10240x16xf32, #tpu.memory_space<hbm>>) target(%arg15 : memref<128x16xf32, #tpu.memory_space<vmem>>) offsets(%arg13 : memref<128xi32, #tpu.memory_space<vmem>>) semaphore(%arg19 : memref<!tpu.dma_semaphore, #tpu.memory_space<semaphore_mem>>)
      %dma_start3A_22 = arith.constant 0 : i32
      %dma_start3A_23 = arith.constant 0 : i32
      %dma_start3A_24 = tpu.memref_slice %arg4[%dma_start3A_22, %dma_start3A_23] : memref<10240x16xf32, #tpu.memory_space<hbm>> -> memref<10240x16xf32, #tpu.memory_space<hbm>>
      tpu.enqueue_indirect_dma source(%dma_start3A_24 : memref<10240x16xf32, #tpu.memory_space<hbm>>) target(%arg16 : memref<128x16xf32, #tpu.memory_space<vmem>>) offsets(%arg14 : memref<128xi32, #tpu.memory_space<vmem>>) semaphore(%arg19 : memref<!tpu.dma_semaphore, #tpu.memory_space<semaphore_mem>>)
      %dma_wait3A = arith.constant 0 : i32
      %dma_wait3A_25 = arith.constant 0 : i32
      %dma_wait3A_26 = tpu.memref_slice %arg3[%dma_wait3A, %dma_wait3A_25] : memref<10240x16xf32, #tpu.memory_space<hbm>> -> memref<10240x16xf32, #tpu.memory_space<hbm>>
      tpu.wait_indirect_dma semaphore(%arg19 : memref<!tpu.dma_semaphore, #tpu.memory_space<semaphore_mem>>) src(%dma_wait3A_26 : memref<10240x16xf32, #tpu.memory_space<hbm>>) dst(%arg15 : memref<128x16xf32, #tpu.memory_space<vmem>>)
      %dma_wait3A_27 = arith.constant 0 : i32
      %dma_wait3A_28 = arith.constant 0 : i32
      %dma_wait3A_29 = tpu.memref_slice %arg4[%dma_wait3A_27, %dma_wait3A_28] : memref<10240x16xf32, #tpu.memory_space<hbm>> -> memref<10240x16xf32, #tpu.memory_space<hbm>>
      tpu.wait_indirect_dma semaphore(%arg19 : memref<!tpu.dma_semaphore, #tpu.memory_space<semaphore_mem>>) src(%dma_wait3A_29 : memref<10240x16xf32, #tpu.memory_space<hbm>>) dst(%arg16 : memref<128x16xf32, #tpu.memory_space<vmem>>)
      %scan3A_30 = arith.constant 0 : i32
      %scan3A_31 = arith.constant 0 : i32
      %scan3A_32 = arith.constant 128 : i32
      %scan3A_33 = arith.addi %scan3A_31, %scan3A_32 : i32
      %scan3A_34 = arith.constant 1 : i32
      %scan3A_35 = scf.for %scan3A_48 = %scan3A_31 to %scan3A_33 step %scan3A_34 iter_args(%scan3A_49 = %scan3A_30) -> (i32)  : i32 {
        %get3A = arith.index_cast %scan3A_48 : i32 to index
        %get3A_50 = arith.constant 0 : index
        %get3A_51 = tpu.vector_load %arg15[%get3A, %get3A_50] {strides = array<i32>} : memref<128x16xf32, #tpu.memory_space<vmem>>, vector<1x16xf32>,
        %get3A_52 = vector.shape_cast %get3A_51 : vector<1x16xf32> to vector<16xf32>
        %get3A_53 = arith.index_cast %scan3A_48 : i32 to index
        %get3A_54 = arith.constant 0 : index
        %get3A_55 = tpu.vector_load %arg16[%get3A_53, %get3A_54] {strides = array<i32>} : memref<128x16xf32, #tpu.memory_space<vmem>>, vector<1x16xf32>,
        %get3A_56 = vector.shape_cast %get3A_55 : vector<1x16xf32> to vector<16xf32>
        %add3A_57 = arith.addf %get3A_52, %get3A_56 : vector<16xf32>
        %gt3A = arith.constant 0.000000e+00 : f32
        %gt3A_58 = vector.broadcast %gt3A : f32 to vector<16xf32>
        %gt3A_59 = arith.cmpf ogt, %add3A_57, %gt3A_58 : vector<16xf32>
        %mul3A_60 = arith.constant 2.000000e-01 : f32
        %mul3A_61 = vector.broadcast %mul3A_60 : f32 to vector<16xf32>
        %mul3A_62 = arith.mulf %add3A_57, %mul3A_61 : vector<16xf32>
        %select_n3A = arith.select %gt3A_59, %add3A_57, %mul3A_62 : vector<16xi1>, vector<16xf32>
        %exp3A = math.exp %select_n3A : vector<16xf32>
        %swap3A = arith.index_cast %scan3A_48 : i32 to index
        %swap3A_63 = arith.constant 0 : index
        %swap3A_64 = tpu.vector_load %arg17[%swap3A, %swap3A_63] {strides = array<i32>} : memref<128x16xf32, #tpu.memory_space<vmem>>, vector<1x16xf32>,
        %swap3A_65 = vector.shape_cast %swap3A_64 : vector<1x16xf32> to vector<16xf32>
        %swap3A_66 = vector.shape_cast %exp3A : vector<16xf32> to vector<1x16xf32>
        tpu.vector_store %arg17[%swap3A, %swap3A_63], %swap3A_66 {strides = array<i32>} : memref<128x16xf32, #tpu.memory_space<vmem>>, vector<1x16xf32>,
        %scan3A_67 = arith.constant 0 : i32
        scf.yield %scan3A_67 : i32
      }
      %scan3A_36 = arith.constant 128 : i32
      %dma_wait3A_37 = arith.constant 0 : i32
      %dma_wait3A_38 = arith.constant 0 : i32
      %dma_wait3A_39 = tpu.memref_slice %arg2[%dma_wait3A_37, %dma_wait3A_38] : memref<10240x128xf32, #tpu.memory_space<hbm>> -> memref<10240x128xf32, #tpu.memory_space<hbm>>
      tpu.wait_indirect_dma semaphore(%arg20 : memref<!tpu.dma_semaphore, #tpu.memory_space<semaphore_mem>>) src(%dma_wait3A_39 : memref<10240x128xf32, #tpu.memory_space<hbm>>) dst(%arg18 : memref<128x128xf32, #tpu.memory_space<vmem>>)
      %scan3A_40 = arith.constant 0 : i32
      %scan3A_41 = arith.constant 0 : i32
      %scan3A_42 = arith.constant 128 : i32
      %scan3A_43 = arith.addi %scan3A_41, %scan3A_42 : i32
      %scan3A_44 = arith.constant 1 : i32
      %scan3A_45 = scf.for %scan3A_48 = %scan3A_41 to %scan3A_43 step %scan3A_44 iter_args(%scan3A_49 = %scan3A_40) -> (i32)  : i32 {
        %get3A = arith.index_cast %scan3A_48 : i32 to index
        %get3A_50 = arith.constant 0 : index
        %get3A_51 = tpu.vector_load %arg17[%get3A, %get3A_50] {strides = array<i32>} : memref<128x16xf32, #tpu.memory_space<vmem>>, vector<1x16xf32>,
        %get3A_52 = vector.shape_cast %get3A_51 : vector<1x16xf32> to vector<16xf32>
        %slice3A = vector.extract_strided_slice %get3A_52 {offsets = [0], sizes = [1], strides = [1]} : vector<16xf32> to vector<1xf32>
        %squeeze3A = vector.extract %slice3A[0] : f32 from vector<1xf32>
        %get3A_53 = arith.index_cast %scan3A_48 : i32 to index
        %get3A_54 = arith.constant 0 : index
        %get3A_55 = tpu.vector_load %arg18[%get3A_53, %get3A_54] {strides = array<i32>} : memref<128x128xf32, #tpu.memory_space<vmem>>, vector<1x16xf32>,
        %get3A_56 = vector.shape_cast %get3A_55 : vector<1x16xf32> to vector<16xf32>
        %mul3A_57 = vector.broadcast %squeeze3A : f32 to vector<16xf32>
        %mul3A_58 = arith.mulf %get3A_56, %mul3A_57 : vector<16xf32>
        %swap3A = arith.index_cast %scan3A_48 : i32 to index
        %swap3A_59 = arith.constant 0 : index
        %swap3A_60 = tpu.vector_load %arg18[%swap3A, %swap3A_59] {strides = array<i32>} : memref<128x128xf32, #tpu.memory_space<vmem>>, vector<1x16xf32>,
        %swap3A_61 = vector.shape_cast %swap3A_60 : vector<1x16xf32> to vector<16xf32>
        %swap3A_62 = vector.shape_cast %mul3A_58 : vector<16xf32> to vector<1x16xf32>
        tpu.vector_store %arg18[%swap3A, %swap3A_59], %swap3A_62 {strides = array<i32>} : memref<128x128xf32, #tpu.memory_space<vmem>>, vector<1x16xf32>,
        %slice3A_63 = vector.extract_strided_slice %get3A_52 {offsets = [1], sizes = [1], strides = [1]} : vector<16xf32> to vector<1xf32>
        %squeeze3A_64 = vector.extract %slice3A_63[0] : f32 from vector<1xf32>
        %get3A_65 = arith.index_cast %scan3A_48 : i32 to index
        %get3A_66 = arith.constant 16 : index
        %get3A_67 = tpu.vector_load %arg18[%get3A_65, %get3A_66] {strides = array<i32>} : memref<128x128xf32, #tpu.memory_space<vmem>>, vector<1x16xf32>,
        %get3A_68 = vector.shape_cast %get3A_67 : vector<1x16xf32> to vector<16xf32>
        %mul3A_69 = vector.broadcast %squeeze3A_64 : f32 to vector<16xf32>
        %mul3A_70 = arith.mulf %get3A_68, %mul3A_69 : vector<16xf32>
        %swap3A_71 = arith.index_cast %scan3A_48 : i32 to index
        %swap3A_72 = arith.constant 16 : index
        %swap3A_73 = tpu.vector_load %arg18[%swap3A_71, %swap3A_72] {strides = array<i32>} : memref<128x128xf32, #tpu.memory_space<vmem>>, vector<1x16xf32>,
        %swap3A_74 = vector.shape_cast %swap3A_73 : vector<1x16xf32> to vector<16xf32>
        %swap3A_75 = vector.shape_cast %mul3A_70 : vector<16xf32> to vector<1x16xf32>
        tpu.vector_store %arg18[%swap3A_71, %swap3A_72], %swap3A_75 {strides = array<i32>} : memref<128x128xf32, #tpu.memory_space<vmem>>, vector<1x16xf32>,
        %slice3A_76 = vector.extract_strided_slice %get3A_52 {offsets = [2], sizes = [1], strides = [1]} : vector<16xf32> to vector<1xf32>
        %squeeze3A_77 = vector.extract %slice3A_76[0] : f32 from vector<1xf32>
        %get3A_78 = arith.index_cast %scan3A_48 : i32 to index
        %get3A_79 = arith.constant 32 : index
        %get3A_80 = tpu.vector_load %arg18[%get3A_78, %get3A_79] {strides = array<i32>} : memref<128x128xf32, #tpu.memory_space<vmem>>, vector<1x16xf32>,
        %get3A_81 = vector.shape_cast %get3A_80 : vector<1x16xf32> to vector<16xf32>
        %mul3A_82 = vector.broadcast %squeeze3A_77 : f32 to vector<16xf32>
        %mul3A_83 = arith.mulf %get3A_81, %mul3A_82 : vector<16xf32>
        %swap3A_84 = arith.index_cast %scan3A_48 : i32 to index
        %swap3A_85 = arith.constant 32 : index
        %swap3A_86 = tpu.vector_load %arg18[%swap3A_84, %swap3A_85] {strides = array<i32>} : memref<128x128xf32, #tpu.memory_space<vmem>>, vector<1x16xf32>,
        %swap3A_87 = vector.shape_cast %swap3A_86 : vector<1x16xf32> to vector<16xf32>
        %swap3A_88 = vector.shape_cast %mul3A_83 : vector<16xf32> to vector<1x16xf32>
        tpu.vector_store %arg18[%swap3A_84, %swap3A_85], %swap3A_88 {strides = array<i32>} : memref<128x128xf32, #tpu.memory_space<vmem>>, vector<1x16xf32>,
        %slice3A_89 = vector.extract_strided_slice %get3A_52 {offsets = [3], sizes = [1], strides = [1]} : vector<16xf32> to vector<1xf32>
        %squeeze3A_90 = vector.extract %slice3A_89[0] : f32 from vector<1xf32>
        %get3A_91 = arith.index_cast %scan3A_48 : i32 to index
        %get3A_92 = arith.constant 48 : index
        %get3A_93 = tpu.vector_load %arg18[%get3A_91, %get3A_92] {strides = array<i32>} : memref<128x128xf32, #tpu.memory_space<vmem>>, vector<1x16xf32>,
        %get3A_94 = vector.shape_cast %get3A_93 : vector<1x16xf32> to vector<16xf32>
        %mul3A_95 = vector.broadcast %squeeze3A_90 : f32 to vector<16xf32>
        %mul3A_96 = arith.mulf %get3A_94, %mul3A_95 : vector<16xf32>
        %swap3A_97 = arith.index_cast %scan3A_48 : i32 to index
        %swap3A_98 = arith.constant 48 : index
        %swap3A_99 = tpu.vector_load %arg18[%swap3A_97, %swap3A_98] {strides = array<i32>} : memref<128x128xf32, #tpu.memory_space<vmem>>, vector<1x16xf32>,
        %swap3A_100 = vector.shape_cast %swap3A_99 : vector<1x16xf32> to vector<16xf32>
        %swap3A_101 = vector.shape_cast %mul3A_96 : vector<16xf32> to vector<1x16xf32>
        tpu.vector_store %arg18[%swap3A_97, %swap3A_98], %swap3A_101 {strides = array<i32>} : memref<128x128xf32, #tpu.memory_space<vmem>>, vector<1x16xf32>,
        %slice3A_102 = vector.extract_strided_slice %get3A_52 {offsets = [4], sizes = [1], strides = [1]} : vector<16xf32> to vector<1xf32>
        %squeeze3A_103 = vector.extract %slice3A_102[0] : f32 from vector<1xf32>
        %get3A_104 = arith.index_cast %scan3A_48 : i32 to index
        %get3A_105 = arith.constant 64 : index
        %get3A_106 = tpu.vector_load %arg18[%get3A_104, %get3A_105] {strides = array<i32>} : memref<128x128xf32, #tpu.memory_space<vmem>>, vector<1x16xf32>,
        %get3A_107 = vector.shape_cast %get3A_106 : vector<1x16xf32> to vector<16xf32>
        %mul3A_108 = vector.broadcast %squeeze3A_103 : f32 to vector<16xf32>
        %mul3A_109 = arith.mulf %get3A_107, %mul3A_108 : vector<16xf32>
        %swap3A_110 = arith.index_cast %scan3A_48 : i32 to index
        %swap3A_111 = arith.constant 64 : index
        %swap3A_112 = tpu.vector_load %arg18[%swap3A_110, %swap3A_111] {strides = array<i32>} : memref<128x128xf32, #tpu.memory_space<vmem>>, vector<1x16xf32>,
        %swap3A_113 = vector.shape_cast %swap3A_112 : vector<1x16xf32> to vector<16xf32>
        %swap3A_114 = vector.shape_cast %mul3A_109 : vector<16xf32> to vector<1x16xf32>
        tpu.vector_store %arg18[%swap3A_110, %swap3A_111], %swap3A_114 {strides = array<i32>} : memref<128x128xf32, #tpu.memory_space<vmem>>, vector<1x16xf32>,
        %slice3A_115 = vector.extract_strided_slice %get3A_52 {offsets = [5], sizes = [1], strides = [1]} : vector<16xf32> to vector<1xf32>
        %squeeze3A_116 = vector.extract %slice3A_115[0] : f32 from vector<1xf32>
        %get3A_117 = arith.index_cast %scan3A_48 : i32 to index
        %get3A_118 = arith.constant 80 : index
        %get3A_119 = tpu.vector_load %arg18[%get3A_117, %get3A_118] {strides = array<i32>} : memref<128x128xf32, #tpu.memory_space<vmem>>, vector<1x16xf32>,
        %get3A_120 = vector.shape_cast %get3A_119 : vector<1x16xf32> to vector<16xf32>
        %mul3A_121 = vector.broadcast %squeeze3A_116 : f32 to vector<16xf32>
        %mul3A_122 = arith.mulf %get3A_120, %mul3A_121 : vector<16xf32>
        %swap3A_123 = arith.index_cast %scan3A_48 : i32 to index
        %swap3A_124 = arith.constant 80 : index
        %swap3A_125 = tpu.vector_load %arg18[%swap3A_123, %swap3A_124] {strides = array<i32>} : memref<128x128xf32, #tpu.memory_space<vmem>>, vector<1x16xf32>,
        %swap3A_126 = vector.shape_cast %swap3A_125 : vector<1x16xf32> to vector<16xf32>
        %swap3A_127 = vector.shape_cast %mul3A_122 : vector<16xf32> to vector<1x16xf32>
        tpu.vector_store %arg18[%swap3A_123, %swap3A_124], %swap3A_127 {strides = array<i32>} : memref<128x128xf32, #tpu.memory_space<vmem>>, vector<1x16xf32>,
        %slice3A_128 = vector.extract_strided_slice %get3A_52 {offsets = [6], sizes = [1], strides = [1]} : vector<16xf32> to vector<1xf32>
        %squeeze3A_129 = vector.extract %slice3A_128[0] : f32 from vector<1xf32>
        %get3A_130 = arith.index_cast %scan3A_48 : i32 to index
        %get3A_131 = arith.constant 96 : index
        %get3A_132 = tpu.vector_load %arg18[%get3A_130, %get3A_131] {strides = array<i32>} : memref<128x128xf32, #tpu.memory_space<vmem>>, vector<1x16xf32>,
        %get3A_133 = vector.shape_cast %get3A_132 : vector<1x16xf32> to vector<16xf32>
        %mul3A_134 = vector.broadcast %squeeze3A_129 : f32 to vector<16xf32>
        %mul3A_135 = arith.mulf %get3A_133, %mul3A_134 : vector<16xf32>
        %swap3A_136 = arith.index_cast %scan3A_48 : i32 to index
        %swap3A_137 = arith.constant 96 : index
        %swap3A_138 = tpu.vector_load %arg18[%swap3A_136, %swap3A_137] {strides = array<i32>} : memref<128x128xf32, #tpu.memory_space<vmem>>, vector<1x16xf32>,
        %swap3A_139 = vector.shape_cast %swap3A_138 : vector<1x16xf32> to vector<16xf32>
        %swap3A_140 = vector.shape_cast %mul3A_135 : vector<16xf32> to vector<1x16xf32>
        tpu.vector_store %arg18[%swap3A_136, %swap3A_137], %swap3A_140 {strides = array<i32>} : memref<128x128xf32, #tpu.memory_space<vmem>>, vector<1x16xf32>,
        %slice3A_141 = vector.extract_strided_slice %get3A_52 {offsets = [7], sizes = [1], strides = [1]} : vector<16xf32> to vector<1xf32>
        %squeeze3A_142 = vector.extract %slice3A_141[0] : f32 from vector<1xf32>
        %get3A_143 = arith.index_cast %scan3A_48 : i32 to index
        %get3A_144 = arith.constant 112 : index
        %get3A_145 = tpu.vector_load %arg18[%get3A_143, %get3A_144] {strides = array<i32>} : memref<128x128xf32, #tpu.memory_space<vmem>>, vector<1x16xf32>,
        %get3A_146 = vector.shape_cast %get3A_145 : vector<1x16xf32> to vector<16xf32>
        %mul3A_147 = vector.broadcast %squeeze3A_142 : f32 to vector<16xf32>
        %mul3A_148 = arith.mulf %get3A_146, %mul3A_147 : vector<16xf32>
        %swap3A_149 = arith.index_cast %scan3A_48 : i32 to index
        %swap3A_150 = arith.constant 112 : index
        %swap3A_151 = tpu.vector_load %arg18[%swap3A_149, %swap3A_150] {strides = array<i32>} : memref<128x128xf32, #tpu.memory_space<vmem>>, vector<1x16xf32>,
        %swap3A_152 = vector.shape_cast %swap3A_151 : vector<1x16xf32> to vector<16xf32>
        %swap3A_153 = vector.shape_cast %mul3A_148 : vector<16xf32> to vector<1x16xf32>
        tpu.vector_store %arg18[%swap3A_149, %swap3A_150], %swap3A_153 {strides = array<i32>} : memref<128x128xf32, #tpu.memory_space<vmem>>, vector<1x16xf32>,
        %scan3A_154 = arith.constant 0 : i32
        scf.yield %scan3A_154 : i32
      }
      %scan3A_46 = arith.constant 128 : i32
      "tpu.region"() ({
        %run_scoped3A = tpu.sem_alloc : memref<!tpu.dma_semaphore, #tpu.memory_space<semaphore_mem>>
        %dma_start3A_48 = arith.constant 0 : i32
        %dma_start3A_49 = arith.constant 0 : i32
        %dma_start3A_50 = tpu.memref_slice %arg12[%dma_start3A_48, %dma_start3A_49] : memref<10240x16xf32, #tpu.memory_space<vmem_shared>> -> memref<10240x16xf32, #tpu.memory_space<vmem_shared>>
        tpu.enqueue_indirect_dma source(%arg17 : memref<128x16xf32, #tpu.memory_space<vmem>>) target(%dma_start3A_50 : memref<10240x16xf32, #tpu.memory_space<vmem_shared>>) offsets(%arg14 : memref<128xi32, #tpu.memory_space<vmem>>) semaphore(%run_scoped3A : memref<!tpu.dma_semaphore, #tpu.memory_space<semaphore_mem>>) {add = true}
        %dma_wait3A_51 = arith.constant 0 : i32
        %dma_wait3A_52 = arith.constant 0 : i32
        %dma_wait3A_53 = tpu.memref_slice %arg12[%dma_wait3A_51, %dma_wait3A_52] : memref<10240x16xf32, #tpu.memory_space<vmem_shared>> -> memref<10240x16xf32, #tpu.memory_space<vmem_shared>>
        tpu.wait_indirect_dma semaphore(%run_scoped3A : memref<!tpu.dma_semaphore, #tpu.memory_space<semaphore_mem>>) src(%arg17 : memref<128x16xf32, #tpu.memory_space<vmem>>) dst(%dma_wait3A_53 : memref<10240x16xf32, #tpu.memory_space<vmem_shared>>)
        tpu.yield
      }) : () -> ()
      "tpu.region"() ({
        %run_scoped3A = tpu.sem_alloc : memref<!tpu.dma_semaphore, #tpu.memory_space<semaphore_mem>>
        %dma_start3A_48 = arith.constant 0 : i32
        %dma_start3A_49 = arith.constant 0 : i32
        %dma_start3A_50 = tpu.memref_slice %arg11[%dma_start3A_48, %dma_start3A_49] : memref<10240x128xf32, #tpu.memory_space<vmem_shared>> -> memref<10240x128xf32, #tpu.memory_space<vmem_shared>>
        tpu.enqueue_indirect_dma source(%arg18 : memref<128x128xf32, #tpu.memory_space<vmem>>) target(%dma_start3A_50 : memref<10240x128xf32, #tpu.memory_space<vmem_shared>>) offsets(%arg14 : memref<128xi32, #tpu.memory_space<vmem>>) semaphore(%run_scoped3A : memref<!tpu.dma_semaphore, #tpu.memory_space<semaphore_mem>>) {add = true}
        %dma_wait3A_51 = arith.constant 0 : i32
        %dma_wait3A_52 = arith.constant 0 : i32
        %dma_wait3A_53 = tpu.memref_slice %arg11[%dma_wait3A_51, %dma_wait3A_52] : memref<10240x128xf32, #tpu.memory_space<vmem_shared>> -> memref<10240x128xf32, #tpu.memory_space<vmem_shared>>
        tpu.wait_indirect_dma semaphore(%run_scoped3A : memref<!tpu.dma_semaphore, #tpu.memory_space<semaphore_mem>>) src(%arg18 : memref<128x128xf32, #tpu.memory_space<vmem>>) dst(%dma_wait3A_53 : memref<10240x128xf32, #tpu.memory_space<vmem_shared>>)
        tpu.yield
      }) : () -> ()
      %scan3A_47 = arith.constant 0 : i32
      scf.yield %scan3A_47 : i32
    }
    %scan3A_10 = arith.constant 82 : i32
    %barrier3A_11 = arith.constant 0 : index
    tpu.barrier barrier_id(%barrier3A_11)
    "tpu.region"() ({
      %run_scoped3A = tpu.sem_alloc : memref<!tpu.dma_semaphore, #tpu.memory_space<semaphore_mem>>
      %dma_start3A = arith.constant 0 : i32
      %dma_start3A_12 = tpu.memref_slice %arg9[%arg0, %mul3A_2, %dma_start3A] : memref<2x10240x128xf32, #tpu.memory_space<hbm>> -> memref<1x640x128xf32, #tpu.memory_space<hbm>>
      %dma_start3A_13 = tpu.memref_squeeze %dma_start3A_12 : memref<1x640x128xf32, #tpu.memory_space<hbm>> -> memref<640x128xf32, #tpu.memory_space<hbm>>
      %dma_start3A_14 = arith.constant 0 : i32
      %dma_start3A_15 = tpu.memref_slice %arg11[%mul3A_2, %dma_start3A_14] : memref<10240x128xf32, #tpu.memory_space<vmem_shared>> -> memref<640x128xf32, #tpu.memory_space<vmem_shared>>
      tpu.enqueue_dma source(%dma_start3A_15 : memref<640x128xf32, #tpu.memory_space<vmem_shared>>) target(%dma_start3A_13 : memref<640x128xf32, #tpu.memory_space<hbm>>) target_semaphore(%run_scoped3A : memref<!tpu.dma_semaphore, #tpu.memory_space<semaphore_mem>>)
      %dma_wait3A = arith.constant 0 : i32
      %dma_wait3A_16 = tpu.memref_slice %arg9[%arg0, %mul3A_2, %dma_wait3A] : memref<2x10240x128xf32, #tpu.memory_space<hbm>> -> memref<1x640x128xf32, #tpu.memory_space<hbm>>
      %dma_wait3A_17 = tpu.memref_squeeze %dma_wait3A_16 : memref<1x640x128xf32, #tpu.memory_space<hbm>> -> memref<640x128xf32, #tpu.memory_space<hbm>>
      %dma_wait3A_18 = arith.constant 0 : i32
      %dma_wait3A_19 = tpu.memref_slice %arg11[%mul3A_2, %dma_wait3A_18] : memref<10240x128xf32, #tpu.memory_space<vmem_shared>> -> memref<640x128xf32, #tpu.memory_space<vmem_shared>>
      tpu.wait_dma2 semaphore(%run_scoped3A : memref<!tpu.dma_semaphore, #tpu.memory_space<semaphore_mem>>) src(%dma_wait3A_19 : memref<640x128xf32, #tpu.memory_space<vmem_shared>>) dst(%dma_wait3A_17 : memref<640x128xf32, #tpu.memory_space<hbm>>)
      tpu.yield
    }) : () -> ()
    "tpu.region"() ({
      %run_scoped3A = tpu.sem_alloc : memref<!tpu.dma_semaphore, #tpu.memory_space<semaphore_mem>>
      %dma_start3A = arith.constant 0 : i32
      %dma_start3A_12 = tpu.memref_slice %arg10[%arg0, %mul3A_2, %dma_start3A] : memref<2x10240x16xf32, #tpu.memory_space<hbm>> -> memref<1x640x16xf32, #tpu.memory_space<hbm>>
      %dma_start3A_13 = tpu.memref_squeeze %dma_start3A_12 : memref<1x640x16xf32, #tpu.memory_space<hbm>> -> memref<640x16xf32, #tpu.memory_space<hbm>>
      %dma_start3A_14 = arith.constant 0 : i32
      %dma_start3A_15 = tpu.memref_slice %arg12[%mul3A_2, %dma_start3A_14] : memref<10240x16xf32, #tpu.memory_space<vmem_shared>> -> memref<640x16xf32, #tpu.memory_space<vmem_shared>>
      tpu.enqueue_dma source(%dma_start3A_15 : memref<640x16xf32, #tpu.memory_space<vmem_shared>>) target(%dma_start3A_13 : memref<640x16xf32, #tpu.memory_space<hbm>>) target_semaphore(%run_scoped3A : memref<!tpu.dma_semaphore, #tpu.memory_space<semaphore_mem>>)
      %dma_wait3A = arith.constant 0 : i32
      %dma_wait3A_16 = tpu.memref_slice %arg10[%arg0, %mul3A_2, %dma_wait3A] : memref<2x10240x16xf32, #tpu.memory_space<hbm>> -> memref<1x640x16xf32, #tpu.memory_space<hbm>>
      %dma_wait3A_17 = tpu.memref_squeeze %dma_wait3A_16 : memref<1x640x16xf32, #tpu.memory_space<hbm>> -> memref<640x16xf32, #tpu.memory_space<hbm>>
      %dma_wait3A_18 = arith.constant 0 : i32
      %dma_wait3A_19 = tpu.memref_slice %arg12[%mul3A_2, %dma_wait3A_18] : memref<10240x16xf32, #tpu.memory_space<vmem_shared>> -> memref<640x16xf32, #tpu.memory_space<vmem_shared>>
      tpu.wait_dma2 semaphore(%run_scoped3A : memref<!tpu.dma_semaphore, #tpu.memory_space<semaphore_mem>>) src(%dma_wait3A_19 : memref<640x16xf32, #tpu.memory_space<vmem_shared>>) dst(%dma_wait3A_17 : memref<640x16xf32, #tpu.memory_space<hbm>>)
      tpu.yield
    }) : () -> ()
    return
  }
}

#map = affine_map<(d0, d1) -> (0, 0)>
#map1 = affine_map<(d0, d1) -> (0)>
#map2 = affine_map<(d0, d1) -> (0, 0, 0)>
module attributes {stable_mosaic.version = 14 : i64} {
  func.func @agg(%arg0: i32, %arg1: i32, %arg2: memref<10240x32xf32, #tpu.memory_space<hbm>>, %arg3: memref<10240x16xf32, #tpu.memory_space<hbm>>, %arg4: memref<10240x16xf32, #tpu.memory_space<hbm>>, %arg5: memref<335872xi32, #tpu.memory_space<hbm>>, %arg6: memref<335872xi32, #tpu.memory_space<hbm>>, %arg7: memref<640x32xf32, #tpu.memory_space<hbm>>, %arg8: memref<640x16xf32, #tpu.memory_space<hbm>>, %arg9: memref<2x10240x32xf32, #tpu.memory_space<hbm>>, %arg10: memref<2x10240x16xf32, #tpu.memory_space<hbm>>, %arg11: memref<10240x32xf32, #tpu.memory_space<vmem_shared>>, %arg12: memref<10240x16xf32, #tpu.memory_space<vmem_shared>>, %arg13: memref<256xi32, #tpu.memory_space<vmem>>, %arg14: memref<256xi32, #tpu.memory_space<vmem>>, %arg15: memref<256x16xf32, #tpu.memory_space<vmem>>, %arg16: memref<256x16xf32, #tpu.memory_space<vmem>>, %arg17: memref<256x16xf32, #tpu.memory_space<vmem>>, %arg18: memref<256x32xf32, #tpu.memory_space<vmem>>, %arg19: memref<!tpu.dma_semaphore, #tpu.memory_space<semaphore_mem>>, %arg20: memref<!tpu.dma_semaphore, #tpu.memory_space<semaphore_mem>>) attributes {dimension_semantics = [#tpu.dimension_semantics<core_parallel>, #tpu.dimension_semantics<subcore_parallel>], iteration_bounds = array<i64: 2, 16>, scalar_prefetch = 0 : i64, scratch_operands = 10 : i64, tpu.core_type = #tpu.core_type<sc_vector_subcore>, window_params = [{transform_indices = #map}, {transform_indices = #map}, {transform_indices = #map}, {transform_indices = #map1}, {transform_indices = #map1}, {transform_indices = #map}, {transform_indices = #map}, {transform_indices = #map2}, {transform_indices = #map2}]} {
    %mul3A = arith.constant 2 : i32
    %mul3A_0 = arith.muli %arg1, %mul3A : i32
    %add3A = arith.addi %mul3A_0, %arg0 : i32
    %mul3A_1 = arith.constant 640 : i32
    %mul3A_2 = arith.muli %arg1, %mul3A_1 : i32
    "tpu.region"() ({
      %run_scoped3A = tpu.sem_alloc : memref<!tpu.dma_semaphore, #tpu.memory_space<semaphore_mem>>
      %dma_start3A = arith.constant 0 : i32
      %dma_start3A_12 = tpu.memref_slice %arg11[%mul3A_2, %dma_start3A] : memref<10240x32xf32, #tpu.memory_space<vmem_shared>> -> memref<640x32xf32, #tpu.memory_space<vmem_shared>>
      tpu.enqueue_dma source(%arg7 : memref<640x32xf32, #tpu.memory_space<hbm>>) target(%dma_start3A_12 : memref<640x32xf32, #tpu.memory_space<vmem_shared>>) target_semaphore(%run_scoped3A : memref<!tpu.dma_semaphore, #tpu.memory_space<semaphore_mem>>)
      %dma_wait3A = arith.constant 0 : i32
      %dma_wait3A_13 = tpu.memref_slice %arg11[%mul3A_2, %dma_wait3A] : memref<10240x32xf32, #tpu.memory_space<vmem_shared>> -> memref<640x32xf32, #tpu.memory_space<vmem_shared>>
      tpu.wait_dma2 semaphore(%run_scoped3A : memref<!tpu.dma_semaphore, #tpu.memory_space<semaphore_mem>>) src(%arg7 : memref<640x32xf32, #tpu.memory_space<hbm>>) dst(%dma_wait3A_13 : memref<640x32xf32, #tpu.memory_space<vmem_shared>>)
      tpu.yield
    }) : () -> ()
    "tpu.region"() ({
      %run_scoped3A = tpu.sem_alloc : memref<!tpu.dma_semaphore, #tpu.memory_space<semaphore_mem>>
      %dma_start3A = arith.constant 0 : i32
      %dma_start3A_12 = tpu.memref_slice %arg12[%mul3A_2, %dma_start3A] : memref<10240x16xf32, #tpu.memory_space<vmem_shared>> -> memref<640x16xf32, #tpu.memory_space<vmem_shared>>
      tpu.enqueue_dma source(%arg8 : memref<640x16xf32, #tpu.memory_space<hbm>>) target(%dma_start3A_12 : memref<640x16xf32, #tpu.memory_space<vmem_shared>>) target_semaphore(%run_scoped3A : memref<!tpu.dma_semaphore, #tpu.memory_space<semaphore_mem>>)
      %dma_wait3A = arith.constant 0 : i32
      %dma_wait3A_13 = tpu.memref_slice %arg12[%mul3A_2, %dma_wait3A] : memref<10240x16xf32, #tpu.memory_space<vmem_shared>> -> memref<640x16xf32, #tpu.memory_space<vmem_shared>>
      tpu.wait_dma2 semaphore(%run_scoped3A : memref<!tpu.dma_semaphore, #tpu.memory_space<semaphore_mem>>) src(%arg8 : memref<640x16xf32, #tpu.memory_space<hbm>>) dst(%dma_wait3A_13 : memref<640x16xf32, #tpu.memory_space<vmem_shared>>)
      tpu.yield
    }) : () -> ()
    %barrier3A = arith.constant 0 : index
    tpu.barrier barrier_id(%barrier3A)
    %mul3A_3 = arith.constant 10496 : i32
    %mul3A_4 = arith.muli %add3A, %mul3A_3 : i32
    %scan3A = arith.constant 0 : i32
    %scan3A_5 = arith.constant 0 : i32
    %scan3A_6 = arith.constant 41 : i32
    %scan3A_7 = arith.addi %scan3A_5, %scan3A_6 : i32
    %scan3A_8 = arith.constant 1 : i32
    %scan3A_9 = scf.for %scan3A_12 = %scan3A_5 to %scan3A_7 step %scan3A_8 iter_args(%scan3A_13 = %scan3A) -> (i32)  : i32 {
      %mul3A_14 = arith.constant 256 : i32
      %mul3A_15 = arith.muli %scan3A_12, %mul3A_14 : i32
      %add3A_16 = arith.addi %mul3A_4, %mul3A_15 : i32
      "tpu.region"() ({
        %run_scoped3A = tpu.sem_alloc : memref<!tpu.dma_semaphore, #tpu.memory_space<semaphore_mem>>
        %dma_start3A_48 = tpu.memref_slice %arg5[%add3A_16] : memref<335872xi32, #tpu.memory_space<hbm>> -> memref<256xi32, #tpu.memory_space<hbm>>
        %dma_start3A_49 = tpu.memref_slice %arg5[%add3A_16] : memref<335872xi32, #tpu.memory_space<hbm>> -> memref<256xi32, #tpu.memory_space<hbm>>
        tpu.enqueue_dma source(%dma_start3A_49 : memref<256xi32, #tpu.memory_space<hbm>>) target(%arg13 : memref<256xi32, #tpu.memory_space<vmem>>) target_semaphore(%run_scoped3A : memref<!tpu.dma_semaphore, #tpu.memory_space<semaphore_mem>>)
        %dma_wait3A_50 = tpu.memref_slice %arg5[%add3A_16] : memref<335872xi32, #tpu.memory_space<hbm>> -> memref<256xi32, #tpu.memory_space<hbm>>
        %dma_wait3A_51 = tpu.memref_slice %arg5[%add3A_16] : memref<335872xi32, #tpu.memory_space<hbm>> -> memref<256xi32, #tpu.memory_space<hbm>>
        tpu.wait_dma2 semaphore(%run_scoped3A : memref<!tpu.dma_semaphore, #tpu.memory_space<semaphore_mem>>) src(%dma_wait3A_51 : memref<256xi32, #tpu.memory_space<hbm>>) dst(%arg13 : memref<256xi32, #tpu.memory_space<vmem>>)
        tpu.yield
      }) : () -> ()
      "tpu.region"() ({
        %run_scoped3A = tpu.sem_alloc : memref<!tpu.dma_semaphore, #tpu.memory_space<semaphore_mem>>
        %dma_start3A_48 = tpu.memref_slice %arg6[%add3A_16] : memref<335872xi32, #tpu.memory_space<hbm>> -> memref<256xi32, #tpu.memory_space<hbm>>
        %dma_start3A_49 = tpu.memref_slice %arg6[%add3A_16] : memref<335872xi32, #tpu.memory_space<hbm>> -> memref<256xi32, #tpu.memory_space<hbm>>
        tpu.enqueue_dma source(%dma_start3A_49 : memref<256xi32, #tpu.memory_space<hbm>>) target(%arg14 : memref<256xi32, #tpu.memory_space<vmem>>) target_semaphore(%run_scoped3A : memref<!tpu.dma_semaphore, #tpu.memory_space<semaphore_mem>>)
        %dma_wait3A_50 = tpu.memref_slice %arg6[%add3A_16] : memref<335872xi32, #tpu.memory_space<hbm>> -> memref<256xi32, #tpu.memory_space<hbm>>
        %dma_wait3A_51 = tpu.memref_slice %arg6[%add3A_16] : memref<335872xi32, #tpu.memory_space<hbm>> -> memref<256xi32, #tpu.memory_space<hbm>>
        tpu.wait_dma2 semaphore(%run_scoped3A : memref<!tpu.dma_semaphore, #tpu.memory_space<semaphore_mem>>) src(%dma_wait3A_51 : memref<256xi32, #tpu.memory_space<hbm>>) dst(%arg14 : memref<256xi32, #tpu.memory_space<vmem>>)
        tpu.yield
      }) : () -> ()
      %dma_start3A = arith.constant 0 : i32
      %dma_start3A_17 = arith.constant 0 : i32
      %dma_start3A_18 = tpu.memref_slice %arg2[%dma_start3A, %dma_start3A_17] : memref<10240x32xf32, #tpu.memory_space<hbm>> -> memref<10240x32xf32, #tpu.memory_space<hbm>>
      tpu.enqueue_indirect_dma source(%dma_start3A_18 : memref<10240x32xf32, #tpu.memory_space<hbm>>) target(%arg18 : memref<256x32xf32, #tpu.memory_space<vmem>>) offsets(%arg13 : memref<256xi32, #tpu.memory_space<vmem>>) semaphore(%arg20 : memref<!tpu.dma_semaphore, #tpu.memory_space<semaphore_mem>>)
      %dma_start3A_19 = arith.constant 0 : i32
      %dma_start3A_20 = arith.constant 0 : i32
      %dma_start3A_21 = tpu.memref_slice %arg3[%dma_start3A_19, %dma_start3A_20] : memref<10240x16xf32, #tpu.memory_space<hbm>> -> memref<10240x16xf32, #tpu.memory_space<hbm>>
      tpu.enqueue_indirect_dma source(%dma_start3A_21 : memref<10240x16xf32, #tpu.memory_space<hbm>>) target(%arg15 : memref<256x16xf32, #tpu.memory_space<vmem>>) offsets(%arg13 : memref<256xi32, #tpu.memory_space<vmem>>) semaphore(%arg19 : memref<!tpu.dma_semaphore, #tpu.memory_space<semaphore_mem>>)
      %dma_start3A_22 = arith.constant 0 : i32
      %dma_start3A_23 = arith.constant 0 : i32
      %dma_start3A_24 = tpu.memref_slice %arg4[%dma_start3A_22, %dma_start3A_23] : memref<10240x16xf32, #tpu.memory_space<hbm>> -> memref<10240x16xf32, #tpu.memory_space<hbm>>
      tpu.enqueue_indirect_dma source(%dma_start3A_24 : memref<10240x16xf32, #tpu.memory_space<hbm>>) target(%arg16 : memref<256x16xf32, #tpu.memory_space<vmem>>) offsets(%arg14 : memref<256xi32, #tpu.memory_space<vmem>>) semaphore(%arg19 : memref<!tpu.dma_semaphore, #tpu.memory_space<semaphore_mem>>)
      %dma_wait3A = arith.constant 0 : i32
      %dma_wait3A_25 = arith.constant 0 : i32
      %dma_wait3A_26 = tpu.memref_slice %arg3[%dma_wait3A, %dma_wait3A_25] : memref<10240x16xf32, #tpu.memory_space<hbm>> -> memref<10240x16xf32, #tpu.memory_space<hbm>>
      tpu.wait_indirect_dma semaphore(%arg19 : memref<!tpu.dma_semaphore, #tpu.memory_space<semaphore_mem>>) src(%dma_wait3A_26 : memref<10240x16xf32, #tpu.memory_space<hbm>>) dst(%arg15 : memref<256x16xf32, #tpu.memory_space<vmem>>)
      %dma_wait3A_27 = arith.constant 0 : i32
      %dma_wait3A_28 = arith.constant 0 : i32
      %dma_wait3A_29 = tpu.memref_slice %arg4[%dma_wait3A_27, %dma_wait3A_28] : memref<10240x16xf32, #tpu.memory_space<hbm>> -> memref<10240x16xf32, #tpu.memory_space<hbm>>
      tpu.wait_indirect_dma semaphore(%arg19 : memref<!tpu.dma_semaphore, #tpu.memory_space<semaphore_mem>>) src(%dma_wait3A_29 : memref<10240x16xf32, #tpu.memory_space<hbm>>) dst(%arg16 : memref<256x16xf32, #tpu.memory_space<vmem>>)
      %scan3A_30 = arith.constant 0 : i32
      %scan3A_31 = arith.constant 0 : i32
      %scan3A_32 = arith.constant 256 : i32
      %scan3A_33 = arith.addi %scan3A_31, %scan3A_32 : i32
      %scan3A_34 = arith.constant 1 : i32
      %scan3A_35 = scf.for %scan3A_48 = %scan3A_31 to %scan3A_33 step %scan3A_34 iter_args(%scan3A_49 = %scan3A_30) -> (i32)  : i32 {
        %get3A = arith.index_cast %scan3A_48 : i32 to index
        %get3A_50 = arith.constant 0 : index
        %get3A_51 = tpu.vector_load %arg15[%get3A, %get3A_50] {strides = array<i32>} : memref<256x16xf32, #tpu.memory_space<vmem>>, vector<1x16xf32>,
        %get3A_52 = vector.shape_cast %get3A_51 : vector<1x16xf32> to vector<16xf32>
        %get3A_53 = arith.index_cast %scan3A_48 : i32 to index
        %get3A_54 = arith.constant 0 : index
        %get3A_55 = tpu.vector_load %arg16[%get3A_53, %get3A_54] {strides = array<i32>} : memref<256x16xf32, #tpu.memory_space<vmem>>, vector<1x16xf32>,
        %get3A_56 = vector.shape_cast %get3A_55 : vector<1x16xf32> to vector<16xf32>
        %add3A_57 = arith.addf %get3A_52, %get3A_56 : vector<16xf32>
        %gt3A = arith.constant 0.000000e+00 : f32
        %gt3A_58 = vector.broadcast %gt3A : f32 to vector<16xf32>
        %gt3A_59 = arith.cmpf ogt, %add3A_57, %gt3A_58 : vector<16xf32>
        %mul3A_60 = arith.constant 2.000000e-01 : f32
        %mul3A_61 = vector.broadcast %mul3A_60 : f32 to vector<16xf32>
        %mul3A_62 = arith.mulf %add3A_57, %mul3A_61 : vector<16xf32>
        %select_n3A = arith.select %gt3A_59, %add3A_57, %mul3A_62 : vector<16xi1>, vector<16xf32>
        %exp3A = math.exp %select_n3A : vector<16xf32>
        %swap3A = arith.index_cast %scan3A_48 : i32 to index
        %swap3A_63 = arith.constant 0 : index
        %swap3A_64 = tpu.vector_load %arg17[%swap3A, %swap3A_63] {strides = array<i32>} : memref<256x16xf32, #tpu.memory_space<vmem>>, vector<1x16xf32>,
        %swap3A_65 = vector.shape_cast %swap3A_64 : vector<1x16xf32> to vector<16xf32>
        %swap3A_66 = vector.shape_cast %exp3A : vector<16xf32> to vector<1x16xf32>
        tpu.vector_store %arg17[%swap3A, %swap3A_63], %swap3A_66 {strides = array<i32>} : memref<256x16xf32, #tpu.memory_space<vmem>>, vector<1x16xf32>,
        %scan3A_67 = arith.constant 0 : i32
        scf.yield %scan3A_67 : i32
      }
      %scan3A_36 = arith.constant 256 : i32
      %dma_wait3A_37 = arith.constant 0 : i32
      %dma_wait3A_38 = arith.constant 0 : i32
      %dma_wait3A_39 = tpu.memref_slice %arg2[%dma_wait3A_37, %dma_wait3A_38] : memref<10240x32xf32, #tpu.memory_space<hbm>> -> memref<10240x32xf32, #tpu.memory_space<hbm>>
      tpu.wait_indirect_dma semaphore(%arg20 : memref<!tpu.dma_semaphore, #tpu.memory_space<semaphore_mem>>) src(%dma_wait3A_39 : memref<10240x32xf32, #tpu.memory_space<hbm>>) dst(%arg18 : memref<256x32xf32, #tpu.memory_space<vmem>>)
      %scan3A_40 = arith.constant 0 : i32
      %scan3A_41 = arith.constant 0 : i32
      %scan3A_42 = arith.constant 256 : i32
      %scan3A_43 = arith.addi %scan3A_41, %scan3A_42 : i32
      %scan3A_44 = arith.constant 1 : i32
      %scan3A_45 = scf.for %scan3A_48 = %scan3A_41 to %scan3A_43 step %scan3A_44 iter_args(%scan3A_49 = %scan3A_40) -> (i32)  : i32 {
        %get3A = arith.index_cast %scan3A_48 : i32 to index
        %get3A_50 = arith.constant 0 : index
        %get3A_51 = tpu.vector_load %arg17[%get3A, %get3A_50] {strides = array<i32>} : memref<256x16xf32, #tpu.memory_space<vmem>>, vector<1x16xf32>,
        %get3A_52 = vector.shape_cast %get3A_51 : vector<1x16xf32> to vector<16xf32>
        %slice3A = vector.extract_strided_slice %get3A_52 {offsets = [0], sizes = [1], strides = [1]} : vector<16xf32> to vector<1xf32>
        %squeeze3A = vector.extract %slice3A[0] : f32 from vector<1xf32>
        %get3A_53 = arith.index_cast %scan3A_48 : i32 to index
        %get3A_54 = arith.constant 0 : index
        %get3A_55 = tpu.vector_load %arg18[%get3A_53, %get3A_54] {strides = array<i32>} : memref<256x32xf32, #tpu.memory_space<vmem>>, vector<1x16xf32>,
        %get3A_56 = vector.shape_cast %get3A_55 : vector<1x16xf32> to vector<16xf32>
        %mul3A_57 = vector.broadcast %squeeze3A : f32 to vector<16xf32>
        %mul3A_58 = arith.mulf %get3A_56, %mul3A_57 : vector<16xf32>
        %swap3A = arith.index_cast %scan3A_48 : i32 to index
        %swap3A_59 = arith.constant 0 : index
        %swap3A_60 = tpu.vector_load %arg18[%swap3A, %swap3A_59] {strides = array<i32>} : memref<256x32xf32, #tpu.memory_space<vmem>>, vector<1x16xf32>,
        %swap3A_61 = vector.shape_cast %swap3A_60 : vector<1x16xf32> to vector<16xf32>
        %swap3A_62 = vector.shape_cast %mul3A_58 : vector<16xf32> to vector<1x16xf32>
        tpu.vector_store %arg18[%swap3A, %swap3A_59], %swap3A_62 {strides = array<i32>} : memref<256x32xf32, #tpu.memory_space<vmem>>, vector<1x16xf32>,
        %slice3A_63 = vector.extract_strided_slice %get3A_52 {offsets = [0], sizes = [1], strides = [1]} : vector<16xf32> to vector<1xf32>
        %squeeze3A_64 = vector.extract %slice3A_63[0] : f32 from vector<1xf32>
        %get3A_65 = arith.index_cast %scan3A_48 : i32 to index
        %get3A_66 = arith.constant 16 : index
        %get3A_67 = tpu.vector_load %arg18[%get3A_65, %get3A_66] {strides = array<i32>} : memref<256x32xf32, #tpu.memory_space<vmem>>, vector<1x16xf32>,
        %get3A_68 = vector.shape_cast %get3A_67 : vector<1x16xf32> to vector<16xf32>
        %mul3A_69 = vector.broadcast %squeeze3A_64 : f32 to vector<16xf32>
        %mul3A_70 = arith.mulf %get3A_68, %mul3A_69 : vector<16xf32>
        %swap3A_71 = arith.index_cast %scan3A_48 : i32 to index
        %swap3A_72 = arith.constant 16 : index
        %swap3A_73 = tpu.vector_load %arg18[%swap3A_71, %swap3A_72] {strides = array<i32>} : memref<256x32xf32, #tpu.memory_space<vmem>>, vector<1x16xf32>,
        %swap3A_74 = vector.shape_cast %swap3A_73 : vector<1x16xf32> to vector<16xf32>
        %swap3A_75 = vector.shape_cast %mul3A_70 : vector<16xf32> to vector<1x16xf32>
        tpu.vector_store %arg18[%swap3A_71, %swap3A_72], %swap3A_75 {strides = array<i32>} : memref<256x32xf32, #tpu.memory_space<vmem>>, vector<1x16xf32>,
        %scan3A_76 = arith.constant 0 : i32
        scf.yield %scan3A_76 : i32
      }
      %scan3A_46 = arith.constant 256 : i32
      "tpu.region"() ({
        %run_scoped3A = tpu.sem_alloc : memref<!tpu.dma_semaphore, #tpu.memory_space<semaphore_mem>>
        %dma_start3A_48 = arith.constant 0 : i32
        %dma_start3A_49 = arith.constant 0 : i32
        %dma_start3A_50 = tpu.memref_slice %arg12[%dma_start3A_48, %dma_start3A_49] : memref<10240x16xf32, #tpu.memory_space<vmem_shared>> -> memref<10240x16xf32, #tpu.memory_space<vmem_shared>>
        tpu.enqueue_indirect_dma source(%arg17 : memref<256x16xf32, #tpu.memory_space<vmem>>) target(%dma_start3A_50 : memref<10240x16xf32, #tpu.memory_space<vmem_shared>>) offsets(%arg14 : memref<256xi32, #tpu.memory_space<vmem>>) semaphore(%run_scoped3A : memref<!tpu.dma_semaphore, #tpu.memory_space<semaphore_mem>>) {add = true}
        %dma_wait3A_51 = arith.constant 0 : i32
        %dma_wait3A_52 = arith.constant 0 : i32
        %dma_wait3A_53 = tpu.memref_slice %arg12[%dma_wait3A_51, %dma_wait3A_52] : memref<10240x16xf32, #tpu.memory_space<vmem_shared>> -> memref<10240x16xf32, #tpu.memory_space<vmem_shared>>
        tpu.wait_indirect_dma semaphore(%run_scoped3A : memref<!tpu.dma_semaphore, #tpu.memory_space<semaphore_mem>>) src(%arg17 : memref<256x16xf32, #tpu.memory_space<vmem>>) dst(%dma_wait3A_53 : memref<10240x16xf32, #tpu.memory_space<vmem_shared>>)
        tpu.yield
      }) : () -> ()
      "tpu.region"() ({
        %run_scoped3A = tpu.sem_alloc : memref<!tpu.dma_semaphore, #tpu.memory_space<semaphore_mem>>
        %dma_start3A_48 = arith.constant 0 : i32
        %dma_start3A_49 = arith.constant 0 : i32
        %dma_start3A_50 = tpu.memref_slice %arg11[%dma_start3A_48, %dma_start3A_49] : memref<10240x32xf32, #tpu.memory_space<vmem_shared>> -> memref<10240x32xf32, #tpu.memory_space<vmem_shared>>
        tpu.enqueue_indirect_dma source(%arg18 : memref<256x32xf32, #tpu.memory_space<vmem>>) target(%dma_start3A_50 : memref<10240x32xf32, #tpu.memory_space<vmem_shared>>) offsets(%arg14 : memref<256xi32, #tpu.memory_space<vmem>>) semaphore(%run_scoped3A : memref<!tpu.dma_semaphore, #tpu.memory_space<semaphore_mem>>) {add = true}
        %dma_wait3A_51 = arith.constant 0 : i32
        %dma_wait3A_52 = arith.constant 0 : i32
        %dma_wait3A_53 = tpu.memref_slice %arg11[%dma_wait3A_51, %dma_wait3A_52] : memref<10240x32xf32, #tpu.memory_space<vmem_shared>> -> memref<10240x32xf32, #tpu.memory_space<vmem_shared>>
        tpu.wait_indirect_dma semaphore(%run_scoped3A : memref<!tpu.dma_semaphore, #tpu.memory_space<semaphore_mem>>) src(%arg18 : memref<256x32xf32, #tpu.memory_space<vmem>>) dst(%dma_wait3A_53 : memref<10240x32xf32, #tpu.memory_space<vmem_shared>>)
        tpu.yield
      }) : () -> ()
      %scan3A_47 = arith.constant 0 : i32
      scf.yield %scan3A_47 : i32
    }
    %scan3A_10 = arith.constant 41 : i32
    %barrier3A_11 = arith.constant 0 : index
    tpu.barrier barrier_id(%barrier3A_11)
    "tpu.region"() ({
      %run_scoped3A = tpu.sem_alloc : memref<!tpu.dma_semaphore, #tpu.memory_space<semaphore_mem>>
      %dma_start3A = arith.constant 0 : i32
      %dma_start3A_12 = tpu.memref_slice %arg9[%arg0, %mul3A_2, %dma_start3A] : memref<2x10240x32xf32, #tpu.memory_space<hbm>> -> memref<1x640x32xf32, #tpu.memory_space<hbm>>
      %dma_start3A_13 = tpu.memref_squeeze %dma_start3A_12 : memref<1x640x32xf32, #tpu.memory_space<hbm>> -> memref<640x32xf32, #tpu.memory_space<hbm>>
      %dma_start3A_14 = arith.constant 0 : i32
      %dma_start3A_15 = tpu.memref_slice %arg11[%mul3A_2, %dma_start3A_14] : memref<10240x32xf32, #tpu.memory_space<vmem_shared>> -> memref<640x32xf32, #tpu.memory_space<vmem_shared>>
      tpu.enqueue_dma source(%dma_start3A_15 : memref<640x32xf32, #tpu.memory_space<vmem_shared>>) target(%dma_start3A_13 : memref<640x32xf32, #tpu.memory_space<hbm>>) target_semaphore(%run_scoped3A : memref<!tpu.dma_semaphore, #tpu.memory_space<semaphore_mem>>)
      %dma_wait3A = arith.constant 0 : i32
      %dma_wait3A_16 = tpu.memref_slice %arg9[%arg0, %mul3A_2, %dma_wait3A] : memref<2x10240x32xf32, #tpu.memory_space<hbm>> -> memref<1x640x32xf32, #tpu.memory_space<hbm>>
      %dma_wait3A_17 = tpu.memref_squeeze %dma_wait3A_16 : memref<1x640x32xf32, #tpu.memory_space<hbm>> -> memref<640x32xf32, #tpu.memory_space<hbm>>
      %dma_wait3A_18 = arith.constant 0 : i32
      %dma_wait3A_19 = tpu.memref_slice %arg11[%mul3A_2, %dma_wait3A_18] : memref<10240x32xf32, #tpu.memory_space<vmem_shared>> -> memref<640x32xf32, #tpu.memory_space<vmem_shared>>
      tpu.wait_dma2 semaphore(%run_scoped3A : memref<!tpu.dma_semaphore, #tpu.memory_space<semaphore_mem>>) src(%dma_wait3A_19 : memref<640x32xf32, #tpu.memory_space<vmem_shared>>) dst(%dma_wait3A_17 : memref<640x32xf32, #tpu.memory_space<hbm>>)
      tpu.yield
    }) : () -> ()
    "tpu.region"() ({
      %run_scoped3A = tpu.sem_alloc : memref<!tpu.dma_semaphore, #tpu.memory_space<semaphore_mem>>
      %dma_start3A = arith.constant 0 : i32
      %dma_start3A_12 = tpu.memref_slice %arg10[%arg0, %mul3A_2, %dma_start3A] : memref<2x10240x16xf32, #tpu.memory_space<hbm>> -> memref<1x640x16xf32, #tpu.memory_space<hbm>>
      %dma_start3A_13 = tpu.memref_squeeze %dma_start3A_12 : memref<1x640x16xf32, #tpu.memory_space<hbm>> -> memref<640x16xf32, #tpu.memory_space<hbm>>
      %dma_start3A_14 = arith.constant 0 : i32
      %dma_start3A_15 = tpu.memref_slice %arg12[%mul3A_2, %dma_start3A_14] : memref<10240x16xf32, #tpu.memory_space<vmem_shared>> -> memref<640x16xf32, #tpu.memory_space<vmem_shared>>
      tpu.enqueue_dma source(%dma_start3A_15 : memref<640x16xf32, #tpu.memory_space<vmem_shared>>) target(%dma_start3A_13 : memref<640x16xf32, #tpu.memory_space<hbm>>) target_semaphore(%run_scoped3A : memref<!tpu.dma_semaphore, #tpu.memory_space<semaphore_mem>>)
      %dma_wait3A = arith.constant 0 : i32
      %dma_wait3A_16 = tpu.memref_slice %arg10[%arg0, %mul3A_2, %dma_wait3A] : memref<2x10240x16xf32, #tpu.memory_space<hbm>> -> memref<1x640x16xf32, #tpu.memory_space<hbm>>
      %dma_wait3A_17 = tpu.memref_squeeze %dma_wait3A_16 : memref<1x640x16xf32, #tpu.memory_space<hbm>> -> memref<640x16xf32, #tpu.memory_space<hbm>>
      %dma_wait3A_18 = arith.constant 0 : i32
      %dma_wait3A_19 = tpu.memref_slice %arg12[%mul3A_2, %dma_wait3A_18] : memref<10240x16xf32, #tpu.memory_space<vmem_shared>> -> memref<640x16xf32, #tpu.memory_space<vmem_shared>>
      tpu.wait_dma2 semaphore(%run_scoped3A : memref<!tpu.dma_semaphore, #tpu.memory_space<semaphore_mem>>) src(%dma_wait3A_19 : memref<640x16xf32, #tpu.memory_space<vmem_shared>>) dst(%dma_wait3A_17 : memref<640x16xf32, #tpu.memory_space<hbm>>)
      tpu.yield
    }) : () -> ()
    return
  }
}

#map = affine_map<(d0, d1) -> (0, 0)>
#map1 = affine_map<(d0, d1) -> (0)>
#map2 = affine_map<(d0, d1) -> (0, 0, 0)>
module attributes {stable_mosaic.version = 14 : i64} {
  func.func @agg(%arg0: i32, %arg1: i32, %arg2: memref<10240x32xf32, #tpu.memory_space<hbm>>, %arg3: memref<10240x16xf32, #tpu.memory_space<hbm>>, %arg4: memref<10240x16xf32, #tpu.memory_space<hbm>>, %arg5: memref<335872xi32, #tpu.memory_space<hbm>>, %arg6: memref<335872xi32, #tpu.memory_space<hbm>>, %arg7: memref<640x32xf32, #tpu.memory_space<hbm>>, %arg8: memref<640x16xf32, #tpu.memory_space<hbm>>, %arg9: memref<2x10240x32xf32, #tpu.memory_space<hbm>>, %arg10: memref<2x10240x16xf32, #tpu.memory_space<hbm>>, %arg11: memref<10240x32xf32, #tpu.memory_space<vmem_shared>>, %arg12: memref<10240x16xf32, #tpu.memory_space<vmem_shared>>, %arg13: memref<256xi32, #tpu.memory_space<vmem>>, %arg14: memref<256xi32, #tpu.memory_space<vmem>>, %arg15: memref<256x16xf32, #tpu.memory_space<vmem>>, %arg16: memref<256x16xf32, #tpu.memory_space<vmem>>, %arg17: memref<256x16xf32, #tpu.memory_space<vmem>>, %arg18: memref<256x32xf32, #tpu.memory_space<vmem>>, %arg19: memref<!tpu.dma_semaphore, #tpu.memory_space<semaphore_mem>>, %arg20: memref<!tpu.dma_semaphore, #tpu.memory_space<semaphore_mem>>) attributes {dimension_semantics = [#tpu.dimension_semantics<core_parallel>, #tpu.dimension_semantics<subcore_parallel>], iteration_bounds = array<i64: 2, 16>, scalar_prefetch = 0 : i64, scratch_operands = 10 : i64, tpu.core_type = #tpu.core_type<sc_vector_subcore>, window_params = [{transform_indices = #map}, {transform_indices = #map}, {transform_indices = #map}, {transform_indices = #map1}, {transform_indices = #map1}, {transform_indices = #map}, {transform_indices = #map}, {transform_indices = #map2}, {transform_indices = #map2}]} {
    %mul3A = arith.constant 2 : i32
    %mul3A_0 = arith.muli %arg1, %mul3A : i32
    %add3A = arith.addi %mul3A_0, %arg0 : i32
    %mul3A_1 = arith.constant 640 : i32
    %mul3A_2 = arith.muli %arg1, %mul3A_1 : i32
    "tpu.region"() ({
      %run_scoped3A = tpu.sem_alloc : memref<!tpu.dma_semaphore, #tpu.memory_space<semaphore_mem>>
      %dma_start3A = arith.constant 0 : i32
      %dma_start3A_12 = tpu.memref_slice %arg11[%mul3A_2, %dma_start3A] : memref<10240x32xf32, #tpu.memory_space<vmem_shared>> -> memref<640x32xf32, #tpu.memory_space<vmem_shared>>
      tpu.enqueue_dma source(%arg7 : memref<640x32xf32, #tpu.memory_space<hbm>>) target(%dma_start3A_12 : memref<640x32xf32, #tpu.memory_space<vmem_shared>>) target_semaphore(%run_scoped3A : memref<!tpu.dma_semaphore, #tpu.memory_space<semaphore_mem>>)
      %dma_wait3A = arith.constant 0 : i32
      %dma_wait3A_13 = tpu.memref_slice %arg11[%mul3A_2, %dma_wait3A] : memref<10240x32xf32, #tpu.memory_space<vmem_shared>> -> memref<640x32xf32, #tpu.memory_space<vmem_shared>>
      tpu.wait_dma2 semaphore(%run_scoped3A : memref<!tpu.dma_semaphore, #tpu.memory_space<semaphore_mem>>) src(%arg7 : memref<640x32xf32, #tpu.memory_space<hbm>>) dst(%dma_wait3A_13 : memref<640x32xf32, #tpu.memory_space<vmem_shared>>)
      tpu.yield
    }) : () -> ()
    "tpu.region"() ({
      %run_scoped3A = tpu.sem_alloc : memref<!tpu.dma_semaphore, #tpu.memory_space<semaphore_mem>>
      %dma_start3A = arith.constant 0 : i32
      %dma_start3A_12 = tpu.memref_slice %arg12[%mul3A_2, %dma_start3A] : memref<10240x16xf32, #tpu.memory_space<vmem_shared>> -> memref<640x16xf32, #tpu.memory_space<vmem_shared>>
      tpu.enqueue_dma source(%arg8 : memref<640x16xf32, #tpu.memory_space<hbm>>) target(%dma_start3A_12 : memref<640x16xf32, #tpu.memory_space<vmem_shared>>) target_semaphore(%run_scoped3A : memref<!tpu.dma_semaphore, #tpu.memory_space<semaphore_mem>>)
      %dma_wait3A = arith.constant 0 : i32
      %dma_wait3A_13 = tpu.memref_slice %arg12[%mul3A_2, %dma_wait3A] : memref<10240x16xf32, #tpu.memory_space<vmem_shared>> -> memref<640x16xf32, #tpu.memory_space<vmem_shared>>
      tpu.wait_dma2 semaphore(%run_scoped3A : memref<!tpu.dma_semaphore, #tpu.memory_space<semaphore_mem>>) src(%arg8 : memref<640x16xf32, #tpu.memory_space<hbm>>) dst(%dma_wait3A_13 : memref<640x16xf32, #tpu.memory_space<vmem_shared>>)
      tpu.yield
    }) : () -> ()
    %barrier3A = arith.constant 0 : index
    tpu.barrier barrier_id(%barrier3A)
    %mul3A_3 = arith.constant 10496 : i32
    %mul3A_4 = arith.muli %add3A, %mul3A_3 : i32
    %scan3A = arith.constant 0 : i32
    %scan3A_5 = arith.constant 0 : i32
    %scan3A_6 = arith.constant 41 : i32
    %scan3A_7 = arith.addi %scan3A_5, %scan3A_6 : i32
    %scan3A_8 = arith.constant 1 : i32
    %scan3A_9 = scf.for %scan3A_12 = %scan3A_5 to %scan3A_7 step %scan3A_8 iter_args(%scan3A_13 = %scan3A) -> (i32)  : i32 {
      %mul3A_14 = arith.constant 256 : i32
      %mul3A_15 = arith.muli %scan3A_12, %mul3A_14 : i32
      %add3A_16 = arith.addi %mul3A_4, %mul3A_15 : i32
      "tpu.region"() ({
        %run_scoped3A = tpu.sem_alloc : memref<!tpu.dma_semaphore, #tpu.memory_space<semaphore_mem>>
        %dma_start3A_48 = tpu.memref_slice %arg5[%add3A_16] : memref<335872xi32, #tpu.memory_space<hbm>> -> memref<256xi32, #tpu.memory_space<hbm>>
        %dma_start3A_49 = tpu.memref_slice %arg5[%add3A_16] : memref<335872xi32, #tpu.memory_space<hbm>> -> memref<256xi32, #tpu.memory_space<hbm>>
        tpu.enqueue_dma source(%dma_start3A_49 : memref<256xi32, #tpu.memory_space<hbm>>) target(%arg13 : memref<256xi32, #tpu.memory_space<vmem>>) target_semaphore(%run_scoped3A : memref<!tpu.dma_semaphore, #tpu.memory_space<semaphore_mem>>)
        %dma_wait3A_50 = tpu.memref_slice %arg5[%add3A_16] : memref<335872xi32, #tpu.memory_space<hbm>> -> memref<256xi32, #tpu.memory_space<hbm>>
        %dma_wait3A_51 = tpu.memref_slice %arg5[%add3A_16] : memref<335872xi32, #tpu.memory_space<hbm>> -> memref<256xi32, #tpu.memory_space<hbm>>
        tpu.wait_dma2 semaphore(%run_scoped3A : memref<!tpu.dma_semaphore, #tpu.memory_space<semaphore_mem>>) src(%dma_wait3A_51 : memref<256xi32, #tpu.memory_space<hbm>>) dst(%arg13 : memref<256xi32, #tpu.memory_space<vmem>>)
        tpu.yield
      }) : () -> ()
      "tpu.region"() ({
        %run_scoped3A = tpu.sem_alloc : memref<!tpu.dma_semaphore, #tpu.memory_space<semaphore_mem>>
        %dma_start3A_48 = tpu.memref_slice %arg6[%add3A_16] : memref<335872xi32, #tpu.memory_space<hbm>> -> memref<256xi32, #tpu.memory_space<hbm>>
        %dma_start3A_49 = tpu.memref_slice %arg6[%add3A_16] : memref<335872xi32, #tpu.memory_space<hbm>> -> memref<256xi32, #tpu.memory_space<hbm>>
        tpu.enqueue_dma source(%dma_start3A_49 : memref<256xi32, #tpu.memory_space<hbm>>) target(%arg14 : memref<256xi32, #tpu.memory_space<vmem>>) target_semaphore(%run_scoped3A : memref<!tpu.dma_semaphore, #tpu.memory_space<semaphore_mem>>)
        %dma_wait3A_50 = tpu.memref_slice %arg6[%add3A_16] : memref<335872xi32, #tpu.memory_space<hbm>> -> memref<256xi32, #tpu.memory_space<hbm>>
        %dma_wait3A_51 = tpu.memref_slice %arg6[%add3A_16] : memref<335872xi32, #tpu.memory_space<hbm>> -> memref<256xi32, #tpu.memory_space<hbm>>
        tpu.wait_dma2 semaphore(%run_scoped3A : memref<!tpu.dma_semaphore, #tpu.memory_space<semaphore_mem>>) src(%dma_wait3A_51 : memref<256xi32, #tpu.memory_space<hbm>>) dst(%arg14 : memref<256xi32, #tpu.memory_space<vmem>>)
        tpu.yield
      }) : () -> ()
      %dma_start3A = arith.constant 0 : i32
      %dma_start3A_17 = arith.constant 0 : i32
      %dma_start3A_18 = tpu.memref_slice %arg2[%dma_start3A, %dma_start3A_17] : memref<10240x32xf32, #tpu.memory_space<hbm>> -> memref<10240x32xf32, #tpu.memory_space<hbm>>
      tpu.enqueue_indirect_dma source(%dma_start3A_18 : memref<10240x32xf32, #tpu.memory_space<hbm>>) target(%arg18 : memref<256x32xf32, #tpu.memory_space<vmem>>) offsets(%arg13 : memref<256xi32, #tpu.memory_space<vmem>>) semaphore(%arg20 : memref<!tpu.dma_semaphore, #tpu.memory_space<semaphore_mem>>)
      %dma_start3A_19 = arith.constant 0 : i32
      %dma_start3A_20 = arith.constant 0 : i32
      %dma_start3A_21 = tpu.memref_slice %arg3[%dma_start3A_19, %dma_start3A_20] : memref<10240x16xf32, #tpu.memory_space<hbm>> -> memref<10240x16xf32, #tpu.memory_space<hbm>>
      tpu.enqueue_indirect_dma source(%dma_start3A_21 : memref<10240x16xf32, #tpu.memory_space<hbm>>) target(%arg15 : memref<256x16xf32, #tpu.memory_space<vmem>>) offsets(%arg13 : memref<256xi32, #tpu.memory_space<vmem>>) semaphore(%arg19 : memref<!tpu.dma_semaphore, #tpu.memory_space<semaphore_mem>>)
      %dma_start3A_22 = arith.constant 0 : i32
      %dma_start3A_23 = arith.constant 0 : i32
      %dma_start3A_24 = tpu.memref_slice %arg4[%dma_start3A_22, %dma_start3A_23] : memref<10240x16xf32, #tpu.memory_space<hbm>> -> memref<10240x16xf32, #tpu.memory_space<hbm>>
      tpu.enqueue_indirect_dma source(%dma_start3A_24 : memref<10240x16xf32, #tpu.memory_space<hbm>>) target(%arg16 : memref<256x16xf32, #tpu.memory_space<vmem>>) offsets(%arg14 : memref<256xi32, #tpu.memory_space<vmem>>) semaphore(%arg19 : memref<!tpu.dma_semaphore, #tpu.memory_space<semaphore_mem>>)
      %dma_wait3A = arith.constant 0 : i32
      %dma_wait3A_25 = arith.constant 0 : i32
      %dma_wait3A_26 = tpu.memref_slice %arg3[%dma_wait3A, %dma_wait3A_25] : memref<10240x16xf32, #tpu.memory_space<hbm>> -> memref<10240x16xf32, #tpu.memory_space<hbm>>
      tpu.wait_indirect_dma semaphore(%arg19 : memref<!tpu.dma_semaphore, #tpu.memory_space<semaphore_mem>>) src(%dma_wait3A_26 : memref<10240x16xf32, #tpu.memory_space<hbm>>) dst(%arg15 : memref<256x16xf32, #tpu.memory_space<vmem>>)
      %dma_wait3A_27 = arith.constant 0 : i32
      %dma_wait3A_28 = arith.constant 0 : i32
      %dma_wait3A_29 = tpu.memref_slice %arg4[%dma_wait3A_27, %dma_wait3A_28] : memref<10240x16xf32, #tpu.memory_space<hbm>> -> memref<10240x16xf32, #tpu.memory_space<hbm>>
      tpu.wait_indirect_dma semaphore(%arg19 : memref<!tpu.dma_semaphore, #tpu.memory_space<semaphore_mem>>) src(%dma_wait3A_29 : memref<10240x16xf32, #tpu.memory_space<hbm>>) dst(%arg16 : memref<256x16xf32, #tpu.memory_space<vmem>>)
      %scan3A_30 = arith.constant 0 : i32
      %scan3A_31 = arith.constant 0 : i32
      %scan3A_32 = arith.constant 256 : i32
      %scan3A_33 = arith.addi %scan3A_31, %scan3A_32 : i32
      %scan3A_34 = arith.constant 1 : i32
      %scan3A_35 = scf.for %scan3A_48 = %scan3A_31 to %scan3A_33 step %scan3A_34 iter_args(%scan3A_49 = %scan3A_30) -> (i32)  : i32 {
        %get3A = arith.index_cast %scan3A_48 : i32 to index
        %get3A_50 = arith.constant 0 : index
        %get3A_51 = tpu.vector_load %arg15[%get3A, %get3A_50] {strides = array<i32>} : memref<256x16xf32, #tpu.memory_space<vmem>>, vector<1x16xf32>,
        %get3A_52 = vector.shape_cast %get3A_51 : vector<1x16xf32> to vector<16xf32>
        %get3A_53 = arith.index_cast %scan3A_48 : i32 to index
        %get3A_54 = arith.constant 0 : index
        %get3A_55 = tpu.vector_load %arg16[%get3A_53, %get3A_54] {strides = array<i32>} : memref<256x16xf32, #tpu.memory_space<vmem>>, vector<1x16xf32>,
        %get3A_56 = vector.shape_cast %get3A_55 : vector<1x16xf32> to vector<16xf32>
        %add3A_57 = arith.addf %get3A_52, %get3A_56 : vector<16xf32>
        %gt3A = arith.constant 0.000000e+00 : f32
        %gt3A_58 = vector.broadcast %gt3A : f32 to vector<16xf32>
        %gt3A_59 = arith.cmpf ogt, %add3A_57, %gt3A_58 : vector<16xf32>
        %mul3A_60 = arith.constant 2.000000e-01 : f32
        %mul3A_61 = vector.broadcast %mul3A_60 : f32 to vector<16xf32>
        %mul3A_62 = arith.mulf %add3A_57, %mul3A_61 : vector<16xf32>
        %select_n3A = arith.select %gt3A_59, %add3A_57, %mul3A_62 : vector<16xi1>, vector<16xf32>
        %exp3A = math.exp %select_n3A : vector<16xf32>
        %swap3A = arith.index_cast %scan3A_48 : i32 to index
        %swap3A_63 = arith.constant 0 : index
        %swap3A_64 = tpu.vector_load %arg17[%swap3A, %swap3A_63] {strides = array<i32>} : memref<256x16xf32, #tpu.memory_space<vmem>>, vector<1x16xf32>,
        %swap3A_65 = vector.shape_cast %swap3A_64 : vector<1x16xf32> to vector<16xf32>
        %swap3A_66 = vector.shape_cast %exp3A : vector<16xf32> to vector<1x16xf32>
        tpu.vector_store %arg17[%swap3A, %swap3A_63], %swap3A_66 {strides = array<i32>} : memref<256x16xf32, #tpu.memory_space<vmem>>, vector<1x16xf32>,
        %scan3A_67 = arith.constant 0 : i32
        scf.yield %scan3A_67 : i32
      }
      %scan3A_36 = arith.constant 256 : i32
      %dma_wait3A_37 = arith.constant 0 : i32
      %dma_wait3A_38 = arith.constant 0 : i32
      %dma_wait3A_39 = tpu.memref_slice %arg2[%dma_wait3A_37, %dma_wait3A_38] : memref<10240x32xf32, #tpu.memory_space<hbm>> -> memref<10240x32xf32, #tpu.memory_space<hbm>>
      tpu.wait_indirect_dma semaphore(%arg20 : memref<!tpu.dma_semaphore, #tpu.memory_space<semaphore_mem>>) src(%dma_wait3A_39 : memref<10240x32xf32, #tpu.memory_space<hbm>>) dst(%arg18 : memref<256x32xf32, #tpu.memory_space<vmem>>)
      %scan3A_40 = arith.constant 0 : i32
      %scan3A_41 = arith.constant 0 : i32
      %scan3A_42 = arith.constant 256 : i32
      %scan3A_43 = arith.addi %scan3A_41, %scan3A_42 : i32
      %scan3A_44 = arith.constant 1 : i32
      %scan3A_45 = scf.for %scan3A_48 = %scan3A_41 to %scan3A_43 step %scan3A_44 iter_args(%scan3A_49 = %scan3A_40) -> (i32)  : i32 {
        %get3A = arith.index_cast %scan3A_48 : i32 to index
        %get3A_50 = arith.constant 0 : index
        %get3A_51 = tpu.vector_load %arg17[%get3A, %get3A_50] {strides = array<i32>} : memref<256x16xf32, #tpu.memory_space<vmem>>, vector<1x16xf32>,
        %get3A_52 = vector.shape_cast %get3A_51 : vector<1x16xf32> to vector<16xf32>
        %slice3A = vector.extract_strided_slice %get3A_52 {offsets = [0], sizes = [1], strides = [1]} : vector<16xf32> to vector<1xf32>
        %squeeze3A = vector.extract %slice3A[0] : f32 from vector<1xf32>
        %get3A_53 = arith.index_cast %scan3A_48 : i32 to index
        %get3A_54 = arith.constant 0 : index
        %get3A_55 = tpu.vector_load %arg18[%get3A_53, %get3A_54] {strides = array<i32>} : memref<256x32xf32, #tpu.memory_space<vmem>>, vector<1x16xf32>,
        %get3A_56 = vector.shape_cast %get3A_55 : vector<1x16xf32> to vector<16xf32>
        %mul3A_57 = vector.broadcast %squeeze3A : f32 to vector<16xf32>
        %mul3A_58 = arith.mulf %get3A_56, %mul3A_57 : vector<16xf32>
        %swap3A = arith.index_cast %scan3A_48 : i32 to index
        %swap3A_59 = arith.constant 0 : index
        %swap3A_60 = tpu.vector_load %arg18[%swap3A, %swap3A_59] {strides = array<i32>} : memref<256x32xf32, #tpu.memory_space<vmem>>, vector<1x16xf32>,
        %swap3A_61 = vector.shape_cast %swap3A_60 : vector<1x16xf32> to vector<16xf32>
        %swap3A_62 = vector.shape_cast %mul3A_58 : vector<16xf32> to vector<1x16xf32>
        tpu.vector_store %arg18[%swap3A, %swap3A_59], %swap3A_62 {strides = array<i32>} : memref<256x32xf32, #tpu.memory_space<vmem>>, vector<1x16xf32>,
        %slice3A_63 = vector.extract_strided_slice %get3A_52 {offsets = [0], sizes = [1], strides = [1]} : vector<16xf32> to vector<1xf32>
        %squeeze3A_64 = vector.extract %slice3A_63[0] : f32 from vector<1xf32>
        %get3A_65 = arith.index_cast %scan3A_48 : i32 to index
        %get3A_66 = arith.constant 16 : index
        %get3A_67 = tpu.vector_load %arg18[%get3A_65, %get3A_66] {strides = array<i32>} : memref<256x32xf32, #tpu.memory_space<vmem>>, vector<1x16xf32>,
        %get3A_68 = vector.shape_cast %get3A_67 : vector<1x16xf32> to vector<16xf32>
        %mul3A_69 = vector.broadcast %squeeze3A_64 : f32 to vector<16xf32>
        %mul3A_70 = arith.mulf %get3A_68, %mul3A_69 : vector<16xf32>
        %swap3A_71 = arith.index_cast %scan3A_48 : i32 to index
        %swap3A_72 = arith.constant 16 : index
        %swap3A_73 = tpu.vector_load %arg18[%swap3A_71, %swap3A_72] {strides = array<i32>} : memref<256x32xf32, #tpu.memory_space<vmem>>, vector<1x16xf32>,
        %swap3A_74 = vector.shape_cast %swap3A_73 : vector<1x16xf32> to vector<16xf32>
        %swap3A_75 = vector.shape_cast %mul3A_70 : vector<16xf32> to vector<1x16xf32>
        tpu.vector_store %arg18[%swap3A_71, %swap3A_72], %swap3A_75 {strides = array<i32>} : memref<256x32xf32, #tpu.memory_space<vmem>>, vector<1x16xf32>,
        %scan3A_76 = arith.constant 0 : i32
        scf.yield %scan3A_76 : i32
      }
      %scan3A_46 = arith.constant 256 : i32
      "tpu.region"() ({
        %run_scoped3A = tpu.sem_alloc : memref<!tpu.dma_semaphore, #tpu.memory_space<semaphore_mem>>
        %dma_start3A_48 = arith.constant 0 : i32
        %dma_start3A_49 = arith.constant 0 : i32
        %dma_start3A_50 = tpu.memref_slice %arg12[%dma_start3A_48, %dma_start3A_49] : memref<10240x16xf32, #tpu.memory_space<vmem_shared>> -> memref<10240x16xf32, #tpu.memory_space<vmem_shared>>
        tpu.enqueue_indirect_dma source(%arg17 : memref<256x16xf32, #tpu.memory_space<vmem>>) target(%dma_start3A_50 : memref<10240x16xf32, #tpu.memory_space<vmem_shared>>) offsets(%arg14 : memref<256xi32, #tpu.memory_space<vmem>>) semaphore(%run_scoped3A : memref<!tpu.dma_semaphore, #tpu.memory_space<semaphore_mem>>) {add = true}
        %dma_wait3A_51 = arith.constant 0 : i32
        %dma_wait3A_52 = arith.constant 0 : i32
        %dma_wait3A_53 = tpu.memref_slice %arg12[%dma_wait3A_51, %dma_wait3A_52] : memref<10240x16xf32, #tpu.memory_space<vmem_shared>> -> memref<10240x16xf32, #tpu.memory_space<vmem_shared>>
        tpu.wait_indirect_dma semaphore(%run_scoped3A : memref<!tpu.dma_semaphore, #tpu.memory_space<semaphore_mem>>) src(%arg17 : memref<256x16xf32, #tpu.memory_space<vmem>>) dst(%dma_wait3A_53 : memref<10240x16xf32, #tpu.memory_space<vmem_shared>>)
        tpu.yield
      }) : () -> ()
      "tpu.region"() ({
        %run_scoped3A = tpu.sem_alloc : memref<!tpu.dma_semaphore, #tpu.memory_space<semaphore_mem>>
        %dma_start3A_48 = arith.constant 0 : i32
        %dma_start3A_49 = arith.constant 0 : i32
        %dma_start3A_50 = tpu.memref_slice %arg11[%dma_start3A_48, %dma_start3A_49] : memref<10240x32xf32, #tpu.memory_space<vmem_shared>> -> memref<10240x32xf32, #tpu.memory_space<vmem_shared>>
        tpu.enqueue_indirect_dma source(%arg18 : memref<256x32xf32, #tpu.memory_space<vmem>>) target(%dma_start3A_50 : memref<10240x32xf32, #tpu.memory_space<vmem_shared>>) offsets(%arg14 : memref<256xi32, #tpu.memory_space<vmem>>) semaphore(%run_scoped3A : memref<!tpu.dma_semaphore, #tpu.memory_space<semaphore_mem>>) {add = true}
        %dma_wait3A_51 = arith.constant 0 : i32
        %dma_wait3A_52 = arith.constant 0 : i32
        %dma_wait3A_53 = tpu.memref_slice %arg11[%dma_wait3A_51, %dma_wait3A_52] : memref<10240x32xf32, #tpu.memory_space<vmem_shared>> -> memref<10240x32xf32, #tpu.memory_space<vmem_shared>>
        tpu.wait_indirect_dma semaphore(%run_scoped3A : memref<!tpu.dma_semaphore, #tpu.memory_space<semaphore_mem>>) src(%arg18 : memref<256x32xf32, #tpu.memory_space<vmem>>) dst(%dma_wait3A_53 : memref<10240x32xf32, #tpu.memory_space<vmem_shared>>)
        tpu.yield
      }) : () -> ()
      %scan3A_47 = arith.constant 0 : i32
      scf.yield %scan3A_47 : i32
    }
    %scan3A_10 = arith.constant 41 : i32
    %barrier3A_11 = arith.constant 0 : index
    tpu.barrier barrier_id(%barrier3A_11)
    "tpu.region"() ({
      %run_scoped3A = tpu.sem_alloc : memref<!tpu.dma_semaphore, #tpu.memory_space<semaphore_mem>>
      %dma_start3A = arith.constant 0 : i32
      %dma_start3A_12 = tpu.memref_slice %arg9[%arg0, %mul3A_2, %dma_start3A] : memref<2x10240x32xf32, #tpu.memory_space<hbm>> -> memref<1x640x32xf32, #tpu.memory_space<hbm>>
      %dma_start3A_13 = tpu.memref_squeeze %dma_start3A_12 : memref<1x640x32xf32, #tpu.memory_space<hbm>> -> memref<640x32xf32, #tpu.memory_space<hbm>>
      %dma_start3A_14 = arith.constant 0 : i32
      %dma_start3A_15 = tpu.memref_slice %arg11[%mul3A_2, %dma_start3A_14] : memref<10240x32xf32, #tpu.memory_space<vmem_shared>> -> memref<640x32xf32, #tpu.memory_space<vmem_shared>>
      tpu.enqueue_dma source(%dma_start3A_15 : memref<640x32xf32, #tpu.memory_space<vmem_shared>>) target(%dma_start3A_13 : memref<640x32xf32, #tpu.memory_space<hbm>>) target_semaphore(%run_scoped3A : memref<!tpu.dma_semaphore, #tpu.memory_space<semaphore_mem>>)
      %dma_wait3A = arith.constant 0 : i32
      %dma_wait3A_16 = tpu.memref_slice %arg9[%arg0, %mul3A_2, %dma_wait3A] : memref<2x10240x32xf32, #tpu.memory_space<hbm>> -> memref<1x640x32xf32, #tpu.memory_space<hbm>>
      %dma_wait3A_17 = tpu.memref_squeeze %dma_wait3A_16 : memref<1x640x32xf32, #tpu.memory_space<hbm>> -> memref<640x32xf32, #tpu.memory_space<hbm>>
      %dma_wait3A_18 = arith.constant 0 : i32
      %dma_wait3A_19 = tpu.memref_slice %arg11[%mul3A_2, %dma_wait3A_18] : memref<10240x32xf32, #tpu.memory_space<vmem_shared>> -> memref<640x32xf32, #tpu.memory_space<vmem_shared>>
      tpu.wait_dma2 semaphore(%run_scoped3A : memref<!tpu.dma_semaphore, #tpu.memory_space<semaphore_mem>>) src(%dma_wait3A_19 : memref<640x32xf32, #tpu.memory_space<vmem_shared>>) dst(%dma_wait3A_17 : memref<640x32xf32, #tpu.memory_space<hbm>>)
      tpu.yield
    }) : () -> ()
    "tpu.region"() ({
      %run_scoped3A = tpu.sem_alloc : memref<!tpu.dma_semaphore, #tpu.memory_space<semaphore_mem>>
      %dma_start3A = arith.constant 0 : i32
      %dma_start3A_12 = tpu.memref_slice %arg10[%arg0, %mul3A_2, %dma_start3A] : memref<2x10240x16xf32, #tpu.memory_space<hbm>> -> memref<1x640x16xf32, #tpu.memory_space<hbm>>
      %dma_start3A_13 = tpu.memref_squeeze %dma_start3A_12 : memref<1x640x16xf32, #tpu.memory_space<hbm>> -> memref<640x16xf32, #tpu.memory_space<hbm>>
      %dma_start3A_14 = arith.constant 0 : i32
      %dma_start3A_15 = tpu.memref_slice %arg12[%mul3A_2, %dma_start3A_14] : memref<10240x16xf32, #tpu.memory_space<vmem_shared>> -> memref<640x16xf32, #tpu.memory_space<vmem_shared>>
      tpu.enqueue_dma source(%dma_start3A_15 : memref<640x16xf32, #tpu.memory_space<vmem_shared>>) target(%dma_start3A_13 : memref<640x16xf32, #tpu.memory_space<hbm>>) target_semaphore(%run_scoped3A : memref<!tpu.dma_semaphore, #tpu.memory_space<semaphore_mem>>)
      %dma_wait3A = arith.constant 0 : i32
      %dma_wait3A_16 = tpu.memref_slice %arg10[%arg0, %mul3A_2, %dma_wait3A] : memref<2x10240x16xf32, #tpu.memory_space<hbm>> -> memref<1x640x16xf32, #tpu.memory_space<hbm>>
      %dma_wait3A_17 = tpu.memref_squeeze %dma_wait3A_16 : memref<1x640x16xf32, #tpu.memory_space<hbm>> -> memref<640x16xf32, #tpu.memory_space<hbm>>
      %dma_wait3A_18 = arith.constant 0 : i32
      %dma_wait3A_19 = tpu.memref_slice %arg12[%mul3A_2, %dma_wait3A_18] : memref<10240x16xf32, #tpu.memory_space<vmem_shared>> -> memref<640x16xf32, #tpu.memory_space<vmem_shared>>
      tpu.wait_dma2 semaphore(%run_scoped3A : memref<!tpu.dma_semaphore, #tpu.memory_space<semaphore_mem>>) src(%dma_wait3A_19 : memref<640x16xf32, #tpu.memory_space<vmem_shared>>) dst(%dma_wait3A_17 : memref<640x16xf32, #tpu.memory_space<hbm>>)
      tpu.yield
    }) : () -> ()
    return
  }
}

#map = affine_map<(d0, d1) -> (0, 0)>
#map1 = affine_map<(d0, d1) -> (0)>
#map2 = affine_map<(d0, d1) -> (0, 0, 0)>
module attributes {stable_mosaic.version = 14 : i64} {
  func.func @agg(%arg0: i32, %arg1: i32, %arg2: memref<10240x128xf32, #tpu.memory_space<hbm>>, %arg3: memref<10240x16xf32, #tpu.memory_space<hbm>>, %arg4: memref<10240x16xf32, #tpu.memory_space<hbm>>, %arg5: memref<335872xi32, #tpu.memory_space<hbm>>, %arg6: memref<335872xi32, #tpu.memory_space<hbm>>, %arg7: memref<640x128xf32, #tpu.memory_space<hbm>>, %arg8: memref<640x16xf32, #tpu.memory_space<hbm>>, %arg9: memref<2x10240x128xf32, #tpu.memory_space<hbm>>, %arg10: memref<2x10240x16xf32, #tpu.memory_space<hbm>>, %arg11: memref<10240x128xf32, #tpu.memory_space<vmem_shared>>, %arg12: memref<10240x16xf32, #tpu.memory_space<vmem_shared>>, %arg13: memref<128xi32, #tpu.memory_space<vmem>>, %arg14: memref<128xi32, #tpu.memory_space<vmem>>, %arg15: memref<128x16xf32, #tpu.memory_space<vmem>>, %arg16: memref<128x16xf32, #tpu.memory_space<vmem>>, %arg17: memref<128x16xf32, #tpu.memory_space<vmem>>, %arg18: memref<128x128xf32, #tpu.memory_space<vmem>>, %arg19: memref<!tpu.dma_semaphore, #tpu.memory_space<semaphore_mem>>, %arg20: memref<!tpu.dma_semaphore, #tpu.memory_space<semaphore_mem>>) attributes {dimension_semantics = [#tpu.dimension_semantics<core_parallel>, #tpu.dimension_semantics<subcore_parallel>], iteration_bounds = array<i64: 2, 16>, scalar_prefetch = 0 : i64, scratch_operands = 10 : i64, tpu.core_type = #tpu.core_type<sc_vector_subcore>, window_params = [{transform_indices = #map}, {transform_indices = #map}, {transform_indices = #map}, {transform_indices = #map1}, {transform_indices = #map1}, {transform_indices = #map}, {transform_indices = #map}, {transform_indices = #map2}, {transform_indices = #map2}]} {
    %mul3A = arith.constant 2 : i32
    %mul3A_0 = arith.muli %arg1, %mul3A : i32
    %add3A = arith.addi %mul3A_0, %arg0 : i32
    %mul3A_1 = arith.constant 640 : i32
    %mul3A_2 = arith.muli %arg1, %mul3A_1 : i32
    "tpu.region"() ({
      %run_scoped3A = tpu.sem_alloc : memref<!tpu.dma_semaphore, #tpu.memory_space<semaphore_mem>>
      %dma_start3A = arith.constant 0 : i32
      %dma_start3A_12 = tpu.memref_slice %arg11[%mul3A_2, %dma_start3A] : memref<10240x128xf32, #tpu.memory_space<vmem_shared>> -> memref<640x128xf32, #tpu.memory_space<vmem_shared>>
      tpu.enqueue_dma source(%arg7 : memref<640x128xf32, #tpu.memory_space<hbm>>) target(%dma_start3A_12 : memref<640x128xf32, #tpu.memory_space<vmem_shared>>) target_semaphore(%run_scoped3A : memref<!tpu.dma_semaphore, #tpu.memory_space<semaphore_mem>>)
      %dma_wait3A = arith.constant 0 : i32
      %dma_wait3A_13 = tpu.memref_slice %arg11[%mul3A_2, %dma_wait3A] : memref<10240x128xf32, #tpu.memory_space<vmem_shared>> -> memref<640x128xf32, #tpu.memory_space<vmem_shared>>
      tpu.wait_dma2 semaphore(%run_scoped3A : memref<!tpu.dma_semaphore, #tpu.memory_space<semaphore_mem>>) src(%arg7 : memref<640x128xf32, #tpu.memory_space<hbm>>) dst(%dma_wait3A_13 : memref<640x128xf32, #tpu.memory_space<vmem_shared>>)
      tpu.yield
    }) : () -> ()
    "tpu.region"() ({
      %run_scoped3A = tpu.sem_alloc : memref<!tpu.dma_semaphore, #tpu.memory_space<semaphore_mem>>
      %dma_start3A = arith.constant 0 : i32
      %dma_start3A_12 = tpu.memref_slice %arg12[%mul3A_2, %dma_start3A] : memref<10240x16xf32, #tpu.memory_space<vmem_shared>> -> memref<640x16xf32, #tpu.memory_space<vmem_shared>>
      tpu.enqueue_dma source(%arg8 : memref<640x16xf32, #tpu.memory_space<hbm>>) target(%dma_start3A_12 : memref<640x16xf32, #tpu.memory_space<vmem_shared>>) target_semaphore(%run_scoped3A : memref<!tpu.dma_semaphore, #tpu.memory_space<semaphore_mem>>)
      %dma_wait3A = arith.constant 0 : i32
      %dma_wait3A_13 = tpu.memref_slice %arg12[%mul3A_2, %dma_wait3A] : memref<10240x16xf32, #tpu.memory_space<vmem_shared>> -> memref<640x16xf32, #tpu.memory_space<vmem_shared>>
      tpu.wait_dma2 semaphore(%run_scoped3A : memref<!tpu.dma_semaphore, #tpu.memory_space<semaphore_mem>>) src(%arg8 : memref<640x16xf32, #tpu.memory_space<hbm>>) dst(%dma_wait3A_13 : memref<640x16xf32, #tpu.memory_space<vmem_shared>>)
      tpu.yield
    }) : () -> ()
    %barrier3A = arith.constant 0 : index
    tpu.barrier barrier_id(%barrier3A)
    %mul3A_3 = arith.constant 10496 : i32
    %mul3A_4 = arith.muli %add3A, %mul3A_3 : i32
    %scan3A = arith.constant 0 : i32
    %scan3A_5 = arith.constant 0 : i32
    %scan3A_6 = arith.constant 82 : i32
    %scan3A_7 = arith.addi %scan3A_5, %scan3A_6 : i32
    %scan3A_8 = arith.constant 1 : i32
    %scan3A_9 = scf.for %scan3A_12 = %scan3A_5 to %scan3A_7 step %scan3A_8 iter_args(%scan3A_13 = %scan3A) -> (i32)  : i32 {
      %mul3A_14 = arith.constant 128 : i32
      %mul3A_15 = arith.muli %scan3A_12, %mul3A_14 : i32
      %add3A_16 = arith.addi %mul3A_4, %mul3A_15 : i32
      "tpu.region"() ({
        %run_scoped3A = tpu.sem_alloc : memref<!tpu.dma_semaphore, #tpu.memory_space<semaphore_mem>>
        %dma_start3A_48 = tpu.memref_slice %arg5[%add3A_16] : memref<335872xi32, #tpu.memory_space<hbm>> -> memref<128xi32, #tpu.memory_space<hbm>>
        %dma_start3A_49 = tpu.memref_slice %arg5[%add3A_16] : memref<335872xi32, #tpu.memory_space<hbm>> -> memref<128xi32, #tpu.memory_space<hbm>>
        tpu.enqueue_dma source(%dma_start3A_49 : memref<128xi32, #tpu.memory_space<hbm>>) target(%arg13 : memref<128xi32, #tpu.memory_space<vmem>>) target_semaphore(%run_scoped3A : memref<!tpu.dma_semaphore, #tpu.memory_space<semaphore_mem>>)
        %dma_wait3A_50 = tpu.memref_slice %arg5[%add3A_16] : memref<335872xi32, #tpu.memory_space<hbm>> -> memref<128xi32, #tpu.memory_space<hbm>>
        %dma_wait3A_51 = tpu.memref_slice %arg5[%add3A_16] : memref<335872xi32, #tpu.memory_space<hbm>> -> memref<128xi32, #tpu.memory_space<hbm>>
        tpu.wait_dma2 semaphore(%run_scoped3A : memref<!tpu.dma_semaphore, #tpu.memory_space<semaphore_mem>>) src(%dma_wait3A_51 : memref<128xi32, #tpu.memory_space<hbm>>) dst(%arg13 : memref<128xi32, #tpu.memory_space<vmem>>)
        tpu.yield
      }) : () -> ()
      "tpu.region"() ({
        %run_scoped3A = tpu.sem_alloc : memref<!tpu.dma_semaphore, #tpu.memory_space<semaphore_mem>>
        %dma_start3A_48 = tpu.memref_slice %arg6[%add3A_16] : memref<335872xi32, #tpu.memory_space<hbm>> -> memref<128xi32, #tpu.memory_space<hbm>>
        %dma_start3A_49 = tpu.memref_slice %arg6[%add3A_16] : memref<335872xi32, #tpu.memory_space<hbm>> -> memref<128xi32, #tpu.memory_space<hbm>>
        tpu.enqueue_dma source(%dma_start3A_49 : memref<128xi32, #tpu.memory_space<hbm>>) target(%arg14 : memref<128xi32, #tpu.memory_space<vmem>>) target_semaphore(%run_scoped3A : memref<!tpu.dma_semaphore, #tpu.memory_space<semaphore_mem>>)
        %dma_wait3A_50 = tpu.memref_slice %arg6[%add3A_16] : memref<335872xi32, #tpu.memory_space<hbm>> -> memref<128xi32, #tpu.memory_space<hbm>>
        %dma_wait3A_51 = tpu.memref_slice %arg6[%add3A_16] : memref<335872xi32, #tpu.memory_space<hbm>> -> memref<128xi32, #tpu.memory_space<hbm>>
        tpu.wait_dma2 semaphore(%run_scoped3A : memref<!tpu.dma_semaphore, #tpu.memory_space<semaphore_mem>>) src(%dma_wait3A_51 : memref<128xi32, #tpu.memory_space<hbm>>) dst(%arg14 : memref<128xi32, #tpu.memory_space<vmem>>)
        tpu.yield
      }) : () -> ()
      %dma_start3A = arith.constant 0 : i32
      %dma_start3A_17 = arith.constant 0 : i32
      %dma_start3A_18 = tpu.memref_slice %arg2[%dma_start3A, %dma_start3A_17] : memref<10240x128xf32, #tpu.memory_space<hbm>> -> memref<10240x128xf32, #tpu.memory_space<hbm>>
      tpu.enqueue_indirect_dma source(%dma_start3A_18 : memref<10240x128xf32, #tpu.memory_space<hbm>>) target(%arg18 : memref<128x128xf32, #tpu.memory_space<vmem>>) offsets(%arg13 : memref<128xi32, #tpu.memory_space<vmem>>) semaphore(%arg20 : memref<!tpu.dma_semaphore, #tpu.memory_space<semaphore_mem>>)
      %dma_start3A_19 = arith.constant 0 : i32
      %dma_start3A_20 = arith.constant 0 : i32
      %dma_start3A_21 = tpu.memref_slice %arg3[%dma_start3A_19, %dma_start3A_20] : memref<10240x16xf32, #tpu.memory_space<hbm>> -> memref<10240x16xf32, #tpu.memory_space<hbm>>
      tpu.enqueue_indirect_dma source(%dma_start3A_21 : memref<10240x16xf32, #tpu.memory_space<hbm>>) target(%arg15 : memref<128x16xf32, #tpu.memory_space<vmem>>) offsets(%arg13 : memref<128xi32, #tpu.memory_space<vmem>>) semaphore(%arg19 : memref<!tpu.dma_semaphore, #tpu.memory_space<semaphore_mem>>)
      %dma_start3A_22 = arith.constant 0 : i32
      %dma_start3A_23 = arith.constant 0 : i32
      %dma_start3A_24 = tpu.memref_slice %arg4[%dma_start3A_22, %dma_start3A_23] : memref<10240x16xf32, #tpu.memory_space<hbm>> -> memref<10240x16xf32, #tpu.memory_space<hbm>>
      tpu.enqueue_indirect_dma source(%dma_start3A_24 : memref<10240x16xf32, #tpu.memory_space<hbm>>) target(%arg16 : memref<128x16xf32, #tpu.memory_space<vmem>>) offsets(%arg14 : memref<128xi32, #tpu.memory_space<vmem>>) semaphore(%arg19 : memref<!tpu.dma_semaphore, #tpu.memory_space<semaphore_mem>>)
      %dma_wait3A = arith.constant 0 : i32
      %dma_wait3A_25 = arith.constant 0 : i32
      %dma_wait3A_26 = tpu.memref_slice %arg3[%dma_wait3A, %dma_wait3A_25] : memref<10240x16xf32, #tpu.memory_space<hbm>> -> memref<10240x16xf32, #tpu.memory_space<hbm>>
      tpu.wait_indirect_dma semaphore(%arg19 : memref<!tpu.dma_semaphore, #tpu.memory_space<semaphore_mem>>) src(%dma_wait3A_26 : memref<10240x16xf32, #tpu.memory_space<hbm>>) dst(%arg15 : memref<128x16xf32, #tpu.memory_space<vmem>>)
      %dma_wait3A_27 = arith.constant 0 : i32
      %dma_wait3A_28 = arith.constant 0 : i32
      %dma_wait3A_29 = tpu.memref_slice %arg4[%dma_wait3A_27, %dma_wait3A_28] : memref<10240x16xf32, #tpu.memory_space<hbm>> -> memref<10240x16xf32, #tpu.memory_space<hbm>>
      tpu.wait_indirect_dma semaphore(%arg19 : memref<!tpu.dma_semaphore, #tpu.memory_space<semaphore_mem>>) src(%dma_wait3A_29 : memref<10240x16xf32, #tpu.memory_space<hbm>>) dst(%arg16 : memref<128x16xf32, #tpu.memory_space<vmem>>)
      %scan3A_30 = arith.constant 0 : i32
      %scan3A_31 = arith.constant 0 : i32
      %scan3A_32 = arith.constant 128 : i32
      %scan3A_33 = arith.addi %scan3A_31, %scan3A_32 : i32
      %scan3A_34 = arith.constant 1 : i32
      %scan3A_35 = scf.for %scan3A_48 = %scan3A_31 to %scan3A_33 step %scan3A_34 iter_args(%scan3A_49 = %scan3A_30) -> (i32)  : i32 {
        %get3A = arith.index_cast %scan3A_48 : i32 to index
        %get3A_50 = arith.constant 0 : index
        %get3A_51 = tpu.vector_load %arg15[%get3A, %get3A_50] {strides = array<i32>} : memref<128x16xf32, #tpu.memory_space<vmem>>, vector<1x16xf32>,
        %get3A_52 = vector.shape_cast %get3A_51 : vector<1x16xf32> to vector<16xf32>
        %get3A_53 = arith.index_cast %scan3A_48 : i32 to index
        %get3A_54 = arith.constant 0 : index
        %get3A_55 = tpu.vector_load %arg16[%get3A_53, %get3A_54] {strides = array<i32>} : memref<128x16xf32, #tpu.memory_space<vmem>>, vector<1x16xf32>,
        %get3A_56 = vector.shape_cast %get3A_55 : vector<1x16xf32> to vector<16xf32>
        %add3A_57 = arith.addf %get3A_52, %get3A_56 : vector<16xf32>
        %gt3A = arith.constant 0.000000e+00 : f32
        %gt3A_58 = vector.broadcast %gt3A : f32 to vector<16xf32>
        %gt3A_59 = arith.cmpf ogt, %add3A_57, %gt3A_58 : vector<16xf32>
        %mul3A_60 = arith.constant 2.000000e-01 : f32
        %mul3A_61 = vector.broadcast %mul3A_60 : f32 to vector<16xf32>
        %mul3A_62 = arith.mulf %add3A_57, %mul3A_61 : vector<16xf32>
        %select_n3A = arith.select %gt3A_59, %add3A_57, %mul3A_62 : vector<16xi1>, vector<16xf32>
        %exp3A = math.exp %select_n3A : vector<16xf32>
        %swap3A = arith.index_cast %scan3A_48 : i32 to index
        %swap3A_63 = arith.constant 0 : index
        %swap3A_64 = tpu.vector_load %arg17[%swap3A, %swap3A_63] {strides = array<i32>} : memref<128x16xf32, #tpu.memory_space<vmem>>, vector<1x16xf32>,
        %swap3A_65 = vector.shape_cast %swap3A_64 : vector<1x16xf32> to vector<16xf32>
        %swap3A_66 = vector.shape_cast %exp3A : vector<16xf32> to vector<1x16xf32>
        tpu.vector_store %arg17[%swap3A, %swap3A_63], %swap3A_66 {strides = array<i32>} : memref<128x16xf32, #tpu.memory_space<vmem>>, vector<1x16xf32>,
        %scan3A_67 = arith.constant 0 : i32
        scf.yield %scan3A_67 : i32
      }
      %scan3A_36 = arith.constant 128 : i32
      %dma_wait3A_37 = arith.constant 0 : i32
      %dma_wait3A_38 = arith.constant 0 : i32
      %dma_wait3A_39 = tpu.memref_slice %arg2[%dma_wait3A_37, %dma_wait3A_38] : memref<10240x128xf32, #tpu.memory_space<hbm>> -> memref<10240x128xf32, #tpu.memory_space<hbm>>
      tpu.wait_indirect_dma semaphore(%arg20 : memref<!tpu.dma_semaphore, #tpu.memory_space<semaphore_mem>>) src(%dma_wait3A_39 : memref<10240x128xf32, #tpu.memory_space<hbm>>) dst(%arg18 : memref<128x128xf32, #tpu.memory_space<vmem>>)
      %scan3A_40 = arith.constant 0 : i32
      %scan3A_41 = arith.constant 0 : i32
      %scan3A_42 = arith.constant 128 : i32
      %scan3A_43 = arith.addi %scan3A_41, %scan3A_42 : i32
      %scan3A_44 = arith.constant 1 : i32
      %scan3A_45 = scf.for %scan3A_48 = %scan3A_41 to %scan3A_43 step %scan3A_44 iter_args(%scan3A_49 = %scan3A_40) -> (i32)  : i32 {
        %get3A = arith.index_cast %scan3A_48 : i32 to index
        %get3A_50 = arith.constant 0 : index
        %get3A_51 = tpu.vector_load %arg17[%get3A, %get3A_50] {strides = array<i32>} : memref<128x16xf32, #tpu.memory_space<vmem>>, vector<1x16xf32>,
        %get3A_52 = vector.shape_cast %get3A_51 : vector<1x16xf32> to vector<16xf32>
        %slice3A = vector.extract_strided_slice %get3A_52 {offsets = [0], sizes = [1], strides = [1]} : vector<16xf32> to vector<1xf32>
        %squeeze3A = vector.extract %slice3A[0] : f32 from vector<1xf32>
        %get3A_53 = arith.index_cast %scan3A_48 : i32 to index
        %get3A_54 = arith.constant 0 : index
        %get3A_55 = tpu.vector_load %arg18[%get3A_53, %get3A_54] {strides = array<i32>} : memref<128x128xf32, #tpu.memory_space<vmem>>, vector<1x16xf32>,
        %get3A_56 = vector.shape_cast %get3A_55 : vector<1x16xf32> to vector<16xf32>
        %mul3A_57 = vector.broadcast %squeeze3A : f32 to vector<16xf32>
        %mul3A_58 = arith.mulf %get3A_56, %mul3A_57 : vector<16xf32>
        %swap3A = arith.index_cast %scan3A_48 : i32 to index
        %swap3A_59 = arith.constant 0 : index
        %swap3A_60 = tpu.vector_load %arg18[%swap3A, %swap3A_59] {strides = array<i32>} : memref<128x128xf32, #tpu.memory_space<vmem>>, vector<1x16xf32>,
        %swap3A_61 = vector.shape_cast %swap3A_60 : vector<1x16xf32> to vector<16xf32>
        %swap3A_62 = vector.shape_cast %mul3A_58 : vector<16xf32> to vector<1x16xf32>
        tpu.vector_store %arg18[%swap3A, %swap3A_59], %swap3A_62 {strides = array<i32>} : memref<128x128xf32, #tpu.memory_space<vmem>>, vector<1x16xf32>,
        %slice3A_63 = vector.extract_strided_slice %get3A_52 {offsets = [0], sizes = [1], strides = [1]} : vector<16xf32> to vector<1xf32>
        %squeeze3A_64 = vector.extract %slice3A_63[0] : f32 from vector<1xf32>
        %get3A_65 = arith.index_cast %scan3A_48 : i32 to index
        %get3A_66 = arith.constant 16 : index
        %get3A_67 = tpu.vector_load %arg18[%get3A_65, %get3A_66] {strides = array<i32>} : memref<128x128xf32, #tpu.memory_space<vmem>>, vector<1x16xf32>,
        %get3A_68 = vector.shape_cast %get3A_67 : vector<1x16xf32> to vector<16xf32>
        %mul3A_69 = vector.broadcast %squeeze3A_64 : f32 to vector<16xf32>
        %mul3A_70 = arith.mulf %get3A_68, %mul3A_69 : vector<16xf32>
        %swap3A_71 = arith.index_cast %scan3A_48 : i32 to index
        %swap3A_72 = arith.constant 16 : index
        %swap3A_73 = tpu.vector_load %arg18[%swap3A_71, %swap3A_72] {strides = array<i32>} : memref<128x128xf32, #tpu.memory_space<vmem>>, vector<1x16xf32>,
        %swap3A_74 = vector.shape_cast %swap3A_73 : vector<1x16xf32> to vector<16xf32>
        %swap3A_75 = vector.shape_cast %mul3A_70 : vector<16xf32> to vector<1x16xf32>
        tpu.vector_store %arg18[%swap3A_71, %swap3A_72], %swap3A_75 {strides = array<i32>} : memref<128x128xf32, #tpu.memory_space<vmem>>, vector<1x16xf32>,
        %slice3A_76 = vector.extract_strided_slice %get3A_52 {offsets = [0], sizes = [1], strides = [1]} : vector<16xf32> to vector<1xf32>
        %squeeze3A_77 = vector.extract %slice3A_76[0] : f32 from vector<1xf32>
        %get3A_78 = arith.index_cast %scan3A_48 : i32 to index
        %get3A_79 = arith.constant 32 : index
        %get3A_80 = tpu.vector_load %arg18[%get3A_78, %get3A_79] {strides = array<i32>} : memref<128x128xf32, #tpu.memory_space<vmem>>, vector<1x16xf32>,
        %get3A_81 = vector.shape_cast %get3A_80 : vector<1x16xf32> to vector<16xf32>
        %mul3A_82 = vector.broadcast %squeeze3A_77 : f32 to vector<16xf32>
        %mul3A_83 = arith.mulf %get3A_81, %mul3A_82 : vector<16xf32>
        %swap3A_84 = arith.index_cast %scan3A_48 : i32 to index
        %swap3A_85 = arith.constant 32 : index
        %swap3A_86 = tpu.vector_load %arg18[%swap3A_84, %swap3A_85] {strides = array<i32>} : memref<128x128xf32, #tpu.memory_space<vmem>>, vector<1x16xf32>,
        %swap3A_87 = vector.shape_cast %swap3A_86 : vector<1x16xf32> to vector<16xf32>
        %swap3A_88 = vector.shape_cast %mul3A_83 : vector<16xf32> to vector<1x16xf32>
        tpu.vector_store %arg18[%swap3A_84, %swap3A_85], %swap3A_88 {strides = array<i32>} : memref<128x128xf32, #tpu.memory_space<vmem>>, vector<1x16xf32>,
        %slice3A_89 = vector.extract_strided_slice %get3A_52 {offsets = [0], sizes = [1], strides = [1]} : vector<16xf32> to vector<1xf32>
        %squeeze3A_90 = vector.extract %slice3A_89[0] : f32 from vector<1xf32>
        %get3A_91 = arith.index_cast %scan3A_48 : i32 to index
        %get3A_92 = arith.constant 48 : index
        %get3A_93 = tpu.vector_load %arg18[%get3A_91, %get3A_92] {strides = array<i32>} : memref<128x128xf32, #tpu.memory_space<vmem>>, vector<1x16xf32>,
        %get3A_94 = vector.shape_cast %get3A_93 : vector<1x16xf32> to vector<16xf32>
        %mul3A_95 = vector.broadcast %squeeze3A_90 : f32 to vector<16xf32>
        %mul3A_96 = arith.mulf %get3A_94, %mul3A_95 : vector<16xf32>
        %swap3A_97 = arith.index_cast %scan3A_48 : i32 to index
        %swap3A_98 = arith.constant 48 : index
        %swap3A_99 = tpu.vector_load %arg18[%swap3A_97, %swap3A_98] {strides = array<i32>} : memref<128x128xf32, #tpu.memory_space<vmem>>, vector<1x16xf32>,
        %swap3A_100 = vector.shape_cast %swap3A_99 : vector<1x16xf32> to vector<16xf32>
        %swap3A_101 = vector.shape_cast %mul3A_96 : vector<16xf32> to vector<1x16xf32>
        tpu.vector_store %arg18[%swap3A_97, %swap3A_98], %swap3A_101 {strides = array<i32>} : memref<128x128xf32, #tpu.memory_space<vmem>>, vector<1x16xf32>,
        %slice3A_102 = vector.extract_strided_slice %get3A_52 {offsets = [0], sizes = [1], strides = [1]} : vector<16xf32> to vector<1xf32>
        %squeeze3A_103 = vector.extract %slice3A_102[0] : f32 from vector<1xf32>
        %get3A_104 = arith.index_cast %scan3A_48 : i32 to index
        %get3A_105 = arith.constant 64 : index
        %get3A_106 = tpu.vector_load %arg18[%get3A_104, %get3A_105] {strides = array<i32>} : memref<128x128xf32, #tpu.memory_space<vmem>>, vector<1x16xf32>,
        %get3A_107 = vector.shape_cast %get3A_106 : vector<1x16xf32> to vector<16xf32>
        %mul3A_108 = vector.broadcast %squeeze3A_103 : f32 to vector<16xf32>
        %mul3A_109 = arith.mulf %get3A_107, %mul3A_108 : vector<16xf32>
        %swap3A_110 = arith.index_cast %scan3A_48 : i32 to index
        %swap3A_111 = arith.constant 64 : index
        %swap3A_112 = tpu.vector_load %arg18[%swap3A_110, %swap3A_111] {strides = array<i32>} : memref<128x128xf32, #tpu.memory_space<vmem>>, vector<1x16xf32>,
        %swap3A_113 = vector.shape_cast %swap3A_112 : vector<1x16xf32> to vector<16xf32>
        %swap3A_114 = vector.shape_cast %mul3A_109 : vector<16xf32> to vector<1x16xf32>
        tpu.vector_store %arg18[%swap3A_110, %swap3A_111], %swap3A_114 {strides = array<i32>} : memref<128x128xf32, #tpu.memory_space<vmem>>, vector<1x16xf32>,
        %slice3A_115 = vector.extract_strided_slice %get3A_52 {offsets = [0], sizes = [1], strides = [1]} : vector<16xf32> to vector<1xf32>
        %squeeze3A_116 = vector.extract %slice3A_115[0] : f32 from vector<1xf32>
        %get3A_117 = arith.index_cast %scan3A_48 : i32 to index
        %get3A_118 = arith.constant 80 : index
        %get3A_119 = tpu.vector_load %arg18[%get3A_117, %get3A_118] {strides = array<i32>} : memref<128x128xf32, #tpu.memory_space<vmem>>, vector<1x16xf32>,
        %get3A_120 = vector.shape_cast %get3A_119 : vector<1x16xf32> to vector<16xf32>
        %mul3A_121 = vector.broadcast %squeeze3A_116 : f32 to vector<16xf32>
        %mul3A_122 = arith.mulf %get3A_120, %mul3A_121 : vector<16xf32>
        %swap3A_123 = arith.index_cast %scan3A_48 : i32 to index
        %swap3A_124 = arith.constant 80 : index
        %swap3A_125 = tpu.vector_load %arg18[%swap3A_123, %swap3A_124] {strides = array<i32>} : memref<128x128xf32, #tpu.memory_space<vmem>>, vector<1x16xf32>,
        %swap3A_126 = vector.shape_cast %swap3A_125 : vector<1x16xf32> to vector<16xf32>
        %swap3A_127 = vector.shape_cast %mul3A_122 : vector<16xf32> to vector<1x16xf32>
        tpu.vector_store %arg18[%swap3A_123, %swap3A_124], %swap3A_127 {strides = array<i32>} : memref<128x128xf32, #tpu.memory_space<vmem>>, vector<1x16xf32>,
        %slice3A_128 = vector.extract_strided_slice %get3A_52 {offsets = [0], sizes = [1], strides = [1]} : vector<16xf32> to vector<1xf32>
        %squeeze3A_129 = vector.extract %slice3A_128[0] : f32 from vector<1xf32>
        %get3A_130 = arith.index_cast %scan3A_48 : i32 to index
        %get3A_131 = arith.constant 96 : index
        %get3A_132 = tpu.vector_load %arg18[%get3A_130, %get3A_131] {strides = array<i32>} : memref<128x128xf32, #tpu.memory_space<vmem>>, vector<1x16xf32>,
        %get3A_133 = vector.shape_cast %get3A_132 : vector<1x16xf32> to vector<16xf32>
        %mul3A_134 = vector.broadcast %squeeze3A_129 : f32 to vector<16xf32>
        %mul3A_135 = arith.mulf %get3A_133, %mul3A_134 : vector<16xf32>
        %swap3A_136 = arith.index_cast %scan3A_48 : i32 to index
        %swap3A_137 = arith.constant 96 : index
        %swap3A_138 = tpu.vector_load %arg18[%swap3A_136, %swap3A_137] {strides = array<i32>} : memref<128x128xf32, #tpu.memory_space<vmem>>, vector<1x16xf32>,
        %swap3A_139 = vector.shape_cast %swap3A_138 : vector<1x16xf32> to vector<16xf32>
        %swap3A_140 = vector.shape_cast %mul3A_135 : vector<16xf32> to vector<1x16xf32>
        tpu.vector_store %arg18[%swap3A_136, %swap3A_137], %swap3A_140 {strides = array<i32>} : memref<128x128xf32, #tpu.memory_space<vmem>>, vector<1x16xf32>,
        %slice3A_141 = vector.extract_strided_slice %get3A_52 {offsets = [0], sizes = [1], strides = [1]} : vector<16xf32> to vector<1xf32>
        %squeeze3A_142 = vector.extract %slice3A_141[0] : f32 from vector<1xf32>
        %get3A_143 = arith.index_cast %scan3A_48 : i32 to index
        %get3A_144 = arith.constant 112 : index
        %get3A_145 = tpu.vector_load %arg18[%get3A_143, %get3A_144] {strides = array<i32>} : memref<128x128xf32, #tpu.memory_space<vmem>>, vector<1x16xf32>,
        %get3A_146 = vector.shape_cast %get3A_145 : vector<1x16xf32> to vector<16xf32>
        %mul3A_147 = vector.broadcast %squeeze3A_142 : f32 to vector<16xf32>
        %mul3A_148 = arith.mulf %get3A_146, %mul3A_147 : vector<16xf32>
        %swap3A_149 = arith.index_cast %scan3A_48 : i32 to index
        %swap3A_150 = arith.constant 112 : index
        %swap3A_151 = tpu.vector_load %arg18[%swap3A_149, %swap3A_150] {strides = array<i32>} : memref<128x128xf32, #tpu.memory_space<vmem>>, vector<1x16xf32>,
        %swap3A_152 = vector.shape_cast %swap3A_151 : vector<1x16xf32> to vector<16xf32>
        %swap3A_153 = vector.shape_cast %mul3A_148 : vector<16xf32> to vector<1x16xf32>
        tpu.vector_store %arg18[%swap3A_149, %swap3A_150], %swap3A_153 {strides = array<i32>} : memref<128x128xf32, #tpu.memory_space<vmem>>, vector<1x16xf32>,
        %scan3A_154 = arith.constant 0 : i32
        scf.yield %scan3A_154 : i32
      }
      %scan3A_46 = arith.constant 128 : i32
      "tpu.region"() ({
        %run_scoped3A = tpu.sem_alloc : memref<!tpu.dma_semaphore, #tpu.memory_space<semaphore_mem>>
        %dma_start3A_48 = arith.constant 0 : i32
        %dma_start3A_49 = arith.constant 0 : i32
        %dma_start3A_50 = tpu.memref_slice %arg12[%dma_start3A_48, %dma_start3A_49] : memref<10240x16xf32, #tpu.memory_space<vmem_shared>> -> memref<10240x16xf32, #tpu.memory_space<vmem_shared>>
        tpu.enqueue_indirect_dma source(%arg17 : memref<128x16xf32, #tpu.memory_space<vmem>>) target(%dma_start3A_50 : memref<10240x16xf32, #tpu.memory_space<vmem_shared>>) offsets(%arg14 : memref<128xi32, #tpu.memory_space<vmem>>) semaphore(%run_scoped3A : memref<!tpu.dma_semaphore, #tpu.memory_space<semaphore_mem>>) {add = true}
        %dma_wait3A_51 = arith.constant 0 : i32
        %dma_wait3A_52 = arith.constant 0 : i32
        %dma_wait3A_53 = tpu.memref_slice %arg12[%dma_wait3A_51, %dma_wait3A_52] : memref<10240x16xf32, #tpu.memory_space<vmem_shared>> -> memref<10240x16xf32, #tpu.memory_space<vmem_shared>>
        tpu.wait_indirect_dma semaphore(%run_scoped3A : memref<!tpu.dma_semaphore, #tpu.memory_space<semaphore_mem>>) src(%arg17 : memref<128x16xf32, #tpu.memory_space<vmem>>) dst(%dma_wait3A_53 : memref<10240x16xf32, #tpu.memory_space<vmem_shared>>)
        tpu.yield
      }) : () -> ()
      "tpu.region"() ({
        %run_scoped3A = tpu.sem_alloc : memref<!tpu.dma_semaphore, #tpu.memory_space<semaphore_mem>>
        %dma_start3A_48 = arith.constant 0 : i32
        %dma_start3A_49 = arith.constant 0 : i32
        %dma_start3A_50 = tpu.memref_slice %arg11[%dma_start3A_48, %dma_start3A_49] : memref<10240x128xf32, #tpu.memory_space<vmem_shared>> -> memref<10240x128xf32, #tpu.memory_space<vmem_shared>>
        tpu.enqueue_indirect_dma source(%arg18 : memref<128x128xf32, #tpu.memory_space<vmem>>) target(%dma_start3A_50 : memref<10240x128xf32, #tpu.memory_space<vmem_shared>>) offsets(%arg14 : memref<128xi32, #tpu.memory_space<vmem>>) semaphore(%run_scoped3A : memref<!tpu.dma_semaphore, #tpu.memory_space<semaphore_mem>>) {add = true}
        %dma_wait3A_51 = arith.constant 0 : i32
        %dma_wait3A_52 = arith.constant 0 : i32
        %dma_wait3A_53 = tpu.memref_slice %arg11[%dma_wait3A_51, %dma_wait3A_52] : memref<10240x128xf32, #tpu.memory_space<vmem_shared>> -> memref<10240x128xf32, #tpu.memory_space<vmem_shared>>
        tpu.wait_indirect_dma semaphore(%run_scoped3A : memref<!tpu.dma_semaphore, #tpu.memory_space<semaphore_mem>>) src(%arg18 : memref<128x128xf32, #tpu.memory_space<vmem>>) dst(%dma_wait3A_53 : memref<10240x128xf32, #tpu.memory_space<vmem_shared>>)
        tpu.yield
      }) : () -> ()
      %scan3A_47 = arith.constant 0 : i32
      scf.yield %scan3A_47 : i32
    }
    %scan3A_10 = arith.constant 82 : i32
    %barrier3A_11 = arith.constant 0 : index
    tpu.barrier barrier_id(%barrier3A_11)
    "tpu.region"() ({
      %run_scoped3A = tpu.sem_alloc : memref<!tpu.dma_semaphore, #tpu.memory_space<semaphore_mem>>
      %dma_start3A = arith.constant 0 : i32
      %dma_start3A_12 = tpu.memref_slice %arg9[%arg0, %mul3A_2, %dma_start3A] : memref<2x10240x128xf32, #tpu.memory_space<hbm>> -> memref<1x640x128xf32, #tpu.memory_space<hbm>>
      %dma_start3A_13 = tpu.memref_squeeze %dma_start3A_12 : memref<1x640x128xf32, #tpu.memory_space<hbm>> -> memref<640x128xf32, #tpu.memory_space<hbm>>
      %dma_start3A_14 = arith.constant 0 : i32
      %dma_start3A_15 = tpu.memref_slice %arg11[%mul3A_2, %dma_start3A_14] : memref<10240x128xf32, #tpu.memory_space<vmem_shared>> -> memref<640x128xf32, #tpu.memory_space<vmem_shared>>
      tpu.enqueue_dma source(%dma_start3A_15 : memref<640x128xf32, #tpu.memory_space<vmem_shared>>) target(%dma_start3A_13 : memref<640x128xf32, #tpu.memory_space<hbm>>) target_semaphore(%run_scoped3A : memref<!tpu.dma_semaphore, #tpu.memory_space<semaphore_mem>>)
      %dma_wait3A = arith.constant 0 : i32
      %dma_wait3A_16 = tpu.memref_slice %arg9[%arg0, %mul3A_2, %dma_wait3A] : memref<2x10240x128xf32, #tpu.memory_space<hbm>> -> memref<1x640x128xf32, #tpu.memory_space<hbm>>
      %dma_wait3A_17 = tpu.memref_squeeze %dma_wait3A_16 : memref<1x640x128xf32, #tpu.memory_space<hbm>> -> memref<640x128xf32, #tpu.memory_space<hbm>>
      %dma_wait3A_18 = arith.constant 0 : i32
      %dma_wait3A_19 = tpu.memref_slice %arg11[%mul3A_2, %dma_wait3A_18] : memref<10240x128xf32, #tpu.memory_space<vmem_shared>> -> memref<640x128xf32, #tpu.memory_space<vmem_shared>>
      tpu.wait_dma2 semaphore(%run_scoped3A : memref<!tpu.dma_semaphore, #tpu.memory_space<semaphore_mem>>) src(%dma_wait3A_19 : memref<640x128xf32, #tpu.memory_space<vmem_shared>>) dst(%dma_wait3A_17 : memref<640x128xf32, #tpu.memory_space<hbm>>)
      tpu.yield
    }) : () -> ()
    "tpu.region"() ({
      %run_scoped3A = tpu.sem_alloc : memref<!tpu.dma_semaphore, #tpu.memory_space<semaphore_mem>>
      %dma_start3A = arith.constant 0 : i32
      %dma_start3A_12 = tpu.memref_slice %arg10[%arg0, %mul3A_2, %dma_start3A] : memref<2x10240x16xf32, #tpu.memory_space<hbm>> -> memref<1x640x16xf32, #tpu.memory_space<hbm>>
      %dma_start3A_13 = tpu.memref_squeeze %dma_start3A_12 : memref<1x640x16xf32, #tpu.memory_space<hbm>> -> memref<640x16xf32, #tpu.memory_space<hbm>>
      %dma_start3A_14 = arith.constant 0 : i32
      %dma_start3A_15 = tpu.memref_slice %arg12[%mul3A_2, %dma_start3A_14] : memref<10240x16xf32, #tpu.memory_space<vmem_shared>> -> memref<640x16xf32, #tpu.memory_space<vmem_shared>>
      tpu.enqueue_dma source(%dma_start3A_15 : memref<640x16xf32, #tpu.memory_space<vmem_shared>>) target(%dma_start3A_13 : memref<640x16xf32, #tpu.memory_space<hbm>>) target_semaphore(%run_scoped3A : memref<!tpu.dma_semaphore, #tpu.memory_space<semaphore_mem>>)
      %dma_wait3A = arith.constant 0 : i32
      %dma_wait3A_16 = tpu.memref_slice %arg10[%arg0, %mul3A_2, %dma_wait3A] : memref<2x10240x16xf32, #tpu.memory_space<hbm>> -> memref<1x640x16xf32, #tpu.memory_space<hbm>>
      %dma_wait3A_17 = tpu.memref_squeeze %dma_wait3A_16 : memref<1x640x16xf32, #tpu.memory_space<hbm>> -> memref<640x16xf32, #tpu.memory_space<hbm>>
      %dma_wait3A_18 = arith.constant 0 : i32
      %dma_wait3A_19 = tpu.memref_slice %arg12[%mul3A_2, %dma_wait3A_18] : memref<10240x16xf32, #tpu.memory_space<vmem_shared>> -> memref<640x16xf32, #tpu.memory_space<vmem_shared>>
      tpu.wait_dma2 semaphore(%run_scoped3A : memref<!tpu.dma_semaphore, #tpu.memory_space<semaphore_mem>>) src(%dma_wait3A_19 : memref<640x16xf32, #tpu.memory_space<vmem_shared>>) dst(%dma_wait3A_17 : memref<640x16xf32, #tpu.memory_space<hbm>>)
      tpu.yield
    }) : () -> ()
    return
  }
}

#map = affine_map<(d0, d1) -> (0, 0)>
#map1 = affine_map<(d0, d1) -> (0)>
#map2 = affine_map<(d0, d1) -> (0, 0, 0)>
module attributes {stable_mosaic.version = 14 : i64} {
  func.func @agg(%arg0: i32, %arg1: i32, %arg2: memref<10240x128xf32, #tpu.memory_space<hbm>>, %arg3: memref<10240x16xf32, #tpu.memory_space<hbm>>, %arg4: memref<10240x16xf32, #tpu.memory_space<hbm>>, %arg5: memref<335872xi32, #tpu.memory_space<hbm>>, %arg6: memref<335872xi32, #tpu.memory_space<hbm>>, %arg7: memref<640x128xf32, #tpu.memory_space<hbm>>, %arg8: memref<640x16xf32, #tpu.memory_space<hbm>>, %arg9: memref<2x10240x128xf32, #tpu.memory_space<hbm>>, %arg10: memref<2x10240x16xf32, #tpu.memory_space<hbm>>, %arg11: memref<10240x128xf32, #tpu.memory_space<vmem_shared>>, %arg12: memref<10240x16xf32, #tpu.memory_space<vmem_shared>>, %arg13: memref<128xi32, #tpu.memory_space<vmem>>, %arg14: memref<128xi32, #tpu.memory_space<vmem>>, %arg15: memref<128x16xf32, #tpu.memory_space<vmem>>, %arg16: memref<128x16xf32, #tpu.memory_space<vmem>>, %arg17: memref<128x16xf32, #tpu.memory_space<vmem>>, %arg18: memref<128x128xf32, #tpu.memory_space<vmem>>, %arg19: memref<!tpu.dma_semaphore, #tpu.memory_space<semaphore_mem>>, %arg20: memref<!tpu.dma_semaphore, #tpu.memory_space<semaphore_mem>>) attributes {dimension_semantics = [#tpu.dimension_semantics<core_parallel>, #tpu.dimension_semantics<subcore_parallel>], iteration_bounds = array<i64: 2, 16>, scalar_prefetch = 0 : i64, scratch_operands = 10 : i64, tpu.core_type = #tpu.core_type<sc_vector_subcore>, window_params = [{transform_indices = #map}, {transform_indices = #map}, {transform_indices = #map}, {transform_indices = #map1}, {transform_indices = #map1}, {transform_indices = #map}, {transform_indices = #map}, {transform_indices = #map2}, {transform_indices = #map2}]} {
    %mul3A = arith.constant 2 : i32
    %mul3A_0 = arith.muli %arg1, %mul3A : i32
    %add3A = arith.addi %mul3A_0, %arg0 : i32
    %mul3A_1 = arith.constant 640 : i32
    %mul3A_2 = arith.muli %arg1, %mul3A_1 : i32
    "tpu.region"() ({
      %run_scoped3A = tpu.sem_alloc : memref<!tpu.dma_semaphore, #tpu.memory_space<semaphore_mem>>
      %dma_start3A = arith.constant 0 : i32
      %dma_start3A_12 = tpu.memref_slice %arg11[%mul3A_2, %dma_start3A] : memref<10240x128xf32, #tpu.memory_space<vmem_shared>> -> memref<640x128xf32, #tpu.memory_space<vmem_shared>>
      tpu.enqueue_dma source(%arg7 : memref<640x128xf32, #tpu.memory_space<hbm>>) target(%dma_start3A_12 : memref<640x128xf32, #tpu.memory_space<vmem_shared>>) target_semaphore(%run_scoped3A : memref<!tpu.dma_semaphore, #tpu.memory_space<semaphore_mem>>)
      %dma_wait3A = arith.constant 0 : i32
      %dma_wait3A_13 = tpu.memref_slice %arg11[%mul3A_2, %dma_wait3A] : memref<10240x128xf32, #tpu.memory_space<vmem_shared>> -> memref<640x128xf32, #tpu.memory_space<vmem_shared>>
      tpu.wait_dma2 semaphore(%run_scoped3A : memref<!tpu.dma_semaphore, #tpu.memory_space<semaphore_mem>>) src(%arg7 : memref<640x128xf32, #tpu.memory_space<hbm>>) dst(%dma_wait3A_13 : memref<640x128xf32, #tpu.memory_space<vmem_shared>>)
      tpu.yield
    }) : () -> ()
    "tpu.region"() ({
      %run_scoped3A = tpu.sem_alloc : memref<!tpu.dma_semaphore, #tpu.memory_space<semaphore_mem>>
      %dma_start3A = arith.constant 0 : i32
      %dma_start3A_12 = tpu.memref_slice %arg12[%mul3A_2, %dma_start3A] : memref<10240x16xf32, #tpu.memory_space<vmem_shared>> -> memref<640x16xf32, #tpu.memory_space<vmem_shared>>
      tpu.enqueue_dma source(%arg8 : memref<640x16xf32, #tpu.memory_space<hbm>>) target(%dma_start3A_12 : memref<640x16xf32, #tpu.memory_space<vmem_shared>>) target_semaphore(%run_scoped3A : memref<!tpu.dma_semaphore, #tpu.memory_space<semaphore_mem>>)
      %dma_wait3A = arith.constant 0 : i32
      %dma_wait3A_13 = tpu.memref_slice %arg12[%mul3A_2, %dma_wait3A] : memref<10240x16xf32, #tpu.memory_space<vmem_shared>> -> memref<640x16xf32, #tpu.memory_space<vmem_shared>>
      tpu.wait_dma2 semaphore(%run_scoped3A : memref<!tpu.dma_semaphore, #tpu.memory_space<semaphore_mem>>) src(%arg8 : memref<640x16xf32, #tpu.memory_space<hbm>>) dst(%dma_wait3A_13 : memref<640x16xf32, #tpu.memory_space<vmem_shared>>)
      tpu.yield
    }) : () -> ()
    %barrier3A = arith.constant 0 : index
    tpu.barrier barrier_id(%barrier3A)
    %mul3A_3 = arith.constant 10496 : i32
    %mul3A_4 = arith.muli %add3A, %mul3A_3 : i32
    %scan3A = arith.constant 0 : i32
    %scan3A_5 = arith.constant 0 : i32
    %scan3A_6 = arith.constant 82 : i32
    %scan3A_7 = arith.addi %scan3A_5, %scan3A_6 : i32
    %scan3A_8 = arith.constant 1 : i32
    %scan3A_9 = scf.for %scan3A_12 = %scan3A_5 to %scan3A_7 step %scan3A_8 iter_args(%scan3A_13 = %scan3A) -> (i32)  : i32 {
      %mul3A_14 = arith.constant 128 : i32
      %mul3A_15 = arith.muli %scan3A_12, %mul3A_14 : i32
      %add3A_16 = arith.addi %mul3A_4, %mul3A_15 : i32
      "tpu.region"() ({
        %run_scoped3A = tpu.sem_alloc : memref<!tpu.dma_semaphore, #tpu.memory_space<semaphore_mem>>
        %dma_start3A_48 = tpu.memref_slice %arg5[%add3A_16] : memref<335872xi32, #tpu.memory_space<hbm>> -> memref<128xi32, #tpu.memory_space<hbm>>
        %dma_start3A_49 = tpu.memref_slice %arg5[%add3A_16] : memref<335872xi32, #tpu.memory_space<hbm>> -> memref<128xi32, #tpu.memory_space<hbm>>
        tpu.enqueue_dma source(%dma_start3A_49 : memref<128xi32, #tpu.memory_space<hbm>>) target(%arg13 : memref<128xi32, #tpu.memory_space<vmem>>) target_semaphore(%run_scoped3A : memref<!tpu.dma_semaphore, #tpu.memory_space<semaphore_mem>>)
        %dma_wait3A_50 = tpu.memref_slice %arg5[%add3A_16] : memref<335872xi32, #tpu.memory_space<hbm>> -> memref<128xi32, #tpu.memory_space<hbm>>
        %dma_wait3A_51 = tpu.memref_slice %arg5[%add3A_16] : memref<335872xi32, #tpu.memory_space<hbm>> -> memref<128xi32, #tpu.memory_space<hbm>>
        tpu.wait_dma2 semaphore(%run_scoped3A : memref<!tpu.dma_semaphore, #tpu.memory_space<semaphore_mem>>) src(%dma_wait3A_51 : memref<128xi32, #tpu.memory_space<hbm>>) dst(%arg13 : memref<128xi32, #tpu.memory_space<vmem>>)
        tpu.yield
      }) : () -> ()
      "tpu.region"() ({
        %run_scoped3A = tpu.sem_alloc : memref<!tpu.dma_semaphore, #tpu.memory_space<semaphore_mem>>
        %dma_start3A_48 = tpu.memref_slice %arg6[%add3A_16] : memref<335872xi32, #tpu.memory_space<hbm>> -> memref<128xi32, #tpu.memory_space<hbm>>
        %dma_start3A_49 = tpu.memref_slice %arg6[%add3A_16] : memref<335872xi32, #tpu.memory_space<hbm>> -> memref<128xi32, #tpu.memory_space<hbm>>
        tpu.enqueue_dma source(%dma_start3A_49 : memref<128xi32, #tpu.memory_space<hbm>>) target(%arg14 : memref<128xi32, #tpu.memory_space<vmem>>) target_semaphore(%run_scoped3A : memref<!tpu.dma_semaphore, #tpu.memory_space<semaphore_mem>>)
        %dma_wait3A_50 = tpu.memref_slice %arg6[%add3A_16] : memref<335872xi32, #tpu.memory_space<hbm>> -> memref<128xi32, #tpu.memory_space<hbm>>
        %dma_wait3A_51 = tpu.memref_slice %arg6[%add3A_16] : memref<335872xi32, #tpu.memory_space<hbm>> -> memref<128xi32, #tpu.memory_space<hbm>>
        tpu.wait_dma2 semaphore(%run_scoped3A : memref<!tpu.dma_semaphore, #tpu.memory_space<semaphore_mem>>) src(%dma_wait3A_51 : memref<128xi32, #tpu.memory_space<hbm>>) dst(%arg14 : memref<128xi32, #tpu.memory_space<vmem>>)
        tpu.yield
      }) : () -> ()
      %dma_start3A = arith.constant 0 : i32
      %dma_start3A_17 = arith.constant 0 : i32
      %dma_start3A_18 = tpu.memref_slice %arg2[%dma_start3A, %dma_start3A_17] : memref<10240x128xf32, #tpu.memory_space<hbm>> -> memref<10240x128xf32, #tpu.memory_space<hbm>>
      tpu.enqueue_indirect_dma source(%dma_start3A_18 : memref<10240x128xf32, #tpu.memory_space<hbm>>) target(%arg18 : memref<128x128xf32, #tpu.memory_space<vmem>>) offsets(%arg13 : memref<128xi32, #tpu.memory_space<vmem>>) semaphore(%arg20 : memref<!tpu.dma_semaphore, #tpu.memory_space<semaphore_mem>>)
      %dma_start3A_19 = arith.constant 0 : i32
      %dma_start3A_20 = arith.constant 0 : i32
      %dma_start3A_21 = tpu.memref_slice %arg3[%dma_start3A_19, %dma_start3A_20] : memref<10240x16xf32, #tpu.memory_space<hbm>> -> memref<10240x16xf32, #tpu.memory_space<hbm>>
      tpu.enqueue_indirect_dma source(%dma_start3A_21 : memref<10240x16xf32, #tpu.memory_space<hbm>>) target(%arg15 : memref<128x16xf32, #tpu.memory_space<vmem>>) offsets(%arg13 : memref<128xi32, #tpu.memory_space<vmem>>) semaphore(%arg19 : memref<!tpu.dma_semaphore, #tpu.memory_space<semaphore_mem>>)
      %dma_start3A_22 = arith.constant 0 : i32
      %dma_start3A_23 = arith.constant 0 : i32
      %dma_start3A_24 = tpu.memref_slice %arg4[%dma_start3A_22, %dma_start3A_23] : memref<10240x16xf32, #tpu.memory_space<hbm>> -> memref<10240x16xf32, #tpu.memory_space<hbm>>
      tpu.enqueue_indirect_dma source(%dma_start3A_24 : memref<10240x16xf32, #tpu.memory_space<hbm>>) target(%arg16 : memref<128x16xf32, #tpu.memory_space<vmem>>) offsets(%arg14 : memref<128xi32, #tpu.memory_space<vmem>>) semaphore(%arg19 : memref<!tpu.dma_semaphore, #tpu.memory_space<semaphore_mem>>)
      %dma_wait3A = arith.constant 0 : i32
      %dma_wait3A_25 = arith.constant 0 : i32
      %dma_wait3A_26 = tpu.memref_slice %arg3[%dma_wait3A, %dma_wait3A_25] : memref<10240x16xf32, #tpu.memory_space<hbm>> -> memref<10240x16xf32, #tpu.memory_space<hbm>>
      tpu.wait_indirect_dma semaphore(%arg19 : memref<!tpu.dma_semaphore, #tpu.memory_space<semaphore_mem>>) src(%dma_wait3A_26 : memref<10240x16xf32, #tpu.memory_space<hbm>>) dst(%arg15 : memref<128x16xf32, #tpu.memory_space<vmem>>)
      %dma_wait3A_27 = arith.constant 0 : i32
      %dma_wait3A_28 = arith.constant 0 : i32
      %dma_wait3A_29 = tpu.memref_slice %arg4[%dma_wait3A_27, %dma_wait3A_28] : memref<10240x16xf32, #tpu.memory_space<hbm>> -> memref<10240x16xf32, #tpu.memory_space<hbm>>
      tpu.wait_indirect_dma semaphore(%arg19 : memref<!tpu.dma_semaphore, #tpu.memory_space<semaphore_mem>>) src(%dma_wait3A_29 : memref<10240x16xf32, #tpu.memory_space<hbm>>) dst(%arg16 : memref<128x16xf32, #tpu.memory_space<vmem>>)
      %scan3A_30 = arith.constant 0 : i32
      %scan3A_31 = arith.constant 0 : i32
      %scan3A_32 = arith.constant 128 : i32
      %scan3A_33 = arith.addi %scan3A_31, %scan3A_32 : i32
      %scan3A_34 = arith.constant 1 : i32
      %scan3A_35 = scf.for %scan3A_48 = %scan3A_31 to %scan3A_33 step %scan3A_34 iter_args(%scan3A_49 = %scan3A_30) -> (i32)  : i32 {
        %get3A = arith.index_cast %scan3A_48 : i32 to index
        %get3A_50 = arith.constant 0 : index
        %get3A_51 = tpu.vector_load %arg15[%get3A, %get3A_50] {strides = array<i32>} : memref<128x16xf32, #tpu.memory_space<vmem>>, vector<1x16xf32>,
        %get3A_52 = vector.shape_cast %get3A_51 : vector<1x16xf32> to vector<16xf32>
        %get3A_53 = arith.index_cast %scan3A_48 : i32 to index
        %get3A_54 = arith.constant 0 : index
        %get3A_55 = tpu.vector_load %arg16[%get3A_53, %get3A_54] {strides = array<i32>} : memref<128x16xf32, #tpu.memory_space<vmem>>, vector<1x16xf32>,
        %get3A_56 = vector.shape_cast %get3A_55 : vector<1x16xf32> to vector<16xf32>
        %add3A_57 = arith.addf %get3A_52, %get3A_56 : vector<16xf32>
        %gt3A = arith.constant 0.000000e+00 : f32
        %gt3A_58 = vector.broadcast %gt3A : f32 to vector<16xf32>
        %gt3A_59 = arith.cmpf ogt, %add3A_57, %gt3A_58 : vector<16xf32>
        %mul3A_60 = arith.constant 2.000000e-01 : f32
        %mul3A_61 = vector.broadcast %mul3A_60 : f32 to vector<16xf32>
        %mul3A_62 = arith.mulf %add3A_57, %mul3A_61 : vector<16xf32>
        %select_n3A = arith.select %gt3A_59, %add3A_57, %mul3A_62 : vector<16xi1>, vector<16xf32>
        %exp3A = math.exp %select_n3A : vector<16xf32>
        %swap3A = arith.index_cast %scan3A_48 : i32 to index
        %swap3A_63 = arith.constant 0 : index
        %swap3A_64 = tpu.vector_load %arg17[%swap3A, %swap3A_63] {strides = array<i32>} : memref<128x16xf32, #tpu.memory_space<vmem>>, vector<1x16xf32>,
        %swap3A_65 = vector.shape_cast %swap3A_64 : vector<1x16xf32> to vector<16xf32>
        %swap3A_66 = vector.shape_cast %exp3A : vector<16xf32> to vector<1x16xf32>
        tpu.vector_store %arg17[%swap3A, %swap3A_63], %swap3A_66 {strides = array<i32>} : memref<128x16xf32, #tpu.memory_space<vmem>>, vector<1x16xf32>,
        %scan3A_67 = arith.constant 0 : i32
        scf.yield %scan3A_67 : i32
      }
      %scan3A_36 = arith.constant 128 : i32
      %dma_wait3A_37 = arith.constant 0 : i32
      %dma_wait3A_38 = arith.constant 0 : i32
      %dma_wait3A_39 = tpu.memref_slice %arg2[%dma_wait3A_37, %dma_wait3A_38] : memref<10240x128xf32, #tpu.memory_space<hbm>> -> memref<10240x128xf32, #tpu.memory_space<hbm>>
      tpu.wait_indirect_dma semaphore(%arg20 : memref<!tpu.dma_semaphore, #tpu.memory_space<semaphore_mem>>) src(%dma_wait3A_39 : memref<10240x128xf32, #tpu.memory_space<hbm>>) dst(%arg18 : memref<128x128xf32, #tpu.memory_space<vmem>>)
      %scan3A_40 = arith.constant 0 : i32
      %scan3A_41 = arith.constant 0 : i32
      %scan3A_42 = arith.constant 128 : i32
      %scan3A_43 = arith.addi %scan3A_41, %scan3A_42 : i32
      %scan3A_44 = arith.constant 1 : i32
      %scan3A_45 = scf.for %scan3A_48 = %scan3A_41 to %scan3A_43 step %scan3A_44 iter_args(%scan3A_49 = %scan3A_40) -> (i32)  : i32 {
        %get3A = arith.index_cast %scan3A_48 : i32 to index
        %get3A_50 = arith.constant 0 : index
        %get3A_51 = tpu.vector_load %arg17[%get3A, %get3A_50] {strides = array<i32>} : memref<128x16xf32, #tpu.memory_space<vmem>>, vector<1x16xf32>,
        %get3A_52 = vector.shape_cast %get3A_51 : vector<1x16xf32> to vector<16xf32>
        %slice3A = vector.extract_strided_slice %get3A_52 {offsets = [0], sizes = [1], strides = [1]} : vector<16xf32> to vector<1xf32>
        %squeeze3A = vector.extract %slice3A[0] : f32 from vector<1xf32>
        %get3A_53 = arith.index_cast %scan3A_48 : i32 to index
        %get3A_54 = arith.constant 0 : index
        %get3A_55 = tpu.vector_load %arg18[%get3A_53, %get3A_54] {strides = array<i32>} : memref<128x128xf32, #tpu.memory_space<vmem>>, vector<1x16xf32>,
        %get3A_56 = vector.shape_cast %get3A_55 : vector<1x16xf32> to vector<16xf32>
        %mul3A_57 = vector.broadcast %squeeze3A : f32 to vector<16xf32>
        %mul3A_58 = arith.mulf %get3A_56, %mul3A_57 : vector<16xf32>
        %swap3A = arith.index_cast %scan3A_48 : i32 to index
        %swap3A_59 = arith.constant 0 : index
        %swap3A_60 = tpu.vector_load %arg18[%swap3A, %swap3A_59] {strides = array<i32>} : memref<128x128xf32, #tpu.memory_space<vmem>>, vector<1x16xf32>,
        %swap3A_61 = vector.shape_cast %swap3A_60 : vector<1x16xf32> to vector<16xf32>
        %swap3A_62 = vector.shape_cast %mul3A_58 : vector<16xf32> to vector<1x16xf32>
        tpu.vector_store %arg18[%swap3A, %swap3A_59], %swap3A_62 {strides = array<i32>} : memref<128x128xf32, #tpu.memory_space<vmem>>, vector<1x16xf32>,
        %slice3A_63 = vector.extract_strided_slice %get3A_52 {offsets = [1], sizes = [1], strides = [1]} : vector<16xf32> to vector<1xf32>
        %squeeze3A_64 = vector.extract %slice3A_63[0] : f32 from vector<1xf32>
        %get3A_65 = arith.index_cast %scan3A_48 : i32 to index
        %get3A_66 = arith.constant 16 : index
        %get3A_67 = tpu.vector_load %arg18[%get3A_65, %get3A_66] {strides = array<i32>} : memref<128x128xf32, #tpu.memory_space<vmem>>, vector<1x16xf32>,
        %get3A_68 = vector.shape_cast %get3A_67 : vector<1x16xf32> to vector<16xf32>
        %mul3A_69 = vector.broadcast %squeeze3A_64 : f32 to vector<16xf32>
        %mul3A_70 = arith.mulf %get3A_68, %mul3A_69 : vector<16xf32>
        %swap3A_71 = arith.index_cast %scan3A_48 : i32 to index
        %swap3A_72 = arith.constant 16 : index
        %swap3A_73 = tpu.vector_load %arg18[%swap3A_71, %swap3A_72] {strides = array<i32>} : memref<128x128xf32, #tpu.memory_space<vmem>>, vector<1x16xf32>,
        %swap3A_74 = vector.shape_cast %swap3A_73 : vector<1x16xf32> to vector<16xf32>
        %swap3A_75 = vector.shape_cast %mul3A_70 : vector<16xf32> to vector<1x16xf32>
        tpu.vector_store %arg18[%swap3A_71, %swap3A_72], %swap3A_75 {strides = array<i32>} : memref<128x128xf32, #tpu.memory_space<vmem>>, vector<1x16xf32>,
        %slice3A_76 = vector.extract_strided_slice %get3A_52 {offsets = [2], sizes = [1], strides = [1]} : vector<16xf32> to vector<1xf32>
        %squeeze3A_77 = vector.extract %slice3A_76[0] : f32 from vector<1xf32>
        %get3A_78 = arith.index_cast %scan3A_48 : i32 to index
        %get3A_79 = arith.constant 32 : index
        %get3A_80 = tpu.vector_load %arg18[%get3A_78, %get3A_79] {strides = array<i32>} : memref<128x128xf32, #tpu.memory_space<vmem>>, vector<1x16xf32>,
        %get3A_81 = vector.shape_cast %get3A_80 : vector<1x16xf32> to vector<16xf32>
        %mul3A_82 = vector.broadcast %squeeze3A_77 : f32 to vector<16xf32>
        %mul3A_83 = arith.mulf %get3A_81, %mul3A_82 : vector<16xf32>
        %swap3A_84 = arith.index_cast %scan3A_48 : i32 to index
        %swap3A_85 = arith.constant 32 : index
        %swap3A_86 = tpu.vector_load %arg18[%swap3A_84, %swap3A_85] {strides = array<i32>} : memref<128x128xf32, #tpu.memory_space<vmem>>, vector<1x16xf32>,
        %swap3A_87 = vector.shape_cast %swap3A_86 : vector<1x16xf32> to vector<16xf32>
        %swap3A_88 = vector.shape_cast %mul3A_83 : vector<16xf32> to vector<1x16xf32>
        tpu.vector_store %arg18[%swap3A_84, %swap3A_85], %swap3A_88 {strides = array<i32>} : memref<128x128xf32, #tpu.memory_space<vmem>>, vector<1x16xf32>,
        %slice3A_89 = vector.extract_strided_slice %get3A_52 {offsets = [3], sizes = [1], strides = [1]} : vector<16xf32> to vector<1xf32>
        %squeeze3A_90 = vector.extract %slice3A_89[0] : f32 from vector<1xf32>
        %get3A_91 = arith.index_cast %scan3A_48 : i32 to index
        %get3A_92 = arith.constant 48 : index
        %get3A_93 = tpu.vector_load %arg18[%get3A_91, %get3A_92] {strides = array<i32>} : memref<128x128xf32, #tpu.memory_space<vmem>>, vector<1x16xf32>,
        %get3A_94 = vector.shape_cast %get3A_93 : vector<1x16xf32> to vector<16xf32>
        %mul3A_95 = vector.broadcast %squeeze3A_90 : f32 to vector<16xf32>
        %mul3A_96 = arith.mulf %get3A_94, %mul3A_95 : vector<16xf32>
        %swap3A_97 = arith.index_cast %scan3A_48 : i32 to index
        %swap3A_98 = arith.constant 48 : index
        %swap3A_99 = tpu.vector_load %arg18[%swap3A_97, %swap3A_98] {strides = array<i32>} : memref<128x128xf32, #tpu.memory_space<vmem>>, vector<1x16xf32>,
        %swap3A_100 = vector.shape_cast %swap3A_99 : vector<1x16xf32> to vector<16xf32>
        %swap3A_101 = vector.shape_cast %mul3A_96 : vector<16xf32> to vector<1x16xf32>
        tpu.vector_store %arg18[%swap3A_97, %swap3A_98], %swap3A_101 {strides = array<i32>} : memref<128x128xf32, #tpu.memory_space<vmem>>, vector<1x16xf32>,
        %slice3A_102 = vector.extract_strided_slice %get3A_52 {offsets = [4], sizes = [1], strides = [1]} : vector<16xf32> to vector<1xf32>
        %squeeze3A_103 = vector.extract %slice3A_102[0] : f32 from vector<1xf32>
        %get3A_104 = arith.index_cast %scan3A_48 : i32 to index
        %get3A_105 = arith.constant 64 : index
        %get3A_106 = tpu.vector_load %arg18[%get3A_104, %get3A_105] {strides = array<i32>} : memref<128x128xf32, #tpu.memory_space<vmem>>, vector<1x16xf32>,
        %get3A_107 = vector.shape_cast %get3A_106 : vector<1x16xf32> to vector<16xf32>
        %mul3A_108 = vector.broadcast %squeeze3A_103 : f32 to vector<16xf32>
        %mul3A_109 = arith.mulf %get3A_107, %mul3A_108 : vector<16xf32>
        %swap3A_110 = arith.index_cast %scan3A_48 : i32 to index
        %swap3A_111 = arith.constant 64 : index
        %swap3A_112 = tpu.vector_load %arg18[%swap3A_110, %swap3A_111] {strides = array<i32>} : memref<128x128xf32, #tpu.memory_space<vmem>>, vector<1x16xf32>,
        %swap3A_113 = vector.shape_cast %swap3A_112 : vector<1x16xf32> to vector<16xf32>
        %swap3A_114 = vector.shape_cast %mul3A_109 : vector<16xf32> to vector<1x16xf32>
        tpu.vector_store %arg18[%swap3A_110, %swap3A_111], %swap3A_114 {strides = array<i32>} : memref<128x128xf32, #tpu.memory_space<vmem>>, vector<1x16xf32>,
        %slice3A_115 = vector.extract_strided_slice %get3A_52 {offsets = [5], sizes = [1], strides = [1]} : vector<16xf32> to vector<1xf32>
        %squeeze3A_116 = vector.extract %slice3A_115[0] : f32 from vector<1xf32>
        %get3A_117 = arith.index_cast %scan3A_48 : i32 to index
        %get3A_118 = arith.constant 80 : index
        %get3A_119 = tpu.vector_load %arg18[%get3A_117, %get3A_118] {strides = array<i32>} : memref<128x128xf32, #tpu.memory_space<vmem>>, vector<1x16xf32>,
        %get3A_120 = vector.shape_cast %get3A_119 : vector<1x16xf32> to vector<16xf32>
        %mul3A_121 = vector.broadcast %squeeze3A_116 : f32 to vector<16xf32>
        %mul3A_122 = arith.mulf %get3A_120, %mul3A_121 : vector<16xf32>
        %swap3A_123 = arith.index_cast %scan3A_48 : i32 to index
        %swap3A_124 = arith.constant 80 : index
        %swap3A_125 = tpu.vector_load %arg18[%swap3A_123, %swap3A_124] {strides = array<i32>} : memref<128x128xf32, #tpu.memory_space<vmem>>, vector<1x16xf32>,
        %swap3A_126 = vector.shape_cast %swap3A_125 : vector<1x16xf32> to vector<16xf32>
        %swap3A_127 = vector.shape_cast %mul3A_122 : vector<16xf32> to vector<1x16xf32>
        tpu.vector_store %arg18[%swap3A_123, %swap3A_124], %swap3A_127 {strides = array<i32>} : memref<128x128xf32, #tpu.memory_space<vmem>>, vector<1x16xf32>,
        %slice3A_128 = vector.extract_strided_slice %get3A_52 {offsets = [6], sizes = [1], strides = [1]} : vector<16xf32> to vector<1xf32>
        %squeeze3A_129 = vector.extract %slice3A_128[0] : f32 from vector<1xf32>
        %get3A_130 = arith.index_cast %scan3A_48 : i32 to index
        %get3A_131 = arith.constant 96 : index
        %get3A_132 = tpu.vector_load %arg18[%get3A_130, %get3A_131] {strides = array<i32>} : memref<128x128xf32, #tpu.memory_space<vmem>>, vector<1x16xf32>,
        %get3A_133 = vector.shape_cast %get3A_132 : vector<1x16xf32> to vector<16xf32>
        %mul3A_134 = vector.broadcast %squeeze3A_129 : f32 to vector<16xf32>
        %mul3A_135 = arith.mulf %get3A_133, %mul3A_134 : vector<16xf32>
        %swap3A_136 = arith.index_cast %scan3A_48 : i32 to index
        %swap3A_137 = arith.constant 96 : index
        %swap3A_138 = tpu.vector_load %arg18[%swap3A_136, %swap3A_137] {strides = array<i32>} : memref<128x128xf32, #tpu.memory_space<vmem>>, vector<1x16xf32>,
        %swap3A_139 = vector.shape_cast %swap3A_138 : vector<1x16xf32> to vector<16xf32>
        %swap3A_140 = vector.shape_cast %mul3A_135 : vector<16xf32> to vector<1x16xf32>
        tpu.vector_store %arg18[%swap3A_136, %swap3A_137], %swap3A_140 {strides = array<i32>} : memref<128x128xf32, #tpu.memory_space<vmem>>, vector<1x16xf32>,
        %slice3A_141 = vector.extract_strided_slice %get3A_52 {offsets = [7], sizes = [1], strides = [1]} : vector<16xf32> to vector<1xf32>
        %squeeze3A_142 = vector.extract %slice3A_141[0] : f32 from vector<1xf32>
        %get3A_143 = arith.index_cast %scan3A_48 : i32 to index
        %get3A_144 = arith.constant 112 : index
        %get3A_145 = tpu.vector_load %arg18[%get3A_143, %get3A_144] {strides = array<i32>} : memref<128x128xf32, #tpu.memory_space<vmem>>, vector<1x16xf32>,
        %get3A_146 = vector.shape_cast %get3A_145 : vector<1x16xf32> to vector<16xf32>
        %mul3A_147 = vector.broadcast %squeeze3A_142 : f32 to vector<16xf32>
        %mul3A_148 = arith.mulf %get3A_146, %mul3A_147 : vector<16xf32>
        %swap3A_149 = arith.index_cast %scan3A_48 : i32 to index
        %swap3A_150 = arith.constant 112 : index
        %swap3A_151 = tpu.vector_load %arg18[%swap3A_149, %swap3A_150] {strides = array<i32>} : memref<128x128xf32, #tpu.memory_space<vmem>>, vector<1x16xf32>,
        %swap3A_152 = vector.shape_cast %swap3A_151 : vector<1x16xf32> to vector<16xf32>
        %swap3A_153 = vector.shape_cast %mul3A_148 : vector<16xf32> to vector<1x16xf32>
        tpu.vector_store %arg18[%swap3A_149, %swap3A_150], %swap3A_153 {strides = array<i32>} : memref<128x128xf32, #tpu.memory_space<vmem>>, vector<1x16xf32>,
        %scan3A_154 = arith.constant 0 : i32
        scf.yield %scan3A_154 : i32
      }
      %scan3A_46 = arith.constant 128 : i32
      "tpu.region"() ({
        %run_scoped3A = tpu.sem_alloc : memref<!tpu.dma_semaphore, #tpu.memory_space<semaphore_mem>>
        %dma_start3A_48 = arith.constant 0 : i32
        %dma_start3A_49 = arith.constant 0 : i32
        %dma_start3A_50 = tpu.memref_slice %arg12[%dma_start3A_48, %dma_start3A_49] : memref<10240x16xf32, #tpu.memory_space<vmem_shared>> -> memref<10240x16xf32, #tpu.memory_space<vmem_shared>>
        tpu.enqueue_indirect_dma source(%arg17 : memref<128x16xf32, #tpu.memory_space<vmem>>) target(%dma_start3A_50 : memref<10240x16xf32, #tpu.memory_space<vmem_shared>>) offsets(%arg14 : memref<128xi32, #tpu.memory_space<vmem>>) semaphore(%run_scoped3A : memref<!tpu.dma_semaphore, #tpu.memory_space<semaphore_mem>>) {add = true}
        %dma_wait3A_51 = arith.constant 0 : i32
        %dma_wait3A_52 = arith.constant 0 : i32
        %dma_wait3A_53 = tpu.memref_slice %arg12[%dma_wait3A_51, %dma_wait3A_52] : memref<10240x16xf32, #tpu.memory_space<vmem_shared>> -> memref<10240x16xf32, #tpu.memory_space<vmem_shared>>
        tpu.wait_indirect_dma semaphore(%run_scoped3A : memref<!tpu.dma_semaphore, #tpu.memory_space<semaphore_mem>>) src(%arg17 : memref<128x16xf32, #tpu.memory_space<vmem>>) dst(%dma_wait3A_53 : memref<10240x16xf32, #tpu.memory_space<vmem_shared>>)
        tpu.yield
      }) : () -> ()
      "tpu.region"() ({
        %run_scoped3A = tpu.sem_alloc : memref<!tpu.dma_semaphore, #tpu.memory_space<semaphore_mem>>
        %dma_start3A_48 = arith.constant 0 : i32
        %dma_start3A_49 = arith.constant 0 : i32
        %dma_start3A_50 = tpu.memref_slice %arg11[%dma_start3A_48, %dma_start3A_49] : memref<10240x128xf32, #tpu.memory_space<vmem_shared>> -> memref<10240x128xf32, #tpu.memory_space<vmem_shared>>
        tpu.enqueue_indirect_dma source(%arg18 : memref<128x128xf32, #tpu.memory_space<vmem>>) target(%dma_start3A_50 : memref<10240x128xf32, #tpu.memory_space<vmem_shared>>) offsets(%arg14 : memref<128xi32, #tpu.memory_space<vmem>>) semaphore(%run_scoped3A : memref<!tpu.dma_semaphore, #tpu.memory_space<semaphore_mem>>) {add = true}
        %dma_wait3A_51 = arith.constant 0 : i32
        %dma_wait3A_52 = arith.constant 0 : i32
        %dma_wait3A_53 = tpu.memref_slice %arg11[%dma_wait3A_51, %dma_wait3A_52] : memref<10240x128xf32, #tpu.memory_space<vmem_shared>> -> memref<10240x128xf32, #tpu.memory_space<vmem_shared>>
        tpu.wait_indirect_dma semaphore(%run_scoped3A : memref<!tpu.dma_semaphore, #tpu.memory_space<semaphore_mem>>) src(%arg18 : memref<128x128xf32, #tpu.memory_space<vmem>>) dst(%dma_wait3A_53 : memref<10240x128xf32, #tpu.memory_space<vmem_shared>>)
        tpu.yield
      }) : () -> ()
      %scan3A_47 = arith.constant 0 : i32
      scf.yield %scan3A_47 : i32
    }
    %scan3A_10 = arith.constant 82 : i32
    %barrier3A_11 = arith.constant 0 : index
    tpu.barrier barrier_id(%barrier3A_11)
    "tpu.region"() ({
      %run_scoped3A = tpu.sem_alloc : memref<!tpu.dma_semaphore, #tpu.memory_space<semaphore_mem>>
      %dma_start3A = arith.constant 0 : i32
      %dma_start3A_12 = tpu.memref_slice %arg9[%arg0, %mul3A_2, %dma_start3A] : memref<2x10240x128xf32, #tpu.memory_space<hbm>> -> memref<1x640x128xf32, #tpu.memory_space<hbm>>
      %dma_start3A_13 = tpu.memref_squeeze %dma_start3A_12 : memref<1x640x128xf32, #tpu.memory_space<hbm>> -> memref<640x128xf32, #tpu.memory_space<hbm>>
      %dma_start3A_14 = arith.constant 0 : i32
      %dma_start3A_15 = tpu.memref_slice %arg11[%mul3A_2, %dma_start3A_14] : memref<10240x128xf32, #tpu.memory_space<vmem_shared>> -> memref<640x128xf32, #tpu.memory_space<vmem_shared>>
      tpu.enqueue_dma source(%dma_start3A_15 : memref<640x128xf32, #tpu.memory_space<vmem_shared>>) target(%dma_start3A_13 : memref<640x128xf32, #tpu.memory_space<hbm>>) target_semaphore(%run_scoped3A : memref<!tpu.dma_semaphore, #tpu.memory_space<semaphore_mem>>)
      %dma_wait3A = arith.constant 0 : i32
      %dma_wait3A_16 = tpu.memref_slice %arg9[%arg0, %mul3A_2, %dma_wait3A] : memref<2x10240x128xf32, #tpu.memory_space<hbm>> -> memref<1x640x128xf32, #tpu.memory_space<hbm>>
      %dma_wait3A_17 = tpu.memref_squeeze %dma_wait3A_16 : memref<1x640x128xf32, #tpu.memory_space<hbm>> -> memref<640x128xf32, #tpu.memory_space<hbm>>
      %dma_wait3A_18 = arith.constant 0 : i32
      %dma_wait3A_19 = tpu.memref_slice %arg11[%mul3A_2, %dma_wait3A_18] : memref<10240x128xf32, #tpu.memory_space<vmem_shared>> -> memref<640x128xf32, #tpu.memory_space<vmem_shared>>
      tpu.wait_dma2 semaphore(%run_scoped3A : memref<!tpu.dma_semaphore, #tpu.memory_space<semaphore_mem>>) src(%dma_wait3A_19 : memref<640x128xf32, #tpu.memory_space<vmem_shared>>) dst(%dma_wait3A_17 : memref<640x128xf32, #tpu.memory_space<hbm>>)
      tpu.yield
    }) : () -> ()
    "tpu.region"() ({
      %run_scoped3A = tpu.sem_alloc : memref<!tpu.dma_semaphore, #tpu.memory_space<semaphore_mem>>
      %dma_start3A = arith.constant 0 : i32
      %dma_start3A_12 = tpu.memref_slice %arg10[%arg0, %mul3A_2, %dma_start3A] : memref<2x10240x16xf32, #tpu.memory_space<hbm>> -> memref<1x640x16xf32, #tpu.memory_space<hbm>>
      %dma_start3A_13 = tpu.memref_squeeze %dma_start3A_12 : memref<1x640x16xf32, #tpu.memory_space<hbm>> -> memref<640x16xf32, #tpu.memory_space<hbm>>
      %dma_start3A_14 = arith.constant 0 : i32
      %dma_start3A_15 = tpu.memref_slice %arg12[%mul3A_2, %dma_start3A_14] : memref<10240x16xf32, #tpu.memory_space<vmem_shared>> -> memref<640x16xf32, #tpu.memory_space<vmem_shared>>
      tpu.enqueue_dma source(%dma_start3A_15 : memref<640x16xf32, #tpu.memory_space<vmem_shared>>) target(%dma_start3A_13 : memref<640x16xf32, #tpu.memory_space<hbm>>) target_semaphore(%run_scoped3A : memref<!tpu.dma_semaphore, #tpu.memory_space<semaphore_mem>>)
      %dma_wait3A = arith.constant 0 : i32
      %dma_wait3A_16 = tpu.memref_slice %arg10[%arg0, %mul3A_2, %dma_wait3A] : memref<2x10240x16xf32, #tpu.memory_space<hbm>> -> memref<1x640x16xf32, #tpu.memory_space<hbm>>
      %dma_wait3A_17 = tpu.memref_squeeze %dma_wait3A_16 : memref<1x640x16xf32, #tpu.memory_space<hbm>> -> memref<640x16xf32, #tpu.memory_space<hbm>>
      %dma_wait3A_18 = arith.constant 0 : i32
      %dma_wait3A_19 = tpu.memref_slice %arg12[%mul3A_2, %dma_wait3A_18] : memref<10240x16xf32, #tpu.memory_space<vmem_shared>> -> memref<640x16xf32, #tpu.memory_space<vmem_shared>>
      tpu.wait_dma2 semaphore(%run_scoped3A : memref<!tpu.dma_semaphore, #tpu.memory_space<semaphore_mem>>) src(%dma_wait3A_19 : memref<640x16xf32, #tpu.memory_space<vmem_shared>>) dst(%dma_wait3A_17 : memref<640x16xf32, #tpu.memory_space<hbm>>)
      tpu.yield
    }) : () -> ()
    return
  }
}

module attributes {stable_mosaic.version = 14 : i64} {
  func.func @_k1_body(%arg0: i32, %arg1: memref<512x128xf32, #tpu.memory_space<vmem>>, %arg2: memref<128x128xf32, #tpu.memory_space<vmem>>, %arg3: memref<128x16xf32, #tpu.memory_space<vmem>>, %arg4: memref<128x16xf32, #tpu.memory_space<vmem>>, %arg5: memref<512x128xf32, #tpu.memory_space<vmem>>, %arg6: memref<512x16xf32, #tpu.memory_space<vmem>>, %arg7: memref<512x16xf32, #tpu.memory_space<vmem>>) attributes {dimension_semantics = [#tpu.dimension_semantics<arbitrary>], iteration_bounds = array<i64: 20>, scalar_prefetch = 0 : i64, scratch_operands = 0 : i64, tpu.core_type = #tpu.core_type<tc>, window_params = [{transform_indices = @transform_0, window_bounds = array<i64: 512, 128>}, {pipeline_mode = #tpu.pipeline_mode<synchronous>, transform_indices = @transform_1, window_bounds = array<i64: 128, 128>}, {pipeline_mode = #tpu.pipeline_mode<synchronous>, transform_indices = @transform_2, window_bounds = array<i64: 128, 16>}, {pipeline_mode = #tpu.pipeline_mode<synchronous>, transform_indices = @transform_3, window_bounds = array<i64: 128, 16>}, {transform_indices = @transform_4, window_bounds = array<i64: 512, 128>}, {transform_indices = @transform_5, window_bounds = array<i64: 512, 16>}, {transform_indices = @transform_6, window_bounds = array<i64: 512, 16>}]} {
    %get3A = arith.constant 0 : index
    %get3A_0 = arith.constant 0 : index
    %get3A_1 = vector.load %arg1[%get3A, %get3A_0] : memref<512x128xf32, #tpu.memory_space<vmem>>, vector<512x128xf32>
    %get3A_2 = arith.constant 0 : index
    %get3A_3 = arith.constant 0 : index
    %get3A_4 = vector.load %arg2[%get3A_2, %get3A_3] : memref<128x128xf32, #tpu.memory_space<vmem>>, vector<128x128xf32>
    %dot_general3A = arith.constant dense<0.000000e+00> : vector<512x128xf32>
    %dot_general3A_5 = tpu.matmul %get3A_1, %get3A_4, %dot_general3A {dimension_numbers = #tpu.dot_dimension_numbers<[1], [0], [0], [1], [0, 0, 1, 1], [], []>, transpose_lhs_hint = false} : vector<512x128xf32>, vector<128x128xf32>, vector<512x128xf32> -> vector<512x128xf32>
    %swap3A = arith.constant 0 : index
    %swap3A_6 = arith.constant 0 : index
    %swap3A_7 = vector.load %arg5[%swap3A, %swap3A_6] : memref<512x128xf32, #tpu.memory_space<vmem>>, vector<512x128xf32>
    tpu.vector_store %arg5[%swap3A, %swap3A_6], %dot_general3A_5 {strides = array<i32>} : memref<512x128xf32, #tpu.memory_space<vmem>>, vector<512x128xf32>,
    %get3A_8 = arith.constant 0 : index
    %get3A_9 = arith.constant 0 : index
    %get3A_10 = vector.load %arg3[%get3A_8, %get3A_9] : memref<128x16xf32, #tpu.memory_space<vmem>>, vector<128x16xf32>
    %dot_general3A_11 = arith.constant dense<0.000000e+00> : vector<512x16xf32>
    %dot_general3A_12 = tpu.matmul %dot_general3A_5, %get3A_10, %dot_general3A_11 {dimension_numbers = #tpu.dot_dimension_numbers<[1], [0], [0], [1], [0, 0, 1, 1], [], []>, transpose_lhs_hint = false} : vector<512x128xf32>, vector<128x16xf32>, vector<512x16xf32> -> vector<512x16xf32>
    %swap3A_13 = arith.constant 0 : index
    %swap3A_14 = arith.constant 0 : index
    %swap3A_15 = vector.load %arg6[%swap3A_13, %swap3A_14] : memref<512x16xf32, #tpu.memory_space<vmem>>, vector<512x16xf32>
    tpu.vector_store %arg6[%swap3A_13, %swap3A_14], %dot_general3A_12 {strides = array<i32>} : memref<512x16xf32, #tpu.memory_space<vmem>>, vector<512x16xf32>,
    %get3A_16 = arith.constant 0 : index
    %get3A_17 = arith.constant 0 : index
    %get3A_18 = vector.load %arg4[%get3A_16, %get3A_17] : memref<128x16xf32, #tpu.memory_space<vmem>>, vector<128x16xf32>
    %dot_general3A_19 = arith.constant dense<0.000000e+00> : vector<512x16xf32>
    %dot_general3A_20 = tpu.matmul %dot_general3A_5, %get3A_18, %dot_general3A_19 {dimension_numbers = #tpu.dot_dimension_numbers<[1], [0], [0], [1], [0, 0, 1, 1], [], []>, transpose_lhs_hint = false} : vector<512x128xf32>, vector<128x16xf32>, vector<512x16xf32> -> vector<512x16xf32>
    %swap3A_21 = arith.constant 0 : index
    %swap3A_22 = arith.constant 0 : index
    %swap3A_23 = vector.load %arg7[%swap3A_21, %swap3A_22] : memref<512x16xf32, #tpu.memory_space<vmem>>, vector<512x16xf32>
    tpu.vector_store %arg7[%swap3A_21, %swap3A_22], %dot_general3A_20 {strides = array<i32>} : memref<512x16xf32, #tpu.memory_space<vmem>>, vector<512x16xf32>,
    return
  }
  func.func @transform_0(%arg0: i32) -> (i32, i32) {
    %c0_i32 = arith.constant 0 : i32
    %c0_i32_0 = arith.constant 0 : i32
    return %arg0, %c0_i32 : i32, i32
  }
  func.func @transform_1(%arg0: i32) -> (i32, i32) {
    %c0_i32 = arith.constant 0 : i32
    %c0_i32_0 = arith.constant 0 : i32
    %c0_i32_1 = arith.constant 0 : i32
    return %c0_i32, %c0_i32_0 : i32, i32
  }
  func.func @transform_2(%arg0: i32) -> (i32, i32) {
    %c0_i32 = arith.constant 0 : i32
    %c0_i32_0 = arith.constant 0 : i32
    %c0_i32_1 = arith.constant 0 : i32
    return %c0_i32, %c0_i32_0 : i32, i32
  }
  func.func @transform_3(%arg0: i32) -> (i32, i32) {
    %c0_i32 = arith.constant 0 : i32
    %c0_i32_0 = arith.constant 0 : i32
    %c0_i32_1 = arith.constant 0 : i32
    return %c0_i32, %c0_i32_0 : i32, i32
  }
  func.func @transform_4(%arg0: i32) -> (i32, i32) {
    %c0_i32 = arith.constant 0 : i32
    %c0_i32_0 = arith.constant 0 : i32
    return %arg0, %c0_i32 : i32, i32
  }
  func.func @transform_5(%arg0: i32) -> (i32, i32) {
    %c0_i32 = arith.constant 0 : i32
    %c0_i32_0 = arith.constant 0 : i32
    return %arg0, %c0_i32 : i32, i32
  }
  func.func @transform_6(%arg0: i32) -> (i32, i32) {
    %c0_i32 = arith.constant 0 : i32
    %c0_i32_0 = arith.constant 0 : i32
    return %arg0, %c0_i32 : i32, i32
  }
}

module attributes {stable_mosaic.version = 14 : i64} {
  func.func @_k2_body(%arg0: i32, %arg1: memref<2x512x128xf32, #tpu.memory_space<vmem>>, %arg2: memref<2x512x16xf32, #tpu.memory_space<vmem>>, %arg3: memref<1x128xf32, #tpu.memory_space<vmem>>, %arg4: memref<16x128xf32, #tpu.memory_space<vmem>>, %arg5: memref<128x32xf32, #tpu.memory_space<vmem>>, %arg6: memref<32x16xf32, #tpu.memory_space<vmem>>, %arg7: memref<32x16xf32, #tpu.memory_space<vmem>>, %arg8: memref<128x32xf32, #tpu.memory_space<vmem>>, %arg9: memref<32x16xf32, #tpu.memory_space<vmem>>, %arg10: memref<32x16xf32, #tpu.memory_space<vmem>>, %arg11: memref<512x32xf32, #tpu.memory_space<vmem>>, %arg12: memref<512x16xf32, #tpu.memory_space<vmem>>, %arg13: memref<512x16xf32, #tpu.memory_space<vmem>>, %arg14: memref<512x32xf32, #tpu.memory_space<vmem>>, %arg15: memref<512x16xf32, #tpu.memory_space<vmem>>, %arg16: memref<512x16xf32, #tpu.memory_space<vmem>>) attributes {dimension_semantics = [#tpu.dimension_semantics<arbitrary>], iteration_bounds = array<i64: 20>, scalar_prefetch = 0 : i64, scratch_operands = 0 : i64, tpu.core_type = #tpu.core_type<tc>, window_params = [{transform_indices = @transform_0, window_bounds = array<i64: 2, 512, 128>}, {transform_indices = @transform_1, window_bounds = array<i64: 2, 512, 16>}, {pipeline_mode = #tpu.pipeline_mode<synchronous>, transform_indices = @transform_2, window_bounds = array<i64: 1, 128>}, {pipeline_mode = #tpu.pipeline_mode<synchronous>, transform_indices = @transform_3, window_bounds = array<i64: 16, 128>}, {pipeline_mode = #tpu.pipeline_mode<synchronous>, transform_indices = @transform_4, window_bounds = array<i64: 128, 32>}, {pipeline_mode = #tpu.pipeline_mode<synchronous>, transform_indices = @transform_5, window_bounds = array<i64: 32, 16>}, {pipeline_mode = #tpu.pipeline_mode<synchronous>, transform_indices = @transform_6, window_bounds = array<i64: 32, 16>}, {pipeline_mode = #tpu.pipeline_mode<synchronous>, transform_indices = @transform_7, window_bounds = array<i64: 128, 32>}, {pipeline_mode = #tpu.pipeline_mode<synchronous>, transform_indices = @transform_8, window_bounds = array<i64: 32, 16>}, {pipeline_mode = #tpu.pipeline_mode<synchronous>, transform_indices = @transform_9, window_bounds = array<i64: 32, 16>}, {transform_indices = @transform_10, window_bounds = array<i64: 512, 32>}, {transform_indices = @transform_11, window_bounds = array<i64: 512, 16>}, {transform_indices = @transform_12, window_bounds = array<i64: 512, 16>}, {transform_indices = @transform_13, window_bounds = array<i64: 512, 32>}, {transform_indices = @transform_14, window_bounds = array<i64: 512, 16>}, {transform_indices = @transform_15, window_bounds = array<i64: 512, 16>}]} {
    %get3A = arith.constant 0 : index
    %get3A_0 = arith.constant 0 : index
    %get3A_1 = arith.constant 0 : index
    %get3A_2 = vector.load %arg1[%get3A, %get3A_0, %get3A_1] : memref<2x512x128xf32, #tpu.memory_space<vmem>>, vector<1x512x128xf32>
    %get3A_3 = vector.shape_cast %get3A_2 : vector<1x512x128xf32> to vector<512x128xf32>
    %get3A_4 = arith.constant 1 : index
    %get3A_5 = arith.constant 0 : index
    %get3A_6 = arith.constant 0 : index
    %get3A_7 = vector.load %arg1[%get3A_4, %get3A_5, %get3A_6] : memref<2x512x128xf32, #tpu.memory_space<vmem>>, vector<1x512x128xf32>
    %get3A_8 = vector.shape_cast %get3A_7 : vector<1x512x128xf32> to vector<512x128xf32>
    %add3A = arith.addf %get3A_3, %get3A_8 : vector<512x128xf32>
    %get3A_9 = arith.constant 0 : index
    %get3A_10 = arith.constant 0 : index
    %get3A_11 = arith.constant 0 : index
    %get3A_12 = vector.load %arg2[%get3A_9, %get3A_10, %get3A_11] : memref<2x512x16xf32, #tpu.memory_space<vmem>>, vector<1x512x16xf32>
    %get3A_13 = vector.shape_cast %get3A_12 : vector<1x512x16xf32> to vector<512x16xf32>
    %get3A_14 = arith.constant 1 : index
    %get3A_15 = arith.constant 0 : index
    %get3A_16 = arith.constant 0 : index
    %get3A_17 = vector.load %arg2[%get3A_14, %get3A_15, %get3A_16] : memref<2x512x16xf32, #tpu.memory_space<vmem>>, vector<1x512x16xf32>
    %get3A_18 = vector.shape_cast %get3A_17 : vector<1x512x16xf32> to vector<512x16xf32>
    %add3A_19 = arith.addf %get3A_13, %get3A_18 : vector<512x16xf32>
    %add3A_20 = arith.constant 1.000000e-16 : f32
    %add3A_21 = vector.broadcast %add3A_20 : f32 to vector<512x16xf32>
    %add3A_22 = arith.addf %add3A_19, %add3A_21 : vector<512x16xf32>
    %div3A = arith.constant 1.000000e+00 : f32
    %div3A_23 = vector.broadcast %div3A : f32 to vector<512x16xf32>
    %div3A_24 = arith.divf %div3A_23, %add3A_22 : vector<512x16xf32>
    %get3A_25 = arith.constant 0 : index
    %get3A_26 = arith.constant 0 : index
    %get3A_27 = vector.load %arg4[%get3A_25, %get3A_26] : memref<16x128xf32, #tpu.memory_space<vmem>>, vector<16x128xf32>
    %dot_general3A = arith.constant dense<0.000000e+00> : vector<512x128xf32>
    %dot_general3A_28 = tpu.matmul %div3A_24, %get3A_27, %dot_general3A {dimension_numbers = #tpu.dot_dimension_numbers<[1], [0], [0], [1], [0, 0, 1, 1], [], []>, transpose_lhs_hint = false} : vector<512x16xf32>, vector<16x128xf32>, vector<512x128xf32> -> vector<512x128xf32>
    %mul3A = arith.mulf %add3A, %dot_general3A_28 : vector<512x128xf32>
    %get3A_29 = arith.constant 0 : index
    %get3A_30 = arith.constant 0 : index
    %get3A_31 = vector.load %arg3[%get3A_29, %get3A_30] : memref<1x128xf32, #tpu.memory_space<vmem>>, vector<1x128xf32>
    %add3A_32 = vector.broadcast %get3A_31 : vector<1x128xf32> to vector<512x128xf32>
    %add3A_33 = arith.addf %mul3A, %add3A_32 : vector<512x128xf32>
    %max3A = arith.constant 0.000000e+00 : f32
    %max3A_34 = vector.broadcast %max3A : f32 to vector<512x128xf32>
    %max3A_35 = arith.maximumf %add3A_33, %max3A_34 : vector<512x128xf32>
    %get3A_36 = arith.constant 0 : index
    %get3A_37 = arith.constant 0 : index
    %get3A_38 = vector.load %arg5[%get3A_36, %get3A_37] : memref<128x32xf32, #tpu.memory_space<vmem>>, vector<128x32xf32>
    %dot_general3A_39 = arith.constant dense<0.000000e+00> : vector<512x32xf32>
    %dot_general3A_40 = tpu.matmul %max3A_35, %get3A_38, %dot_general3A_39 {dimension_numbers = #tpu.dot_dimension_numbers<[1], [0], [0], [1], [0, 0, 1, 1], [], []>, transpose_lhs_hint = false} : vector<512x128xf32>, vector<128x32xf32>, vector<512x32xf32> -> vector<512x32xf32>
    %swap3A = arith.constant 0 : index
    %swap3A_41 = arith.constant 0 : index
    %swap3A_42 = vector.load %arg11[%swap3A, %swap3A_41] : memref<512x32xf32, #tpu.memory_space<vmem>>, vector<512x32xf32>
    tpu.vector_store %arg11[%swap3A, %swap3A_41], %dot_general3A_40 {strides = array<i32>} : memref<512x32xf32, #tpu.memory_space<vmem>>, vector<512x32xf32>,
    %get3A_43 = arith.constant 0 : index
    %get3A_44 = arith.constant 0 : index
    %get3A_45 = vector.load %arg6[%get3A_43, %get3A_44] : memref<32x16xf32, #tpu.memory_space<vmem>>, vector<32x16xf32>
    %dot_general3A_46 = arith.constant dense<0.000000e+00> : vector<512x16xf32>
    %dot_general3A_47 = tpu.matmul %dot_general3A_40, %get3A_45, %dot_general3A_46 {dimension_numbers = #tpu.dot_dimension_numbers<[1], [0], [0], [1], [0, 0, 1, 1], [], []>, transpose_lhs_hint = false} : vector<512x32xf32>, vector<32x16xf32>, vector<512x16xf32> -> vector<512x16xf32>
    %swap3A_48 = arith.constant 0 : index
    %swap3A_49 = arith.constant 0 : index
    %swap3A_50 = vector.load %arg12[%swap3A_48, %swap3A_49] : memref<512x16xf32, #tpu.memory_space<vmem>>, vector<512x16xf32>
    tpu.vector_store %arg12[%swap3A_48, %swap3A_49], %dot_general3A_47 {strides = array<i32>} : memref<512x16xf32, #tpu.memory_space<vmem>>, vector<512x16xf32>,
    %get3A_51 = arith.constant 0 : index
    %get3A_52 = arith.constant 0 : index
    %get3A_53 = vector.load %arg7[%get3A_51, %get3A_52] : memref<32x16xf32, #tpu.memory_space<vmem>>, vector<32x16xf32>
    %dot_general3A_54 = arith.constant dense<0.000000e+00> : vector<512x16xf32>
    %dot_general3A_55 = tpu.matmul %dot_general3A_40, %get3A_53, %dot_general3A_54 {dimension_numbers = #tpu.dot_dimension_numbers<[1], [0], [0], [1], [0, 0, 1, 1], [], []>, transpose_lhs_hint = false} : vector<512x32xf32>, vector<32x16xf32>, vector<512x16xf32> -> vector<512x16xf32>
    %swap3A_56 = arith.constant 0 : index
    %swap3A_57 = arith.constant 0 : index
    %swap3A_58 = vector.load %arg13[%swap3A_56, %swap3A_57] : memref<512x16xf32, #tpu.memory_space<vmem>>, vector<512x16xf32>
    tpu.vector_store %arg13[%swap3A_56, %swap3A_57], %dot_general3A_55 {strides = array<i32>} : memref<512x16xf32, #tpu.memory_space<vmem>>, vector<512x16xf32>,
    %get3A_59 = arith.constant 0 : index
    %get3A_60 = arith.constant 0 : index
    %get3A_61 = vector.load %arg8[%get3A_59, %get3A_60] : memref<128x32xf32, #tpu.memory_space<vmem>>, vector<128x32xf32>
    %dot_general3A_62 = arith.constant dense<0.000000e+00> : vector<512x32xf32>
    %dot_general3A_63 = tpu.matmul %max3A_35, %get3A_61, %dot_general3A_62 {dimension_numbers = #tpu.dot_dimension_numbers<[1], [0], [0], [1], [0, 0, 1, 1], [], []>, transpose_lhs_hint = false} : vector<512x128xf32>, vector<128x32xf32>, vector<512x32xf32> -> vector<512x32xf32>
    %swap3A_64 = arith.constant 0 : index
    %swap3A_65 = arith.constant 0 : index
    %swap3A_66 = vector.load %arg14[%swap3A_64, %swap3A_65] : memref<512x32xf32, #tpu.memory_space<vmem>>, vector<512x32xf32>
    tpu.vector_store %arg14[%swap3A_64, %swap3A_65], %dot_general3A_63 {strides = array<i32>} : memref<512x32xf32, #tpu.memory_space<vmem>>, vector<512x32xf32>,
    %get3A_67 = arith.constant 0 : index
    %get3A_68 = arith.constant 0 : index
    %get3A_69 = vector.load %arg9[%get3A_67, %get3A_68] : memref<32x16xf32, #tpu.memory_space<vmem>>, vector<32x16xf32>
    %dot_general3A_70 = arith.constant dense<0.000000e+00> : vector<512x16xf32>
    %dot_general3A_71 = tpu.matmul %dot_general3A_63, %get3A_69, %dot_general3A_70 {dimension_numbers = #tpu.dot_dimension_numbers<[1], [0], [0], [1], [0, 0, 1, 1], [], []>, transpose_lhs_hint = false} : vector<512x32xf32>, vector<32x16xf32>, vector<512x16xf32> -> vector<512x16xf32>
    %swap3A_72 = arith.constant 0 : index
    %swap3A_73 = arith.constant 0 : index
    %swap3A_74 = vector.load %arg15[%swap3A_72, %swap3A_73] : memref<512x16xf32, #tpu.memory_space<vmem>>, vector<512x16xf32>
    tpu.vector_store %arg15[%swap3A_72, %swap3A_73], %dot_general3A_71 {strides = array<i32>} : memref<512x16xf32, #tpu.memory_space<vmem>>, vector<512x16xf32>,
    %get3A_75 = arith.constant 0 : index
    %get3A_76 = arith.constant 0 : index
    %get3A_77 = vector.load %arg10[%get3A_75, %get3A_76] : memref<32x16xf32, #tpu.memory_space<vmem>>, vector<32x16xf32>
    %dot_general3A_78 = arith.constant dense<0.000000e+00> : vector<512x16xf32>
    %dot_general3A_79 = tpu.matmul %dot_general3A_63, %get3A_77, %dot_general3A_78 {dimension_numbers = #tpu.dot_dimension_numbers<[1], [0], [0], [1], [0, 0, 1, 1], [], []>, transpose_lhs_hint = false} : vector<512x32xf32>, vector<32x16xf32>, vector<512x16xf32> -> vector<512x16xf32>
    %swap3A_80 = arith.constant 0 : index
    %swap3A_81 = arith.constant 0 : index
    %swap3A_82 = vector.load %arg16[%swap3A_80, %swap3A_81] : memref<512x16xf32, #tpu.memory_space<vmem>>, vector<512x16xf32>
    tpu.vector_store %arg16[%swap3A_80, %swap3A_81], %dot_general3A_79 {strides = array<i32>} : memref<512x16xf32, #tpu.memory_space<vmem>>, vector<512x16xf32>,
    return
  }
  func.func @transform_0(%arg0: i32) -> (i32, i32, i32) {
    %c0_i32 = arith.constant 0 : i32
    %c0_i32_0 = arith.constant 0 : i32
    %c0_i32_1 = arith.constant 0 : i32
    return %c0_i32, %arg0, %c0_i32_0 : i32, i32, i32
  }
  func.func @transform_1(%arg0: i32) -> (i32, i32, i32) {
    %c0_i32 = arith.constant 0 : i32
    %c0_i32_0 = arith.constant 0 : i32
    %c0_i32_1 = arith.constant 0 : i32
    return %c0_i32, %arg0, %c0_i32_0 : i32, i32, i32
  }
  func.func @transform_2(%arg0: i32) -> (i32, i32) {
    %c0_i32 = arith.constant 0 : i32
    %c0_i32_0 = arith.constant 0 : i32
    %c0_i32_1 = arith.constant 0 : i32
    return %c0_i32, %c0_i32_0 : i32, i32
  }
  func.func @transform_3(%arg0: i32) -> (i32, i32) {
    %c0_i32 = arith.constant 0 : i32
    %c0_i32_0 = arith.constant 0 : i32
    %c0_i32_1 = arith.constant 0 : i32
    return %c0_i32, %c0_i32_0 : i32, i32
  }
  func.func @transform_4(%arg0: i32) -> (i32, i32) {
    %c0_i32 = arith.constant 0 : i32
    %c0_i32_0 = arith.constant 0 : i32
    %c0_i32_1 = arith.constant 0 : i32
    return %c0_i32, %c0_i32_0 : i32, i32
  }
  func.func @transform_5(%arg0: i32) -> (i32, i32) {
    %c0_i32 = arith.constant 0 : i32
    %c0_i32_0 = arith.constant 0 : i32
    %c0_i32_1 = arith.constant 0 : i32
    return %c0_i32, %c0_i32_0 : i32, i32
  }
  func.func @transform_6(%arg0: i32) -> (i32, i32) {
    %c0_i32 = arith.constant 0 : i32
    %c0_i32_0 = arith.constant 0 : i32
    %c0_i32_1 = arith.constant 0 : i32
    return %c0_i32, %c0_i32_0 : i32, i32
  }
  func.func @transform_7(%arg0: i32) -> (i32, i32) {
    %c0_i32 = arith.constant 0 : i32
    %c0_i32_0 = arith.constant 0 : i32
    %c0_i32_1 = arith.constant 0 : i32
    return %c0_i32, %c0_i32_0 : i32, i32
  }
  func.func @transform_8(%arg0: i32) -> (i32, i32) {
    %c0_i32 = arith.constant 0 : i32
    %c0_i32_0 = arith.constant 0 : i32
    %c0_i32_1 = arith.constant 0 : i32
    return %c0_i32, %c0_i32_0 : i32, i32
  }
  func.func @transform_9(%arg0: i32) -> (i32, i32) {
    %c0_i32 = arith.constant 0 : i32
    %c0_i32_0 = arith.constant 0 : i32
    %c0_i32_1 = arith.constant 0 : i32
    return %c0_i32, %c0_i32_0 : i32, i32
  }
  func.func @transform_10(%arg0: i32) -> (i32, i32) {
    %c0_i32 = arith.constant 0 : i32
    %c0_i32_0 = arith.constant 0 : i32
    return %arg0, %c0_i32 : i32, i32
  }
  func.func @transform_11(%arg0: i32) -> (i32, i32) {
    %c0_i32 = arith.constant 0 : i32
    %c0_i32_0 = arith.constant 0 : i32
    return %arg0, %c0_i32 : i32, i32
  }
  func.func @transform_12(%arg0: i32) -> (i32, i32) {
    %c0_i32 = arith.constant 0 : i32
    %c0_i32_0 = arith.constant 0 : i32
    return %arg0, %c0_i32 : i32, i32
  }
  func.func @transform_13(%arg0: i32) -> (i32, i32) {
    %c0_i32 = arith.constant 0 : i32
    %c0_i32_0 = arith.constant 0 : i32
    return %arg0, %c0_i32 : i32, i32
  }
  func.func @transform_14(%arg0: i32) -> (i32, i32) {
    %c0_i32 = arith.constant 0 : i32
    %c0_i32_0 = arith.constant 0 : i32
    return %arg0, %c0_i32 : i32, i32
  }
  func.func @transform_15(%arg0: i32) -> (i32, i32) {
    %c0_i32 = arith.constant 0 : i32
    %c0_i32_0 = arith.constant 0 : i32
    return %arg0, %c0_i32 : i32, i32
  }
}

module attributes {stable_mosaic.version = 14 : i64} {
  func.func @_k3_body(%arg0: i32, %arg1: memref<2x512x32xf32, #tpu.memory_space<vmem>>, %arg2: memref<2x512x16xf32, #tpu.memory_space<vmem>>, %arg3: memref<2x512x32xf32, #tpu.memory_space<vmem>>, %arg4: memref<2x512x16xf32, #tpu.memory_space<vmem>>, %arg5: memref<1x32xf32, #tpu.memory_space<vmem>>, %arg6: memref<1x32xf32, #tpu.memory_space<vmem>>, %arg7: memref<512x32xf32, #tpu.memory_space<vmem>>, %arg8: memref<32x128xf32, #tpu.memory_space<vmem>>, %arg9: memref<128x16xf32, #tpu.memory_space<vmem>>, %arg10: memref<128x16xf32, #tpu.memory_space<vmem>>, %arg11: memref<512x32xf32, #tpu.memory_space<vmem>>, %arg12: memref<512x32xf32, #tpu.memory_space<vmem>>, %arg13: memref<512x128xf32, #tpu.memory_space<vmem>>, %arg14: memref<512x16xf32, #tpu.memory_space<vmem>>, %arg15: memref<512x16xf32, #tpu.memory_space<vmem>>) attributes {dimension_semantics = [#tpu.dimension_semantics<arbitrary>], iteration_bounds = array<i64: 20>, scalar_prefetch = 0 : i64, scratch_operands = 0 : i64, tpu.core_type = #tpu.core_type<tc>, window_params = [{transform_indices = @transform_0, window_bounds = array<i64: 2, 512, 32>}, {transform_indices = @transform_1, window_bounds = array<i64: 2, 512, 16>}, {transform_indices = @transform_2, window_bounds = array<i64: 2, 512, 32>}, {transform_indices = @transform_3, window_bounds = array<i64: 2, 512, 16>}, {pipeline_mode = #tpu.pipeline_mode<synchronous>, transform_indices = @transform_4, window_bounds = array<i64: 1, 32>}, {pipeline_mode = #tpu.pipeline_mode<synchronous>, transform_indices = @transform_5, window_bounds = array<i64: 1, 32>}, {transform_indices = @transform_6, window_bounds = array<i64: 512, 32>}, {pipeline_mode = #tpu.pipeline_mode<synchronous>, transform_indices = @transform_7, window_bounds = array<i64: 32, 128>}, {pipeline_mode = #tpu.pipeline_mode<synchronous>, transform_indices = @transform_8, window_bounds = array<i64: 128, 16>}, {pipeline_mode = #tpu.pipeline_mode<synchronous>, transform_indices = @transform_9, window_bounds = array<i64: 128, 16>}, {transform_indices = @transform_10, window_bounds = array<i64: 512, 32>}, {transform_indices = @transform_11, window_bounds = array<i64: 512, 32>}, {transform_indices = @transform_12, window_bounds = array<i64: 512, 128>}, {transform_indices = @transform_13, window_bounds = array<i64: 512, 16>}, {transform_indices = @transform_14, window_bounds = array<i64: 512, 16>}]} {
    %get3A = arith.constant 0 : index
    %get3A_0 = arith.constant 0 : index
    %get3A_1 = arith.constant 0 : index
    %get3A_2 = vector.load %arg2[%get3A, %get3A_0, %get3A_1] : memref<2x512x16xf32, #tpu.memory_space<vmem>>, vector<1x512x1xf32>
    %get3A_3 = vector.shape_cast %get3A_2 : vector<1x512x1xf32> to vector<512x1xf32>
    %get3A_4 = arith.constant 1 : index
    %get3A_5 = arith.constant 0 : index
    %get3A_6 = arith.constant 0 : index
    %get3A_7 = vector.load %arg2[%get3A_4, %get3A_5, %get3A_6] : memref<2x512x16xf32, #tpu.memory_space<vmem>>, vector<1x512x1xf32>
    %get3A_8 = vector.shape_cast %get3A_7 : vector<1x512x1xf32> to vector<512x1xf32>
    %add3A = arith.addf %get3A_3, %get3A_8 : vector<512x1xf32>
    %add3A_9 = arith.constant 1.000000e-16 : f32
    %add3A_10 = vector.broadcast %add3A_9 : f32 to vector<512x1xf32>
    %add3A_11 = arith.addf %add3A, %add3A_10 : vector<512x1xf32>
    %div3A = arith.constant 1.000000e+00 : f32
    %div3A_12 = vector.broadcast %div3A : f32 to vector<512x1xf32>
    %div3A_13 = arith.divf %div3A_12, %add3A_11 : vector<512x1xf32>
    %get3A_14 = arith.constant 0 : index
    %get3A_15 = arith.constant 0 : index
    %get3A_16 = arith.constant 0 : index
    %get3A_17 = vector.load %arg1[%get3A_14, %get3A_15, %get3A_16] : memref<2x512x32xf32, #tpu.memory_space<vmem>>, vector<1x512x32xf32>
    %get3A_18 = vector.shape_cast %get3A_17 : vector<1x512x32xf32> to vector<512x32xf32>
    %get3A_19 = arith.constant 1 : index
    %get3A_20 = arith.constant 0 : index
    %get3A_21 = arith.constant 0 : index
    %get3A_22 = vector.load %arg1[%get3A_19, %get3A_20, %get3A_21] : memref<2x512x32xf32, #tpu.memory_space<vmem>>, vector<1x512x32xf32>
    %get3A_23 = vector.shape_cast %get3A_22 : vector<1x512x32xf32> to vector<512x32xf32>
    %add3A_24 = arith.addf %get3A_18, %get3A_23 : vector<512x32xf32>
    %mul3A = vector.broadcast %div3A_13 : vector<512x1xf32> to vector<512x32xf32>
    %mul3A_25 = arith.mulf %add3A_24, %mul3A : vector<512x32xf32>
    %get3A_26 = arith.constant 0 : index
    %get3A_27 = arith.constant 0 : index
    %get3A_28 = vector.load %arg5[%get3A_26, %get3A_27] : memref<1x32xf32, #tpu.memory_space<vmem>>, vector<1x32xf32>
    %add3A_29 = vector.broadcast %get3A_28 : vector<1x32xf32> to vector<512x32xf32>
    %add3A_30 = arith.addf %mul3A_25, %add3A_29 : vector<512x32xf32>
    %get3A_31 = arith.constant 0 : index
    %get3A_32 = arith.constant 0 : index
    %get3A_33 = arith.constant 0 : index
    %get3A_34 = vector.load %arg4[%get3A_31, %get3A_32, %get3A_33] : memref<2x512x16xf32, #tpu.memory_space<vmem>>, vector<1x512x1xf32>
    %get3A_35 = vector.shape_cast %get3A_34 : vector<1x512x1xf32> to vector<512x1xf32>
    %get3A_36 = arith.constant 1 : index
    %get3A_37 = arith.constant 0 : index
    %get3A_38 = arith.constant 0 : index
    %get3A_39 = vector.load %arg4[%get3A_36, %get3A_37, %get3A_38] : memref<2x512x16xf32, #tpu.memory_space<vmem>>, vector<1x512x1xf32>
    %get3A_40 = vector.shape_cast %get3A_39 : vector<1x512x1xf32> to vector<512x1xf32>
    %add3A_41 = arith.addf %get3A_35, %get3A_40 : vector<512x1xf32>
    %add3A_42 = arith.constant 1.000000e-16 : f32
    %add3A_43 = vector.broadcast %add3A_42 : f32 to vector<512x1xf32>
    %add3A_44 = arith.addf %add3A_41, %add3A_43 : vector<512x1xf32>
    %div3A_45 = arith.constant 1.000000e+00 : f32
    %div3A_46 = vector.broadcast %div3A_45 : f32 to vector<512x1xf32>
    %div3A_47 = arith.divf %div3A_46, %add3A_44 : vector<512x1xf32>
    %get3A_48 = arith.constant 0 : index
    %get3A_49 = arith.constant 0 : index
    %get3A_50 = arith.constant 0 : index
    %get3A_51 = vector.load %arg3[%get3A_48, %get3A_49, %get3A_50] : memref<2x512x32xf32, #tpu.memory_space<vmem>>, vector<1x512x32xf32>
    %get3A_52 = vector.shape_cast %get3A_51 : vector<1x512x32xf32> to vector<512x32xf32>
    %get3A_53 = arith.constant 1 : index
    %get3A_54 = arith.constant 0 : index
    %get3A_55 = arith.constant 0 : index
    %get3A_56 = vector.load %arg3[%get3A_53, %get3A_54, %get3A_55] : memref<2x512x32xf32, #tpu.memory_space<vmem>>, vector<1x512x32xf32>
    %get3A_57 = vector.shape_cast %get3A_56 : vector<1x512x32xf32> to vector<512x32xf32>
    %add3A_58 = arith.addf %get3A_52, %get3A_57 : vector<512x32xf32>
    %mul3A_59 = vector.broadcast %div3A_47 : vector<512x1xf32> to vector<512x32xf32>
    %mul3A_60 = arith.mulf %add3A_58, %mul3A_59 : vector<512x32xf32>
    %get3A_61 = arith.constant 0 : index
    %get3A_62 = arith.constant 0 : index
    %get3A_63 = vector.load %arg6[%get3A_61, %get3A_62] : memref<1x32xf32, #tpu.memory_space<vmem>>, vector<1x32xf32>
    %add3A_64 = vector.broadcast %get3A_63 : vector<1x32xf32> to vector<512x32xf32>
    %add3A_65 = arith.addf %mul3A_60, %add3A_64 : vector<512x32xf32>
    %swap3A = arith.constant 0 : index
    %swap3A_66 = arith.constant 0 : index
    %swap3A_67 = vector.load %arg11[%swap3A, %swap3A_66] : memref<512x32xf32, #tpu.memory_space<vmem>>, vector<512x32xf32>
    tpu.vector_store %arg11[%swap3A, %swap3A_66], %add3A_30 {strides = array<i32>} : memref<512x32xf32, #tpu.memory_space<vmem>>, vector<512x32xf32>,
    %swap3A_68 = arith.constant 0 : index
    %swap3A_69 = arith.constant 0 : index
    %swap3A_70 = vector.load %arg12[%swap3A_68, %swap3A_69] : memref<512x32xf32, #tpu.memory_space<vmem>>, vector<512x32xf32>
    tpu.vector_store %arg12[%swap3A_68, %swap3A_69], %add3A_65 {strides = array<i32>} : memref<512x32xf32, #tpu.memory_space<vmem>>, vector<512x32xf32>,
    %get3A_71 = arith.constant 0 : index
    %get3A_72 = arith.constant 0 : index
    %get3A_73 = vector.load %arg7[%get3A_71, %get3A_72] : memref<512x32xf32, #tpu.memory_space<vmem>>, vector<512x32xf32>
    %exp3A = math.exp %add3A_65 : vector<512x32xf32>
    %mul3A_74 = arith.mulf %get3A_73, %exp3A : vector<512x32xf32>
    %add3A_75 = arith.addf %mul3A_74, %add3A_30 : vector<512x32xf32>
    %get3A_76 = arith.constant 0 : index
    %get3A_77 = arith.constant 0 : index
    %get3A_78 = vector.load %arg8[%get3A_76, %get3A_77] : memref<32x128xf32, #tpu.memory_space<vmem>>, vector<32x128xf32>
    %dot_general3A = arith.constant dense<0.000000e+00> : vector<512x128xf32>
    %dot_general3A_79 = tpu.matmul %add3A_75, %get3A_78, %dot_general3A {dimension_numbers = #tpu.dot_dimension_numbers<[1], [0], [0], [1], [0, 0, 1, 1], [], []>, transpose_lhs_hint = false} : vector<512x32xf32>, vector<32x128xf32>, vector<512x128xf32> -> vector<512x128xf32>
    %swap3A_80 = arith.constant 0 : index
    %swap3A_81 = arith.constant 0 : index
    %swap3A_82 = vector.load %arg13[%swap3A_80, %swap3A_81] : memref<512x128xf32, #tpu.memory_space<vmem>>, vector<512x128xf32>
    tpu.vector_store %arg13[%swap3A_80, %swap3A_81], %dot_general3A_79 {strides = array<i32>} : memref<512x128xf32, #tpu.memory_space<vmem>>, vector<512x128xf32>,
    %get3A_83 = arith.constant 0 : index
    %get3A_84 = arith.constant 0 : index
    %get3A_85 = vector.load %arg9[%get3A_83, %get3A_84] : memref<128x16xf32, #tpu.memory_space<vmem>>, vector<128x16xf32>
    %dot_general3A_86 = arith.constant dense<0.000000e+00> : vector<512x16xf32>
    %dot_general3A_87 = tpu.matmul %dot_general3A_79, %get3A_85, %dot_general3A_86 {dimension_numbers = #tpu.dot_dimension_numbers<[1], [0], [0], [1], [0, 0, 1, 1], [], []>, transpose_lhs_hint = false} : vector<512x128xf32>, vector<128x16xf32>, vector<512x16xf32> -> vector<512x16xf32>
    %swap3A_88 = arith.constant 0 : index
    %swap3A_89 = arith.constant 0 : index
    %swap3A_90 = vector.load %arg14[%swap3A_88, %swap3A_89] : memref<512x16xf32, #tpu.memory_space<vmem>>, vector<512x16xf32>
    tpu.vector_store %arg14[%swap3A_88, %swap3A_89], %dot_general3A_87 {strides = array<i32>} : memref<512x16xf32, #tpu.memory_space<vmem>>, vector<512x16xf32>,
    %get3A_91 = arith.constant 0 : index
    %get3A_92 = arith.constant 0 : index
    %get3A_93 = vector.load %arg10[%get3A_91, %get3A_92] : memref<128x16xf32, #tpu.memory_space<vmem>>, vector<128x16xf32>
    %dot_general3A_94 = arith.constant dense<0.000000e+00> : vector<512x16xf32>
    %dot_general3A_95 = tpu.matmul %dot_general3A_79, %get3A_93, %dot_general3A_94 {dimension_numbers = #tpu.dot_dimension_numbers<[1], [0], [0], [1], [0, 0, 1, 1], [], []>, transpose_lhs_hint = false} : vector<512x128xf32>, vector<128x16xf32>, vector<512x16xf32> -> vector<512x16xf32>
    %swap3A_96 = arith.constant 0 : index
    %swap3A_97 = arith.constant 0 : index
    %swap3A_98 = vector.load %arg15[%swap3A_96, %swap3A_97] : memref<512x16xf32, #tpu.memory_space<vmem>>, vector<512x16xf32>
    tpu.vector_store %arg15[%swap3A_96, %swap3A_97], %dot_general3A_95 {strides = array<i32>} : memref<512x16xf32, #tpu.memory_space<vmem>>, vector<512x16xf32>,
    return
  }
  func.func @transform_0(%arg0: i32) -> (i32, i32, i32) {
    %c0_i32 = arith.constant 0 : i32
    %c0_i32_0 = arith.constant 0 : i32
    %c0_i32_1 = arith.constant 0 : i32
    return %c0_i32, %arg0, %c0_i32_0 : i32, i32, i32
  }
  func.func @transform_1(%arg0: i32) -> (i32, i32, i32) {
    %c0_i32 = arith.constant 0 : i32
    %c0_i32_0 = arith.constant 0 : i32
    %c0_i32_1 = arith.constant 0 : i32
    return %c0_i32, %arg0, %c0_i32_0 : i32, i32, i32
  }
  func.func @transform_2(%arg0: i32) -> (i32, i32, i32) {
    %c0_i32 = arith.constant 0 : i32
    %c0_i32_0 = arith.constant 0 : i32
    %c0_i32_1 = arith.constant 0 : i32
    return %c0_i32, %arg0, %c0_i32_0 : i32, i32, i32
  }
  func.func @transform_3(%arg0: i32) -> (i32, i32, i32) {
    %c0_i32 = arith.constant 0 : i32
    %c0_i32_0 = arith.constant 0 : i32
    %c0_i32_1 = arith.constant 0 : i32
    return %c0_i32, %arg0, %c0_i32_0 : i32, i32, i32
  }
  func.func @transform_4(%arg0: i32) -> (i32, i32) {
    %c0_i32 = arith.constant 0 : i32
    %c0_i32_0 = arith.constant 0 : i32
    %c0_i32_1 = arith.constant 0 : i32
    return %c0_i32, %c0_i32_0 : i32, i32
  }
  func.func @transform_5(%arg0: i32) -> (i32, i32) {
    %c0_i32 = arith.constant 0 : i32
    %c0_i32_0 = arith.constant 0 : i32
    %c0_i32_1 = arith.constant 0 : i32
    return %c0_i32, %c0_i32_0 : i32, i32
  }
  func.func @transform_6(%arg0: i32) -> (i32, i32) {
    %c0_i32 = arith.constant 0 : i32
    %c0_i32_0 = arith.constant 0 : i32
    return %arg0, %c0_i32 : i32, i32
  }
  func.func @transform_7(%arg0: i32) -> (i32, i32) {
    %c0_i32 = arith.constant 0 : i32
    %c0_i32_0 = arith.constant 0 : i32
    %c0_i32_1 = arith.constant 0 : i32
    return %c0_i32, %c0_i32_0 : i32, i32
  }
  func.func @transform_8(%arg0: i32) -> (i32, i32) {
    %c0_i32 = arith.constant 0 : i32
    %c0_i32_0 = arith.constant 0 : i32
    %c0_i32_1 = arith.constant 0 : i32
    return %c0_i32, %c0_i32_0 : i32, i32
  }
  func.func @transform_9(%arg0: i32) -> (i32, i32) {
    %c0_i32 = arith.constant 0 : i32
    %c0_i32_0 = arith.constant 0 : i32
    %c0_i32_1 = arith.constant 0 : i32
    return %c0_i32, %c0_i32_0 : i32, i32
  }
  func.func @transform_10(%arg0: i32) -> (i32, i32) {
    %c0_i32 = arith.constant 0 : i32
    %c0_i32_0 = arith.constant 0 : i32
    return %arg0, %c0_i32 : i32, i32
  }
  func.func @transform_11(%arg0: i32) -> (i32, i32) {
    %c0_i32 = arith.constant 0 : i32
    %c0_i32_0 = arith.constant 0 : i32
    return %arg0, %c0_i32 : i32, i32
  }
  func.func @transform_12(%arg0: i32) -> (i32, i32) {
    %c0_i32 = arith.constant 0 : i32
    %c0_i32_0 = arith.constant 0 : i32
    return %arg0, %c0_i32 : i32, i32
  }
  func.func @transform_13(%arg0: i32) -> (i32, i32) {
    %c0_i32 = arith.constant 0 : i32
    %c0_i32_0 = arith.constant 0 : i32
    return %arg0, %c0_i32 : i32, i32
  }
  func.func @transform_14(%arg0: i32) -> (i32, i32) {
    %c0_i32 = arith.constant 0 : i32
    %c0_i32_0 = arith.constant 0 : i32
    return %arg0, %c0_i32 : i32, i32
  }
}

module attributes {stable_mosaic.version = 14 : i64} {
  func.func @_k4_body(%arg0: i32, %arg1: memref<2x512x128xf32, #tpu.memory_space<vmem>>, %arg2: memref<2x512x16xf32, #tpu.memory_space<vmem>>, %arg3: memref<1x128xf32, #tpu.memory_space<vmem>>, %arg4: memref<128x128xf32, #tpu.memory_space<vmem>>, %arg5: memref<128x16xf32, #tpu.memory_space<vmem>>, %arg6: memref<128x16xf32, #tpu.memory_space<vmem>>, %arg7: memref<512x128xf32, #tpu.memory_space<vmem>>, %arg8: memref<512x16xf32, #tpu.memory_space<vmem>>, %arg9: memref<512x16xf32, #tpu.memory_space<vmem>>) attributes {dimension_semantics = [#tpu.dimension_semantics<arbitrary>], iteration_bounds = array<i64: 20>, scalar_prefetch = 0 : i64, scratch_operands = 0 : i64, tpu.core_type = #tpu.core_type<tc>, window_params = [{transform_indices = @transform_0, window_bounds = array<i64: 2, 512, 128>}, {transform_indices = @transform_1, window_bounds = array<i64: 2, 512, 16>}, {pipeline_mode = #tpu.pipeline_mode<synchronous>, transform_indices = @transform_2, window_bounds = array<i64: 1, 128>}, {pipeline_mode = #tpu.pipeline_mode<synchronous>, transform_indices = @transform_3, window_bounds = array<i64: 128, 128>}, {pipeline_mode = #tpu.pipeline_mode<synchronous>, transform_indices = @transform_4, window_bounds = array<i64: 128, 16>}, {pipeline_mode = #tpu.pipeline_mode<synchronous>, transform_indices = @transform_5, window_bounds = array<i64: 128, 16>}, {transform_indices = @transform_6, window_bounds = array<i64: 512, 128>}, {transform_indices = @transform_7, window_bounds = array<i64: 512, 16>}, {transform_indices = @transform_8, window_bounds = array<i64: 512, 16>}]} {
    %get3A = arith.constant 0 : index
    %get3A_0 = arith.constant 0 : index
    %get3A_1 = arith.constant 0 : index
    %get3A_2 = vector.load %arg2[%get3A, %get3A_0, %get3A_1] : memref<2x512x16xf32, #tpu.memory_space<vmem>>, vector<1x512x1xf32>
    %get3A_3 = vector.shape_cast %get3A_2 : vector<1x512x1xf32> to vector<512x1xf32>
    %get3A_4 = arith.constant 1 : index
    %get3A_5 = arith.constant 0 : index
    %get3A_6 = arith.constant 0 : index
    %get3A_7 = vector.load %arg2[%get3A_4, %get3A_5, %get3A_6] : memref<2x512x16xf32, #tpu.memory_space<vmem>>, vector<1x512x1xf32>
    %get3A_8 = vector.shape_cast %get3A_7 : vector<1x512x1xf32> to vector<512x1xf32>
    %add3A = arith.addf %get3A_3, %get3A_8 : vector<512x1xf32>
    %add3A_9 = arith.constant 1.000000e-16 : f32
    %add3A_10 = vector.broadcast %add3A_9 : f32 to vector<512x1xf32>
    %add3A_11 = arith.addf %add3A, %add3A_10 : vector<512x1xf32>
    %div3A = arith.constant 1.000000e+00 : f32
    %div3A_12 = vector.broadcast %div3A : f32 to vector<512x1xf32>
    %div3A_13 = arith.divf %div3A_12, %add3A_11 : vector<512x1xf32>
    %get3A_14 = arith.constant 0 : index
    %get3A_15 = arith.constant 0 : index
    %get3A_16 = arith.constant 0 : index
    %get3A_17 = vector.load %arg1[%get3A_14, %get3A_15, %get3A_16] : memref<2x512x128xf32, #tpu.memory_space<vmem>>, vector<1x512x128xf32>
    %get3A_18 = vector.shape_cast %get3A_17 : vector<1x512x128xf32> to vector<512x128xf32>
    %get3A_19 = arith.constant 1 : index
    %get3A_20 = arith.constant 0 : index
    %get3A_21 = arith.constant 0 : index
    %get3A_22 = vector.load %arg1[%get3A_19, %get3A_20, %get3A_21] : memref<2x512x128xf32, #tpu.memory_space<vmem>>, vector<1x512x128xf32>
    %get3A_23 = vector.shape_cast %get3A_22 : vector<1x512x128xf32> to vector<512x128xf32>
    %add3A_24 = arith.addf %get3A_18, %get3A_23 : vector<512x128xf32>
    %mul3A = vector.broadcast %div3A_13 : vector<512x1xf32> to vector<512x128xf32>
    %mul3A_25 = arith.mulf %add3A_24, %mul3A : vector<512x128xf32>
    %get3A_26 = arith.constant 0 : index
    %get3A_27 = arith.constant 0 : index
    %get3A_28 = vector.load %arg3[%get3A_26, %get3A_27] : memref<1x128xf32, #tpu.memory_space<vmem>>, vector<1x128xf32>
    %add3A_29 = vector.broadcast %get3A_28 : vector<1x128xf32> to vector<512x128xf32>
    %add3A_30 = arith.addf %mul3A_25, %add3A_29 : vector<512x128xf32>
    %max3A = arith.constant 0.000000e+00 : f32
    %max3A_31 = vector.broadcast %max3A : f32 to vector<512x128xf32>
    %max3A_32 = arith.maximumf %add3A_30, %max3A_31 : vector<512x128xf32>
    %get3A_33 = arith.constant 0 : index
    %get3A_34 = arith.constant 0 : index
    %get3A_35 = vector.load %arg4[%get3A_33, %get3A_34] : memref<128x128xf32, #tpu.memory_space<vmem>>, vector<128x128xf32>
    %dot_general3A = arith.constant dense<0.000000e+00> : vector<512x128xf32>
    %dot_general3A_36 = tpu.matmul %max3A_32, %get3A_35, %dot_general3A {dimension_numbers = #tpu.dot_dimension_numbers<[1], [0], [0], [1], [0, 0, 1, 1], [], []>, transpose_lhs_hint = false} : vector<512x128xf32>, vector<128x128xf32>, vector<512x128xf32> -> vector<512x128xf32>
    %swap3A = arith.constant 0 : index
    %swap3A_37 = arith.constant 0 : index
    %swap3A_38 = vector.load %arg7[%swap3A, %swap3A_37] : memref<512x128xf32, #tpu.memory_space<vmem>>, vector<512x128xf32>
    tpu.vector_store %arg7[%swap3A, %swap3A_37], %dot_general3A_36 {strides = array<i32>} : memref<512x128xf32, #tpu.memory_space<vmem>>, vector<512x128xf32>,
    %get3A_39 = arith.constant 0 : index
    %get3A_40 = arith.constant 0 : index
    %get3A_41 = vector.load %arg5[%get3A_39, %get3A_40] : memref<128x16xf32, #tpu.memory_space<vmem>>, vector<128x16xf32>
    %dot_general3A_42 = arith.constant dense<0.000000e+00> : vector<512x16xf32>
    %dot_general3A_43 = tpu.matmul %dot_general3A_36, %get3A_41, %dot_general3A_42 {dimension_numbers = #tpu.dot_dimension_numbers<[1], [0], [0], [1], [0, 0, 1, 1], [], []>, transpose_lhs_hint = false} : vector<512x128xf32>, vector<128x16xf32>, vector<512x16xf32> -> vector<512x16xf32>
    %swap3A_44 = arith.constant 0 : index
    %swap3A_45 = arith.constant 0 : index
    %swap3A_46 = vector.load %arg8[%swap3A_44, %swap3A_45] : memref<512x16xf32, #tpu.memory_space<vmem>>, vector<512x16xf32>
    tpu.vector_store %arg8[%swap3A_44, %swap3A_45], %dot_general3A_43 {strides = array<i32>} : memref<512x16xf32, #tpu.memory_space<vmem>>, vector<512x16xf32>,
    %get3A_47 = arith.constant 0 : index
    %get3A_48 = arith.constant 0 : index
    %get3A_49 = vector.load %arg6[%get3A_47, %get3A_48] : memref<128x16xf32, #tpu.memory_space<vmem>>, vector<128x16xf32>
    %dot_general3A_50 = arith.constant dense<0.000000e+00> : vector<512x16xf32>
    %dot_general3A_51 = tpu.matmul %dot_general3A_36, %get3A_49, %dot_general3A_50 {dimension_numbers = #tpu.dot_dimension_numbers<[1], [0], [0], [1], [0, 0, 1, 1], [], []>, transpose_lhs_hint = false} : vector<512x128xf32>, vector<128x16xf32>, vector<512x16xf32> -> vector<512x16xf32>
    %swap3A_52 = arith.constant 0 : index
    %swap3A_53 = arith.constant 0 : index
    %swap3A_54 = vector.load %arg9[%swap3A_52, %swap3A_53] : memref<512x16xf32, #tpu.memory_space<vmem>>, vector<512x16xf32>
    tpu.vector_store %arg9[%swap3A_52, %swap3A_53], %dot_general3A_51 {strides = array<i32>} : memref<512x16xf32, #tpu.memory_space<vmem>>, vector<512x16xf32>,
    return
  }
  func.func @transform_0(%arg0: i32) -> (i32, i32, i32) {
    %c0_i32 = arith.constant 0 : i32
    %c0_i32_0 = arith.constant 0 : i32
    %c0_i32_1 = arith.constant 0 : i32
    return %c0_i32, %arg0, %c0_i32_0 : i32, i32, i32
  }
  func.func @transform_1(%arg0: i32) -> (i32, i32, i32) {
    %c0_i32 = arith.constant 0 : i32
    %c0_i32_0 = arith.constant 0 : i32
    %c0_i32_1 = arith.constant 0 : i32
    return %c0_i32, %arg0, %c0_i32_0 : i32, i32, i32
  }
  func.func @transform_2(%arg0: i32) -> (i32, i32) {
    %c0_i32 = arith.constant 0 : i32
    %c0_i32_0 = arith.constant 0 : i32
    %c0_i32_1 = arith.constant 0 : i32
    return %c0_i32, %c0_i32_0 : i32, i32
  }
  func.func @transform_3(%arg0: i32) -> (i32, i32) {
    %c0_i32 = arith.constant 0 : i32
    %c0_i32_0 = arith.constant 0 : i32
    %c0_i32_1 = arith.constant 0 : i32
    return %c0_i32, %c0_i32_0 : i32, i32
  }
  func.func @transform_4(%arg0: i32) -> (i32, i32) {
    %c0_i32 = arith.constant 0 : i32
    %c0_i32_0 = arith.constant 0 : i32
    %c0_i32_1 = arith.constant 0 : i32
    return %c0_i32, %c0_i32_0 : i32, i32
  }
  func.func @transform_5(%arg0: i32) -> (i32, i32) {
    %c0_i32 = arith.constant 0 : i32
    %c0_i32_0 = arith.constant 0 : i32
    %c0_i32_1 = arith.constant 0 : i32
    return %c0_i32, %c0_i32_0 : i32, i32
  }
  func.func @transform_6(%arg0: i32) -> (i32, i32) {
    %c0_i32 = arith.constant 0 : i32
    %c0_i32_0 = arith.constant 0 : i32
    return %arg0, %c0_i32 : i32, i32
  }
  func.func @transform_7(%arg0: i32) -> (i32, i32) {
    %c0_i32 = arith.constant 0 : i32
    %c0_i32_0 = arith.constant 0 : i32
    return %arg0, %c0_i32 : i32, i32
  }
  func.func @transform_8(%arg0: i32) -> (i32, i32) {
    %c0_i32 = arith.constant 0 : i32
    %c0_i32_0 = arith.constant 0 : i32
    return %arg0, %c0_i32 : i32, i32
  }
}

module attributes {stable_mosaic.version = 14 : i64} {
  func.func @_k5_body(%arg0: i32, %arg1: memref<2x512x128xf32, #tpu.memory_space<vmem>>, %arg2: memref<2x512x16xf32, #tpu.memory_space<vmem>>, %arg3: memref<1x128xf32, #tpu.memory_space<vmem>>, %arg4: memref<16x128xf32, #tpu.memory_space<vmem>>, %arg5: memref<512x128xf32, #tpu.memory_space<vmem>>) attributes {dimension_semantics = [#tpu.dimension_semantics<arbitrary>], iteration_bounds = array<i64: 20>, scalar_prefetch = 0 : i64, scratch_operands = 0 : i64, tpu.core_type = #tpu.core_type<tc>, window_params = [{transform_indices = @transform_0, window_bounds = array<i64: 2, 512, 128>}, {transform_indices = @transform_1, window_bounds = array<i64: 2, 512, 16>}, {pipeline_mode = #tpu.pipeline_mode<synchronous>, transform_indices = @transform_2, window_bounds = array<i64: 1, 128>}, {pipeline_mode = #tpu.pipeline_mode<synchronous>, transform_indices = @transform_3, window_bounds = array<i64: 16, 128>}, {transform_indices = @transform_4, window_bounds = array<i64: 512, 128>}]} {
    %get3A = arith.constant 0 : index
    %get3A_0 = arith.constant 0 : index
    %get3A_1 = arith.constant 0 : index
    %get3A_2 = vector.load %arg1[%get3A, %get3A_0, %get3A_1] : memref<2x512x128xf32, #tpu.memory_space<vmem>>, vector<1x512x128xf32>
    %get3A_3 = vector.shape_cast %get3A_2 : vector<1x512x128xf32> to vector<512x128xf32>
    %get3A_4 = arith.constant 1 : index
    %get3A_5 = arith.constant 0 : index
    %get3A_6 = arith.constant 0 : index
    %get3A_7 = vector.load %arg1[%get3A_4, %get3A_5, %get3A_6] : memref<2x512x128xf32, #tpu.memory_space<vmem>>, vector<1x512x128xf32>
    %get3A_8 = vector.shape_cast %get3A_7 : vector<1x512x128xf32> to vector<512x128xf32>
    %add3A = arith.addf %get3A_3, %get3A_8 : vector<512x128xf32>
    %get3A_9 = arith.constant 0 : index
    %get3A_10 = arith.constant 0 : index
    %get3A_11 = arith.constant 0 : index
    %get3A_12 = vector.load %arg2[%get3A_9, %get3A_10, %get3A_11] : memref<2x512x16xf32, #tpu.memory_space<vmem>>, vector<1x512x16xf32>
    %get3A_13 = vector.shape_cast %get3A_12 : vector<1x512x16xf32> to vector<512x16xf32>
    %get3A_14 = arith.constant 1 : index
    %get3A_15 = arith.constant 0 : index
    %get3A_16 = arith.constant 0 : index
    %get3A_17 = vector.load %arg2[%get3A_14, %get3A_15, %get3A_16] : memref<2x512x16xf32, #tpu.memory_space<vmem>>, vector<1x512x16xf32>
    %get3A_18 = vector.shape_cast %get3A_17 : vector<1x512x16xf32> to vector<512x16xf32>
    %add3A_19 = arith.addf %get3A_13, %get3A_18 : vector<512x16xf32>
    %add3A_20 = arith.constant 1.000000e-16 : f32
    %add3A_21 = vector.broadcast %add3A_20 : f32 to vector<512x16xf32>
    %add3A_22 = arith.addf %add3A_19, %add3A_21 : vector<512x16xf32>
    %div3A = arith.constant 1.000000e+00 : f32
    %div3A_23 = vector.broadcast %div3A : f32 to vector<512x16xf32>
    %div3A_24 = arith.divf %div3A_23, %add3A_22 : vector<512x16xf32>
    %get3A_25 = arith.constant 0 : index
    %get3A_26 = arith.constant 0 : index
    %get3A_27 = vector.load %arg4[%get3A_25, %get3A_26] : memref<16x128xf32, #tpu.memory_space<vmem>>, vector<16x128xf32>
    %dot_general3A = arith.constant dense<0.000000e+00> : vector<512x128xf32>
    %dot_general3A_28 = tpu.matmul %div3A_24, %get3A_27, %dot_general3A {dimension_numbers = #tpu.dot_dimension_numbers<[1], [0], [0], [1], [0, 0, 1, 1], [], []>, transpose_lhs_hint = false} : vector<512x16xf32>, vector<16x128xf32>, vector<512x128xf32> -> vector<512x128xf32>
    %mul3A = arith.mulf %add3A, %dot_general3A_28 : vector<512x128xf32>
    %get3A_29 = arith.constant 0 : index
    %get3A_30 = arith.constant 0 : index
    %get3A_31 = vector.load %arg3[%get3A_29, %get3A_30] : memref<1x128xf32, #tpu.memory_space<vmem>>, vector<1x128xf32>
    %add3A_32 = vector.broadcast %get3A_31 : vector<1x128xf32> to vector<512x128xf32>
    %add3A_33 = arith.addf %mul3A, %add3A_32 : vector<512x128xf32>
    %swap3A = arith.constant 0 : index
    %swap3A_34 = arith.constant 0 : index
    %swap3A_35 = vector.load %arg5[%swap3A, %swap3A_34] : memref<512x128xf32, #tpu.memory_space<vmem>>, vector<512x128xf32>
    tpu.vector_store %arg5[%swap3A, %swap3A_34], %add3A_33 {strides = array<i32>} : memref<512x128xf32, #tpu.memory_space<vmem>>, vector<512x128xf32>,
    return
  }
  func.func @transform_0(%arg0: i32) -> (i32, i32, i32) {
    %c0_i32 = arith.constant 0 : i32
    %c0_i32_0 = arith.constant 0 : i32
    %c0_i32_1 = arith.constant 0 : i32
    return %c0_i32, %arg0, %c0_i32_0 : i32, i32, i32
  }
  func.func @transform_1(%arg0: i32) -> (i32, i32, i32) {
    %c0_i32 = arith.constant 0 : i32
    %c0_i32_0 = arith.constant 0 : i32
    %c0_i32_1 = arith.constant 0 : i32
    return %c0_i32, %arg0, %c0_i32_0 : i32, i32, i32
  }
  func.func @transform_2(%arg0: i32) -> (i32, i32) {
    %c0_i32 = arith.constant 0 : i32
    %c0_i32_0 = arith.constant 0 : i32
    %c0_i32_1 = arith.constant 0 : i32
    return %c0_i32, %c0_i32_0 : i32, i32
  }
  func.func @transform_3(%arg0: i32) -> (i32, i32) {
    %c0_i32 = arith.constant 0 : i32
    %c0_i32_0 = arith.constant 0 : i32
    %c0_i32_1 = arith.constant 0 : i32
    return %c0_i32, %c0_i32_0 : i32, i32
  }
  func.func @transform_4(%arg0: i32) -> (i32, i32) {
    %c0_i32 = arith.constant 0 : i32
    %c0_i32_0 = arith.constant 0 : i32
    return %arg0, %c0_i32 : i32, i32
  }
}

</mosaic_0001>

<sc_bundles>
// kernel: kernel.12.cloned.1.call-start
scs
__scs_entry_jumppad:
0x0: {  	(pc) =	sbr.rel $0x88, $3  }
0x1: {  	(tag) =	ssettag $0x0;
	lr =	simm.s32 $0x1  }
0x2: {  	[smem:$0x3F8A] =	sst lr;
	_ =	strace $0xD0000000  }
0x3: {  	_ = 	snop  }
0x4: {  	_ = 	snop  }
0x5: {  	_ = 	snop  }
0x6: {  	_ = 	snop  }
0x7: {  	_ = 	snop  }
__scs_overlays_trampoline_lowered:
0x8: {  	[smem:$0x3F99] =	sst s0  }
0x9: {  	[smem:$0x3F9A] =	sst s1  }
0xa: {  	[smem:$0x3F9B] =	sst s2  }
0xb: {  	[smem:$0x3F9C] =	sst s3  }
0xc: {  	[smem:$0x3F9D] =	sst s4  }
0xd: {  	[smem:$0x3F9E] =	sst s5  }
0xe: {  	[smem:$0x3F9F] =	sst s6  }
0xf: {  	[smem:$0x3FA0] =	sst s7  }
0x10: {  	[smem:$0x3FA1] =	sst s8  }
0x11: {  	[smem:$0x3FA2] =	sst s9;
	s0 =	simm.s32 @!p0 $0x0  }
0x12: {  	s1 =	sld [smem:$0x3F88];
	s0 =	simm.s32 @p0 $0x1  }
0x13: {  	[smem:$0x3FA3] =	sst s0;
	s0 =	simm.s32 @!p1 $0x0  }
0x14: {  	s2 =	sld [smem:$0x3F87];
	s0 =	simm.s32 @p1 $0x1  }
0x15: {  	[smem:$0x3FA4] =	sst s0;
	s0 =	simm.s32 @!p2 $0x0  }
0x16: {  	s3 =	sld [smem:$0x3FDB];
	s0 =	simm.s32 @p2 $0x1  }
0x17: {  	s4 =	simm.s32 $0x1BF5;
	[smem:$0x3FA6] =	sst s0  }
0x18: {  	s0 =	sld [smem:$0x3F89];
	_ =	swait.ge [sflag:s4], $0x0  }
0x19: {  	s7 =	sld [smem:$0x3F8A]  }
0x1a: {  	s8 =	sadd.s32 $0xFFFFE003, lr  }
0x1b: {  	s9 =	sadd.s32 $0xFFFFFEF7, lr;
	s5 =	simm.s32 $0xFFFFFFFF;
	p2 =	slt.u32 s8, $0xFFFFF086  }
0x1c: {  	p1 =	slt.u32 s9, $0xF7A;
	s5 =	simm.s32 @!p2 $0x0  }
0x1d: {  	s5 =	simm.s32 @p1 $0x1;
	p0 =	seq.s32 s7, s2  }
0x1e: {  	s7 =	smul.u32 @!p0 $0xF7A, s2;
	p2 =	seq.s32 @!p0 s5, $0x0  }
0x1f: {  	s9 =	smul.u32 $0xF7A, s1;
	s8 =	simm.s32 @!p0 $0x1BF5;
	p2 =	por !p2, p0  }
0x20: {  	[sflag:s8] =	ssyncset.s32 @!p0 $0xFFFFF086;
	s6 =	sadd.s32 @!p0 s3, s7;
	s7 =	simm.s32 @!p0 $0x108  }
0x21: {  	s3 =	sadd.s32 s3, s9;
	s6 =	sadd.s32 @!p0 $0x88, s6;
	s7 =	simm.s32 @p2 $0x1082  }
0x22: {  	[simem:s7], [sflag:s8] =	dma.local @!p0 [hbm:s6], $0xF7A  }
0x23: {  	s9 =	sor.u32 $0xD0000000, s2;
	s6 =	simm.s32 $0x108;
	_ =	swait.ge @!p0 [sflag:s8], $0x0  }
0x24: {  	s3 =	sadd.s32 $0x88, s3;
	s6 =	simm.s32 @!p1 $0x1082;
	[sflag:s4] =	ssyncset.s32 $0xFFFFF086  }
0x25: {  	[simem:s6], [sflag:s4] =	dma.local [hbm:s3], $0xF7A  }
0x26: {  	[smem:$0x3F8A] =	sst s1;
	(tag) =	ssettag s2;
	_ =	strace s9  }
0x27: {  	s1 =	sld [smem:$0x3F9A]  }
0x28: {  	s2 =	sld [smem:$0x3F9B]  }
0x29: {  	s4 =	sld [smem:$0x3F9D]  }
0x2a: {  	p0 =	seq.s32 s5, $0x0;
	s5 =	sld [smem:$0x3F9E]  }
0x2b: {  	s6 =	sld [smem:$0x3F9F]  }
0x2c: {  	s7 =	sld [smem:$0x3FA0]  }
0x2d: {  	s3 =	simm.s32 $0x108;
	s8 =	sld [smem:$0x3FA1]  }
0x2e: {  	s3 =	simm.s32 @!p0 $0x1082;
	s9 =	sld [smem:$0x3FA2]  }
0x2f: {  	lr =	sadd.s32 s0, s3;
	s0 =	sld [smem:$0x3F99]  }
0x30: {  	s3 =	sld [smem:$0x3F9C]  }
0x31: {  	[smem:$0x3FA5] =	sst s10  }
0x32: {  	s10 =	sld [smem:$0x3FA3];
	_ =	sdelay $0x3  }
0x33: {  	p0 =	seq.s32 s10, $0x1;
	s10 =	sld [smem:$0x3FA5];
	_ =	sdelay $0x3  }
0x34: {  	[smem:$0x3FA5] =	sst s10  }
0x35: {  	s10 =	sld [smem:$0x3FA4];
	_ =	sdelay $0x3  }
0x36: {  	p1 =	seq.s32 s10, $0x1;
	s10 =	sld [smem:$0x3FA5];
	_ =	sdelay $0x3  }
0x37: {  	[smem:$0x3FA5] =	sst s10  }
0x38: {  	s10 =	sld [smem:$0x3FA6]  }
0x39: {  	_ = 	snop;
	(pc) =	sbr.ind lr, $3  }
0x3a: {  	_ = 	snop  }
0x3b: {  	_ = 	snop  }
0x3c: {  	p2 =	seq.s32 s10, $0x1;
	s10 =	sld [smem:$0x3FA5]  }
0x3d: {  	_ =	shalt  }
0x3e: {  	_ =	shalt  }
0x3f: {  	_ =	shalt  }
0x40: {  	_ =	shalt  }
0x41: {  	_ =	shalt  }
0x42: {  	_ =	shalt  }
0x43: {  	_ =	shalt  }
0x44: {  	_ =	shalt  }
0x45: {  	_ =	shalt  }
0x46: {  	_ =	shalt  }
0x47: {  	_ =	shalt  }
0x48: {  	_ =	shalt  }
0x49: {  	_ =	shalt  }
0x4a: {  	_ =	shalt  }
0x4b: {  	_ =	shalt  }
0x4c: {  	_ =	shalt  }
0x4d: {  	_ =	shalt  }
0x4e: {  	_ =	shalt  }
0x4f: {  	_ =	shalt  }
0x50: {  	_ =	shalt  }
0x51: {  	_ =	shalt  }
0x52: {  	_ =	shalt  }
0x53: {  	_ =	shalt  }
0x54: {  	_ =	shalt  }
0x55: {  	_ =	shalt  }
0x56: {  	_ =	shalt  }
0x57: {  	_ =	shalt  }
0x58: {  	_ =	shalt  }
0x59: {  	_ =	shalt  }
0x5a: {  	_ =	shalt  }
0x5b: {  	_ =	shalt  }
0x5c: {  	_ =	shalt  }
0x5d: {  	_ =	shalt  }
0x5e: {  	_ =	shalt  }
0x5f: {  	_ =	shalt  }
0x60: {  	_ =	shalt  }
0x61: {  	_ =	shalt  }
0x62: {  	_ =	shalt  }
0x63: {  	_ =	shalt  }
0x64: {  	_ =	shalt  }
0x65: {  	_ =	shalt  }
0x66: {  	_ =	shalt  }
0x67: {  	_ =	shalt  }
0x68: {  	_ =	shalt  }
0x69: {  	_ =	shalt  }
0x6a: {  	_ =	shalt  }
0x6b: {  	_ =	shalt  }
0x6c: {  	_ =	shalt  }
0x6d: {  	_ =	shalt  }
0x6e: {  	_ =	shalt  }
0x6f: {  	_ =	shalt  }
0x70: {  	_ =	shalt  }
0x71: {  	_ =	shalt  }
0x72: {  	_ =	shalt  }
0x73: {  	_ =	shalt  }
0x74: {  	_ =	shalt  }
0x75: {  	_ =	shalt  }
0x76: {  	_ =	shalt  }
0x77: {  	_ =	shalt  }
0x78: {  	_ =	shalt  }
0x79: {  	_ =	shalt  }
0x7a: {  	_ =	shalt  }
0x7b: {  	_ =	shalt  }
0x7c: {  	_ =	shalt  }
0x7d: {  	_ =	shalt  }
0x7e: {  	_ =	shalt  }
0x7f: {  	_ =	shalt  }
0x80: {  	_ =	shalt  }
0x81: {  	_ =	shalt  }
0x82: {  	_ =	shalt  }
0x83: {  	_ =	shalt  }
0x84: {  	_ =	shalt  }
0x85: {  	_ =	shalt  }
0x86: {  	_ =	shalt  }
0x87: {  	_ =	shalt  }
.Lfunc_end0:
.L_simem_size_0:
called_computation_lowered:
.L_overlay_start_0:
0x88: {  	s2 =	sld [smem:$0x3FD9]  }
0x89: {  	s3 =	sld [smem:$0x3FFE];
	_ =	sdelay $0x1  }
0x8a: {  	s1 =	srdreg.scid  }
0x8b: {  	s0 =	sand.u32 $0x1, s1  }
0x8c: {  	s14 =	sshll.u32 s0, $0xA;
	s2 =	sadd.s32 s3, s2  }
0x8d: {  	s2 =	sadd.s32 s2, s14  }
0x8e: {  	[smem:$0x3FB1] =	sst s2  }
0x8f: {  	_ = 	snop  }
0x90: {  	s2 =	sld [smem:$0x3FD0];
	_ =	sdelay $0x2  }
0x91: {  	s15 =	simm.s32 $0xB;
	s4 =	simm.s32 $0x10  }
0x92: {  	[smem:s4], [sflag:s15] =	dma.local [hbm:s2], $0x1  }
0x93: {  	_ =	swait.eq [sflag:s15], $0x1  }
0x94: {  	s16 =	sld [smem:$0x10];
	[sflag:s15] =	ssyncset.done $0x0  }
0x95: {  	s17 =	sld [smem:$0x11];
	[sflag:s15] =	ssyncadd.s32 $0xFFFFFFFF  }
0x96: {  	s18 =	sld [smem:$0x12];
	(tm) =	ssettm $0x1  }
0x97: {  	s5 =	sld [smem:$0x3FFB];
	_ =	sdelay $0x3  }
0x98: {  	_ =	strace s5  }
0x99: {  	s5 =	sld [smem:$0x3FFC];
	_ =	sdelay $0x3  }
0x9a: {  	_ =	strace s5  }
0x9b: {  	s5 =	sld [smem:$0x3FFD];
	_ =	sdelay $0x3  }
0x9c: {  	_ =	strace s5  }
0x9d: {  	_ =	strace $0x8FFFFFFF  }
0x9e: {  	s19 =	sld [smem:$0x3FDB];
	_ =	sdelay $0x1  }
0x9f: {  	s6 =	simm.s32 $_scs_section_size  }
0xa0: {  	s7 =	simm.s32 $_size__tile_overlayer_lowered;
	s8 =	simm.s32 $_tile_overlayer_lowered  }
0xa1: {  	s22 =	simm.s32 $0x1BFF;
	s21 =	sshll.u32 s8, $0x1;
	s5 =	sadd.s32 s6, s19  }
0xa2: {  	s9 =	simm.s32 $0x0;
	s20 =	sshll.u32 s7, $0x1;
	s7 =	sadd.s32 s21, s5  }
0xa3: {  	[timem:s9], [sflag:s22] =	dma.local [hbm:s7], s20  }
0xa4: {  	_ =	swait.ge [sflag:s22], s20  }
0xa5: {  	s6 =	ssub.s32 $0x0, s20;
	[sflag:s22] =	ssyncset.done $0x0  }
0xa6: {  	[sflag:s22] =	ssyncadd.s32 s6;
	_ =	sdelay $0x1  }
0xa7: {  	s23 =	simm.s32 $0x1B8B  }
0xa8: {  	_ =	swait.ge [sflag:s23], $0x1  }
0xa9: {  	[sflag:s23] =	ssyncset.done $0x0  }
0xaa: {  	s25 =	simm.s32 $0x1B8E;
	s24 =	sld [smem:$0x3FFE];
	[sflag:s23] =	ssyncadd.s32 $0xFFFFFFFF  }
0xab: {  	s26 =	simm.s32 $execute0_lowered;
	[smem:$0x3FD2] =	sst s25  }
0xac: {  	s7 =	sshll.u32 s26, $0x1;
	_ =	strace $0x80000046;
	[dreg:$0x1] =	wrdreg $0xFFFFFFFF  }
0xad: {  	s28 =	simm.s32 $_size_execute0_lowered;
	s5 =	sadd.s32 s5, s7;
	[dreg:$0x0] =	wrdreg $0x0  }
0xae: {  	s7 =	sshll.u32 s28, $0x1;
	[dreg:$0x2] =	wrdreg s5  }
0xaf: {  	[dreg:$0x3] =	wrdreg s7  }
0xb0: {  	[dreg:$0x4] =	wrdreg $0xC0  }
0xb1: {  	_ =	task [dreg:s9], $0x5FFFF  }
0xb2: {  	[dreg:$0x1] =	wrdreg $0xFFFFFFFF  }
0xb3: {  	[dreg:$0x0] =	wrdreg $0x60  }
0xb4: {  	[dreg:$0x2] =	wrdreg s24  }
0xb5: {  	[dreg:$0x3] =	wrdreg s18  }
0xb6: {  	[dreg:$0x4] =	wrdreg s17  }
0xb7: {  	[dreg:$0x5] =	wrdreg s16  }
0xb8: {  	[dreg:$0x6] =	wrdreg $0x0  }
0xb9: {  	[dreg:$0x7] =	wrdreg $0x140000  }
0xba: {  	[dreg:$0x8] =	wrdreg $0x9  }
0xbb: {  	_ =	task.clear_ibuf [dreg:s9], $0x9FFFF;
	_ =	strace $0x90000046  }
0xbc: {  	s29 =	simm.s32 $0x9;
	_ =	strace $0x80000048  }
0xbd: {  	_ =	swait.ge [sflag:s29], $0x1  }
0xbe: {  	[sflag:s29] =	ssyncadd.s32 $0xFFFFFFFF  }
0xbf: {  	_ =	strace $0x90000048  }
0xc0: {  	_ =	sfence  }
0xc1: {  	s30 =	sld [smem:$0x0];
	_ =	sdelay $0x2  }
0xc2: {  	s31 =	sshll.u32 s1, $0xD;
	s1 =	sshrl.u32 s1, $0x2  }
0xc3: {  	s3 =	sand.u32 $0x4000, s31;
	s1 =	sadd.s32 s1, s30  }
0xc4: {  	s0 =	sor.u32 s3, s0;
	s1 =	sshll.u32 s1, $0x11  }
0xc5: {  	s0 =	sor.u32 s1, s0  }
0xc6: {  	s0 =	sadd.s32 $0x8F2B, s0  }
0xc7: {  	[sflag:s0] =	ssyncadd.remote.s32 $0x1  }
0xc8: {  	_ =	sfence.sel $0xFFFF  }
0xc9: {  	[dreg:$0x0] =	wrdreg $0xFFFFFFFF;
	(pc) =	sbr.abs _section_cstart, $3  }
0xca: {  	[dreg:$0x1] =	wrdreg $0xFFFFFFFF  }
0xcb: {  	_ =	task.clear_ibuf [dreg:s9], $0x2FFFF;
	_ =	strace $0x9FFFFFFF  }
0xcc: {  	(tm) =	ssettm $0x7FFFFFFF  }
0xcd: {  	_ =	shalt  }
tec
execute0_lowered:
.L_overlay_start_1:
0x0: {  	(tag) =	ssettag $0x1  }
0x1: {  	s0 =	rddreg [dreg:$0x0]  }
0x2: {  	s1 =	rddreg [dreg:$0x1]  }
0x3: {  	s2 =	rddreg [dreg:$0x2]  }
0x4: {  	s3 =	rddreg [dreg:$0x3]  }
0x5: {  	s4 =	rddreg [dreg:$0x4]  }
0x6: {  	s5 =	rddreg [dreg:$0x5]  }
0x7: {  	s7 =	srdreg.scid;
	s18 =	stileid.u32;
	s6 =	simm.s32 $0x0  }
0x8: {  	s20 =	simm.s32 $0x16800;
	s21 =	simm.s32 $0x16880;
	s22 =	simm.s32 $0x80  }
0x9: {  	s28 =	simm.s32 $0x2;
	s29 =	simm.s32 $0x17900;
	s10 =	sand.u32 $0x1, s7  }
0xa: {  	s11 =	smul.u32 $0x14000, s18;
	[smem:$0x7FF] =	sst s6;
	s7 =	sadd.s32 $0x1B800, s0  }
0xb: {  	s8 =	sadd.s32 $0x11400, s0;
	s9 =	sadd.s32 $0x7000, s0;
	s13 =	sadd.s32 $0x43E00, s0  }
0xc: {  	s23 =	sadd.s32 $0x43800, s0;
	s25 =	smul.u32 $0x2800, s18;
	s15 =	sshll.u32 s18, $0x1  }
0xd: {  	s26 =	sshll.u32 s18, $0x6;
	_ =	strace $0x80000047;
	[dreg:$0x7] =	wrdreg s13  }
0xe: {  	s18 =	simm.s32 $0x3;
	s12 =	smul.u32 $0x140000, s10;
	[dreg:$0x8] =	wrdreg s23  }
0xf: {  	s24 =	ssub.s32 $0x2, s10;
	s16 =	smul.u32 $0x28000, s10;
	s10 =	sor.u32 s10, s15  }
0x10: {  	s23 =	simm.s32 $0x18100;
	s14 =	sshrl.u32 s24, $0x1;
	s19 =	sadd.s32 s25, s5  }
0x11: {  	s13 =	smul.u32 $0x2900, s10;
	s12 =	sadd.s32 s11, s12;
	s17 =	ssub.s32 s24, s14  }
0x12: {  	s11 =	sadd.s32 s11, s4;
	s30 =	sadd.s32 s25, s16;
	s19 =	sshrl.u32 s19, $0x3  }
0x13: {  	s24 =	simm.s32 $0x16900;
	s25 =	simm.s32 $0x17100;
	s12 =	sshrl.u32 s12, $0x3  }
0x14: {  	s31 =	sshrl.u32 s30, $0x3;
	s16 =	smax.u32 s17, $0x1;
	s0 =	sadd.s32 s12, s0  }
0x15: {  	s17 =	sshrl.u32 s11, $0x3;
	s12 =	sor.u32 $0x1C03, s26;
	s0 =	sadd.s32 $0x46600, s0  }
0x16: {  	s15 =	sadd.s32 s3, s31;
	s26 =	simm.s32 $0x1;
	[dreg:$0x9] =	wrdreg s0  }
.LBB2_1:
0x17: {  	s0 =	rddreg [dreg:$0x7]  }
0x18: {  	[spmem:s17], [sflag:s12] =	dma.local [hbm:s0], $0x2800  }
0x19: {  	_ =	swait.ge [sflag:s18], $0x2800  }
0x1a: {  	[sflag:s18] =	ssyncset.done $0x0  }
0x1b: {  	s31 =	rddreg [dreg:$0x8];
	[sflag:s18] =	ssyncadd.s32 $0xFFFFD800  }
0x1c: {  	[spmem:s19], [sflag:s12] =	dma.local [hbm:s31], $0x500  }
0x1d: {  	_ =	swait.ge [sflag:s18], $0x500  }
0x1e: {  	[sflag:s18] =	ssyncset.done $0x0  }
0x1f: {  	[sflag:s18] =	ssyncadd.s32 $0xFFFFFB00  }
0x20: {  	s30 =	simm.s32 $0x0;
	[bflag:$0x0] =	sbarrier.arrive $0xFFFF  }
.LBB2_2:
0x21: {  	s0 =	sshll.u32 s30, $0x7  }
0x22: {  	s0 =	sadd.s32 s13, s0  }
0x23: {  	s0 =	sshrl.u32 s0, $0x3  }
0x24: {  	s10 =	simm.s32 $0x0;
	s3 =	sadd.s32 s8, s0  }
0x25: {  	[tilespmem:s20], [sflag:$0x3] =	stream.linear.gather [hbm4b:s3+s10], $0x80, $0x38;
	[tilespmem:$0x1C100] =	vst v63  }
0x26: {  	_ =	swait.ge [sflag:s18], $0x80  }
0x27: {  	[sflag:s18] =	ssyncset.done $0x0  }
0x28: {  	s0 =	sadd.s32 s9, s0;
	[sflag:s18] =	ssyncadd.s32 $0xFFFFFF80  }
0x29: {  	[tilespmem:s21], [sflag:$0x3] =	stream.linear.gather [hbm4b:s0+s10], $0x80, $0x38;
	[tilespmem:$0x1C100] =	vst v63  }
0x2a: {  	_ =	swait.ge [sflag:s18], $0x80  }
0x2b: {  	[sflag:s18] =	ssyncset.done $0x0  }
0x2c: {  	[sflag:s18] =	ssyncadd.s32 $0xFFFFFF80  }
0x2d: {  	[tilespmem:s23], [sflag:$0x2] =	stream.indirect.gather [hbm4b:s7+s22], $0x80, s20, s22, $0xb8;
	[tilespmem:$0x1C100] =	vst v63  }
0x2e: {  	_ = 	snop  }
0x2f: {  	[tilespmem:s24], [sflag:$0x1] =	stream.indirect.gather [hbm4b:s1+s22], $0x10, s20, s22, $0xb8;
	[tilespmem:$0x1C100] =	vst v63  }
0x30: {  	_ = 	snop  }
0x31: {  	[tilespmem:s25], [sflag:$0x1] =	stream.indirect.gather [hbm4b:s2+s22], $0x10, s21, s22, $0xb8;
	[tilespmem:$0x1C100] =	vst v63  }
0x32: {  	_ =	swait.ge [sflag:s26], $0x800  }
0x33: {  	[sflag:s26] =	ssyncset.done $0x0  }
0x34: {  	[sflag:s26] =	ssyncadd.s32 $0xFFFFF800  }
0x35: {  	_ =	swait.ge [sflag:s26], $0x800  }
0x36: {  	[sflag:s26] =	ssyncset.done $0x0  }
0x37: {  	s0 =	simm.s32 $0x0;
	[sflag:s26] =	ssyncadd.s32 $0xFFFFF800  }
0x38: {  	v0 =	vld [tilespmem:s0+$0x16900]  }
0x39: {  	v1 =	vld [tilespmem:s0+$0x17100];
	_ =	sdelay $0x4  }
0x3a: {  	v0 =	vadd.f32 v1, v0;
	_ =	sdelay $0x1  }
0x3b: {  	s31 =	simm.s32 $0x10;
	v1 =	vmul.f32 $2.000000030e-01, v0  }
0x3c: {  	v2 =	vld [tilespmem:s31+$0x16900];
	vm0 =	vgt.f32 v0, $0.0e+00  }
0x3d: {  	v3 =	vld [tilespmem:s31+$0x17100];
	v0 =	vsel vm0, v0, v1  }
0x3e: {  	s3 =	simm.s32 $0x20;
	v0 =	vmul.f32 $1.442695020e+00, v0  }
0x3f: {  	v1 =	vld [tilespmem:s3+$0x16900]  }
0x40: {  	(erf) = vpow2.f32 v0;
	v0 =	vld [tilespmem:s3+$0x17100];
	_ =	sdelay $0x1  }
0x41: {  	v2 =	vadd.f32 v3, v2;
	_ =	sdelay $0x1  }
0x42: {  	v3 =	vmul.f32 $2.000000030e-01, v2  }
0x43: {  	vm14 =	vgt.f32 v2, $0.0e+00;
	v4 =	vadd.f32 v0, v1  }
0x44: {  	v0 =	vsel vm14, v2, v3  }
0x45: {  	s10 =	simm.s32 $0x30;
	v1 =	vmul.f32 $1.442695020e+00, v0;
	v2 =	vmul.f32 $2.000000030e-01, v4  }
0x46: {  	v0 =	vld [tilespmem:s10+$0x16900]  }
0x47: {  	(erf) = vpow2.f32 v1;
	v1 =	vld [tilespmem:s10+$0x17100]  }
0x48: {  	vm15 =	vgt.f32 v4, $0.0e+00  }
0x49: {  	s11 =	simm.s32 $0x100;
	v3 =	vsel vm15, v4, v2;
	v2 =	vpop (erf)  }
.LBB2_3:
0x4a: {  	s14 =	sshra.s32 s11, $0x2  }
0x4b: {  	v3 =	vmul.f32 $1.442695020e+00, v3;
	[tilespmem:s0+$0x17900] =	vst v2;
	s0 =	smov.u32 s31;
	s31 =	smov.u32 s3;
	p0 =	sne.s32 s11, $0x1FC0  }
.Ltmp0:
0x4c: {  	s11 =	sadd.s32 $0x40, s11;
	v2 =	vadd.f32 v1, v0;
	v0 =	vld [tilespmem:s14+$0x16900];
	(pc) =	sbr.rel @p0 .LBB2_3-.Ltmp0, $4  }
0x4d: {  	s3 =	smov.u32 s10;
	s10 =	smov.u32 s14;
	v1 =	vld [tilespmem:s14+$0x17100];
	(erf) = vpow2.f32 v3  }
0x4e: {  	v3 =	vmul.f32 $2.000000030e-01, v2  }
0x4f: {  	vm0 =	vgt.f32 v2, $0.0e+00  }
0x50: {  	v3 =	vsel vm0, v2, v3;
	v2 =	vpop (erf)  }
0x51: {  	_ = 	snop  }
0x52: {  	v0 =	vadd.f32 v1, v0;
	_ =	sdelay $0x1  }
0x53: {  	v1 =	vmul.f32 $2.000000030e-01, v0  }
0x54: {  	vm0 =	vgt.f32 v0, $0.0e+00  }
0x55: {  	v0 =	vsel vm0, v0, v1;
	v1 =	vmul.f32 $1.442695020e+00, v3  }
0x56: {  	v0 =	vmul.f32 $1.442695020e+00, v0  }
0x57: {  	(erf) = vpow2.f32 v1  }
0x58: {  	(erf) = vpow2.f32 v0;
	_ =	sdelay $0x6  }
0x59: {  	[tilespmem:s0+$0x17900] =	vst v2;
	v0 =	vpop (erf)  }
0x5a: {  	[tilespmem:s31+$0x17900] =	vst v0;
	v0 =	vpop (erf)  }
0x5b: {  	[tilespmem:s3+$0x17900] =	vst v0;
	v0 =	vpop (erf)  }
0x5c: {  	[tilespmem:s10+$0x17900] =	vst v0  }
0x5d: {  	_ =	swait.ge [sflag:s28], $0x4000  }
0x5e: {  	[sflag:s28] =	ssyncset.done $0x0  }
0x5f: {  	s31 =	simm.s32 $0x18140;
	[sflag:s28] =	ssyncadd.s32 $0xFFFFC000  }
0x60: {  	s0 =	simm.s32 $0x18140;
	s3 =	simm.s32 $0x40;
	s10 =	simm.s32 $0x0;
	v0 =	vld [tilespmem:s31+$0xFFFFFFF0]  }
.LBB2_5:
0x61: {  	p0 =	sne.s32 s3, $0x1FC0;
	v1 =	vld [tilespmem:s10+$0x17900]  }
0x62: {  	v2 =	vld [tilespmem:s31+$0xFFFFFFD0]  }
0x63: {  	v3 =	vld [tilespmem:s31+$0xFFFFFFC0]  }
0x64: {  	v4 =	vld [tilespmem:s31+$0xFFFFFFE0]  }
0x65: {  	v5 =	vld [tilespmem:s31+$0x30]  }
0x66: {  	v6 =	vbroadcast v1, $0x0;
	v7 =	vbroadcast v1, $0x1;
	v8 =	vld [tilespmem:s31+$0x10]  }
0x67: {  	v9 =	vbroadcast v1, $0x2;
	v10 =	vbroadcast v1, $0x3;
	v11 =	vld [tilespmem:s31+$0x0]  }
0x68: {  	v3 =	vmul.f32 v6, v3;
	v2 =	vmul.f32 v2, v7;
	v6 =	vld [tilespmem:s31+$0x20]  }
0x69: {  	v0 =	vmul.f32 v0, v10;
	v4 =	vmul.f32 v4, v9  }
0x6a: {  	v7 =	vbroadcast v1, $0x5;
	[tilespmem:s31+$0xFFFFFFC0] =	vst v3;
	v3 =	vbroadcast v1, $0x4  }
0x6b: {  	[tilespmem:s31+$0xFFFFFFD0] =	vst v2;
	v2 =	vbroadcast v1, $0x6;
	v1 =	vbroadcast v1, $0x7  }
0x6c: {  	[tilespmem:s31+$0xFFFFFFE0] =	vst v4;
	v3 =	vmul.f32 v11, v3;
	v4 =	vmul.f32 v8, v7  }
.Ltmp1:
0x6d: {  	[tilespmem:s31+$0xFFFFFFF0] =	vst v0;
	v0 =	vmul.f32 v6, v2;
	v1 =	vmul.f32 v5, v1;
	(pc) =	sbr.rel @p0 .LBB2_5-.Ltmp1, $4  }
0x6e: {  	[tilespmem:s31+$0x0] =	vst v3  }
0x6f: {  	[tilespmem:s31+$0x10] =	vst v4  }
0x70: {  	s31 =	sadd.s32 $0x80, s31;
	[tilespmem:s0+$0x20] =	vst v0  }
0x71: {  	s10 =	sshra.s32 s3, $0x2;
	s3 =	sadd.s32 $0x40, s3;
	v0 =	vld [tilespmem:s31+$0xFFFFFFF0];
	[tilespmem:s0+$0x30] =	vst v1;
	s0 =	smov.u32 s31  }
0x72: {  	v1 =	vld [tilespmem:s10+$0x17900];
	_ =	sdelay $0x1  }
0x73: {  	v2 =	vld [tilespmem:s31+$0xFFFFFFC0]  }
0x74: {  	v3 =	vld [tilespmem:s31+$0xFFFFFFD0]  }
0x75: {  	v4 =	vld [tilespmem:s31+$0xFFFFFFE0]  }
0x76: {  	v5 =	vbroadcast v1, $0x0  }
0x77: {  	v8 =	vld [tilespmem:s31+$0x10];
	v6 =	vbroadcast v1, $0x1  }
0x78: {  	v7 =	vld [tilespmem:s31+$0x0];
	v9 =	vbroadcast v1, $0x2;
	v2 =	vmul.f32 v5, v2  }
0x79: {  	v58 =	vld [tilespmem:s31+$0x20];
	v57 =	vbroadcast v1, $0x3;
	v3 =	vmul.f32 v3, v6  }
0x7a: {  	v10 =	vld [tilespmem:s31+$0x30];
	v60 =	vbroadcast v1, $0x5;
	v4 =	vmul.f32 v4, v9;
	[tilespmem:s31+$0xFFFFFFC0] =	vst v2  }
0x7b: {  	v59 =	vbroadcast v1, $0x4;
	v0 =	vmul.f32 v0, v57;
	[tilespmem:s31+$0xFFFFFFD0] =	vst v3  }
0x7c: {  	v61 =	vbroadcast v1, $0x6;
	v62 =	vmul.f32 v8, v60;
	[tilespmem:s31+$0xFFFFFFE0] =	vst v4  }
0x7d: {  	v1 =	vbroadcast v1, $0x7;
	v2 =	vmul.f32 v7, v59;
	[tilespmem:s31+$0xFFFFFFF0] =	vst v0  }
0x7e: {  	v63 =	vmul.f32 v58, v61;
	[tilespmem:s31+$0x10] =	vst v62  }
0x7f: {  	v1 =	vmul.f32 v10, v1;
	[tilespmem:s31+$0x0] =	vst v2  }
0x80: {  	[tilespmem:s0+$0x20] =	vst v63  }
0x81: {  	[tilespmem:s0+$0x30] =	vst v1  }
0x82: {  	[spmem:s5] =	stream.indirect.scatter.add.f32 [tilespmem:s29], [sflag:$0x3], $0x10, s21, s22, $0xb8;
	[tilespmem:$0x1C100] =	vst v63  }
0x83: {  	s30 =	sadd.s32 $0x1, s30;
	_ =	swait.ge [sflag:s18], $0x800  }
0x84: {  	p0 =	sne.s32 s30, $0x52;
	[sflag:s18] =	ssyncset.done $0x0  }
.Ltmp2:
0x85: {  	[sflag:s18] =	ssyncadd.s32 $0xFFFFF800;
	(pc) =	sbr.rel @p0 .LBB2_2-.Ltmp2, $4  }
0x86: {  	[spmem:s4] =	stream.indirect.scatter.add.f32 [tilespmem:s23], [sflag:$0x3], $0x80, s21, s22, $0xb8;
	[tilespmem:$0x1C100] =	vst v63  }
0x87: {  	_ =	swait.ge [sflag:s18], $0x4000  }
0x88: {  	[sflag:s18] =	ssyncset.done $0x0  }
0x89: {  	[sflag:s18] =	ssyncadd.s32 $0xFFFFC000  }
0x8a: {  	[bflag:$0x0] =	sbarrier.arrive $0xFFFF  }
0x8b: {  	s0 =	rddreg [dreg:$0x9]  }
0x8c: {  	[hbm:s0], [sflag:s12] =	dma.local [spmem:s17], $0x2800  }
0x8d: {  	s6 =	sadd.s32 $0x1, s6;
	_ =	swait.ge [sflag:s18], $0x2800  }
0x8e: {  	p0 =	sne.s32 s6, s16;
	[sflag:s18] =	ssyncset.done $0x0  }
.Ltmp3:
0x8f: {  	[sflag:s18] =	ssyncadd.s32 $0xFFFFD800;
	(pc) =	sbr.rel @p0 .LBB2_1-.Ltmp3, $4  }
0x90: {  	[hbm:s15], [sflag:s12] =	dma.local [spmem:s19], $0x500  }
0x91: {  	_ =	swait.ge [sflag:s18], $0x500  }
0x92: {  	[sflag:s18] =	ssyncset.done $0x0  }
0x93: {  	[sflag:s18] =	ssyncadd.s32 $0xFFFFFB00  }
0x94: {  	_ =	sfence.sel $0x180000  }
0x95: {  	[bflag:$0x0] =	sbarrier.arrive $0xFFFF  }
0x96: {  	_ =	strace $0x90000047  }
0x97: {  	s0 =	stileid.u32;
	[bflag:$0x2] =	sbarrier.arrive $0xFFFF  }
0x98: {  	p0 =	sne.s32 s0, $0x0;
	s0 =	rddreg [dreg:$0x6]  }
0x99: {  	s0 =	sadd.s32 @!p0 $0x100000, s0  }
0x9a: {  	[sflag:s0] =	ssyncadd.tile.s32 @!p0 $0x1;
	_ =	shalt  }
.Lfunc_end2:
_tile_overlayer_lowered:
.L_overlay_start_2:
0x9b: {  	(tag) =	ssettag $0x2  }
0x9c: {  	s0 =	rddreg [dreg:$0x0];
	s2 =	stileid.u32  }
0x9d: {  	s1 =	rddreg [dreg:$0x1];
	p0 =	sne.s32 s2, $0x0  }
0x9e: {  	s3 =	rddreg [dreg:$0x2];
	[bflag:$0x3] =	sbarrier.arrive $0xFFFF;
	s2 =	simm.s32 @!p0 $0x1C03  }
0x9f: {  	[timem:s3], [sflag:s2] =	dma.local @!p0 [hbm:s0], s1  }
0xa0: {  	s0 =	simm.s32 @!p0 $0x3  }
0xa1: {  	_ =	swait.ge @!p0 [sflag:s0], s1  }
0xa2: {  	s1 =	ssub.s32 @!p0 $0x0, s1;
	[sflag:s0] =	ssyncset.done @!p0 $0x0  }
0xa3: {  	[sflag:s0] =	ssyncadd.s32 @!p0 s1  }
0xa4: {  	[bflag:$0x3] =	sbarrier.arrive $0xFFFF  }
0xa5: {  	_ =	shalt  }

// kernel: kernel.15.cloned.1.call-start
scs
__scs_entry_jumppad:
0x0: {  	(pc) =	sbr.rel $0x88, $3  }
0x1: {  	(tag) =	ssettag $0x0;
	lr =	simm.s32 $0x1  }
0x2: {  	[smem:$0x3F8A] =	sst lr;
	_ =	strace $0xD0000000  }
0x3: {  	_ = 	snop  }
0x4: {  	_ = 	snop  }
0x5: {  	_ = 	snop  }
0x6: {  	_ = 	snop  }
0x7: {  	_ = 	snop  }
__scs_overlays_trampoline_lowered:
0x8: {  	[smem:$0x3F99] =	sst s0  }
0x9: {  	[smem:$0x3F9A] =	sst s1  }
0xa: {  	[smem:$0x3F9B] =	sst s2  }
0xb: {  	[smem:$0x3F9C] =	sst s3  }
0xc: {  	[smem:$0x3F9D] =	sst s4  }
0xd: {  	[smem:$0x3F9E] =	sst s5  }
0xe: {  	[smem:$0x3F9F] =	sst s6  }
0xf: {  	[smem:$0x3FA0] =	sst s7  }
0x10: {  	[smem:$0x3FA1] =	sst s8  }
0x11: {  	[smem:$0x3FA2] =	sst s9;
	s0 =	simm.s32 @!p0 $0x0  }
0x12: {  	s1 =	sld [smem:$0x3F88];
	s0 =	simm.s32 @p0 $0x1  }
0x13: {  	[smem:$0x3FA3] =	sst s0;
	s0 =	simm.s32 @!p1 $0x0  }
0x14: {  	s2 =	sld [smem:$0x3F87];
	s0 =	simm.s32 @p1 $0x1  }
0x15: {  	[smem:$0x3FA4] =	sst s0;
	s0 =	simm.s32 @!p2 $0x0  }
0x16: {  	s3 =	sld [smem:$0x3FDB];
	s0 =	simm.s32 @p2 $0x1  }
0x17: {  	s4 =	simm.s32 $0x1BF5;
	[smem:$0x3FA6] =	sst s0  }
0x18: {  	s0 =	sld [smem:$0x3F89];
	_ =	swait.ge [sflag:s4], $0x0  }
0x19: {  	s7 =	sld [smem:$0x3F8A]  }
0x1a: {  	s8 =	sadd.s32 $0xFFFFE003, lr  }
0x1b: {  	s9 =	sadd.s32 $0xFFFFFEF7, lr;
	s5 =	simm.s32 $0xFFFFFFFF;
	p2 =	slt.u32 s8, $0xFFFFF086  }
0x1c: {  	p1 =	slt.u32 s9, $0xF7A;
	s5 =	simm.s32 @!p2 $0x0  }
0x1d: {  	s5 =	simm.s32 @p1 $0x1;
	p0 =	seq.s32 s7, s2  }
0x1e: {  	s7 =	smul.u32 @!p0 $0xF7A, s2;
	p2 =	seq.s32 @!p0 s5, $0x0  }
0x1f: {  	s9 =	smul.u32 $0xF7A, s1;
	s8 =	simm.s32 @!p0 $0x1BF5;
	p2 =	por !p2, p0  }
0x20: {  	[sflag:s8] =	ssyncset.s32 @!p0 $0xFFFFF086;
	s6 =	sadd.s32 @!p0 s3, s7;
	s7 =	simm.s32 @!p0 $0x108  }
0x21: {  	s3 =	sadd.s32 s3, s9;
	s6 =	sadd.s32 @!p0 $0x88, s6;
	s7 =	simm.s32 @p2 $0x1082  }
0x22: {  	[simem:s7], [sflag:s8] =	dma.local @!p0 [hbm:s6], $0xF7A  }
0x23: {  	s9 =	sor.u32 $0xD0000000, s2;
	s6 =	simm.s32 $0x108;
	_ =	swait.ge @!p0 [sflag:s8], $0x0  }
0x24: {  	s3 =	sadd.s32 $0x88, s3;
	s6 =	simm.s32 @!p1 $0x1082;
	[sflag:s4] =	ssyncset.s32 $0xFFFFF086  }
0x25: {  	[simem:s6], [sflag:s4] =	dma.local [hbm:s3], $0xF7A  }
0x26: {  	[smem:$0x3F8A] =	sst s1;
	(tag) =	ssettag s2;
	_ =	strace s9  }
0x27: {  	s1 =	sld [smem:$0x3F9A]  }
0x28: {  	s2 =	sld [smem:$0x3F9B]  }
0x29: {  	s4 =	sld [smem:$0x3F9D]  }
0x2a: {  	p0 =	seq.s32 s5, $0x0;
	s5 =	sld [smem:$0x3F9E]  }
0x2b: {  	s6 =	sld [smem:$0x3F9F]  }
0x2c: {  	s7 =	sld [smem:$0x3FA0]  }
0x2d: {  	s3 =	simm.s32 $0x108;
	s8 =	sld [smem:$0x3FA1]  }
0x2e: {  	s3 =	simm.s32 @!p0 $0x1082;
	s9 =	sld [smem:$0x3FA2]  }
0x2f: {  	lr =	sadd.s32 s0, s3;
	s0 =	sld [smem:$0x3F99]  }
0x30: {  	s3 =	sld [smem:$0x3F9C]  }
0x31: {  	[smem:$0x3FA5] =	sst s10  }
0x32: {  	s10 =	sld [smem:$0x3FA3];
	_ =	sdelay $0x3  }
0x33: {  	p0 =	seq.s32 s10, $0x1;
	s10 =	sld [smem:$0x3FA5];
	_ =	sdelay $0x3  }
0x34: {  	[smem:$0x3FA5] =	sst s10  }
0x35: {  	s10 =	sld [smem:$0x3FA4];
	_ =	sdelay $0x3  }
0x36: {  	p1 =	seq.s32 s10, $0x1;
	s10 =	sld [smem:$0x3FA5];
	_ =	sdelay $0x3  }
0x37: {  	[smem:$0x3FA5] =	sst s10  }
0x38: {  	s10 =	sld [smem:$0x3FA6]  }
0x39: {  	_ = 	snop;
	(pc) =	sbr.ind lr, $3  }
0x3a: {  	_ = 	snop  }
0x3b: {  	_ = 	snop  }
0x3c: {  	p2 =	seq.s32 s10, $0x1;
	s10 =	sld [smem:$0x3FA5]  }
0x3d: {  	_ =	shalt  }
0x3e: {  	_ =	shalt  }
0x3f: {  	_ =	shalt  }
0x40: {  	_ =	shalt  }
0x41: {  	_ =	shalt  }
0x42: {  	_ =	shalt  }
0x43: {  	_ =	shalt  }
0x44: {  	_ =	shalt  }
0x45: {  	_ =	shalt  }
0x46: {  	_ =	shalt  }
0x47: {  	_ =	shalt  }
0x48: {  	_ =	shalt  }
0x49: {  	_ =	shalt  }
0x4a: {  	_ =	shalt  }
0x4b: {  	_ =	shalt  }
0x4c: {  	_ =	shalt  }
0x4d: {  	_ =	shalt  }
0x4e: {  	_ =	shalt  }
0x4f: {  	_ =	shalt  }
0x50: {  	_ =	shalt  }
0x51: {  	_ =	shalt  }
0x52: {  	_ =	shalt  }
0x53: {  	_ =	shalt  }
0x54: {  	_ =	shalt  }
0x55: {  	_ =	shalt  }
0x56: {  	_ =	shalt  }
0x57: {  	_ =	shalt  }
0x58: {  	_ =	shalt  }
0x59: {  	_ =	shalt  }
0x5a: {  	_ =	shalt  }
0x5b: {  	_ =	shalt  }
0x5c: {  	_ =	shalt  }
0x5d: {  	_ =	shalt  }
0x5e: {  	_ =	shalt  }
0x5f: {  	_ =	shalt  }
0x60: {  	_ =	shalt  }
0x61: {  	_ =	shalt  }
0x62: {  	_ =	shalt  }
0x63: {  	_ =	shalt  }
0x64: {  	_ =	shalt  }
0x65: {  	_ =	shalt  }
0x66: {  	_ =	shalt  }
0x67: {  	_ =	shalt  }
0x68: {  	_ =	shalt  }
0x69: {  	_ =	shalt  }
0x6a: {  	_ =	shalt  }
0x6b: {  	_ =	shalt  }
0x6c: {  	_ =	shalt  }
0x6d: {  	_ =	shalt  }
0x6e: {  	_ =	shalt  }
0x6f: {  	_ =	shalt  }
0x70: {  	_ =	shalt  }
0x71: {  	_ =	shalt  }
0x72: {  	_ =	shalt  }
0x73: {  	_ =	shalt  }
0x74: {  	_ =	shalt  }
0x75: {  	_ =	shalt  }
0x76: {  	_ =	shalt  }
0x77: {  	_ =	shalt  }
0x78: {  	_ =	shalt  }
0x79: {  	_ =	shalt  }
0x7a: {  	_ =	shalt  }
0x7b: {  	_ =	shalt  }
0x7c: {  	_ =	shalt  }
0x7d: {  	_ =	shalt  }
0x7e: {  	_ =	shalt  }
0x7f: {  	_ =	shalt  }
0x80: {  	_ =	shalt  }
0x81: {  	_ =	shalt  }
0x82: {  	_ =	shalt  }
0x83: {  	_ =	shalt  }
0x84: {  	_ =	shalt  }
0x85: {  	_ =	shalt  }
0x86: {  	_ =	shalt  }
0x87: {  	_ =	shalt  }
.Lfunc_end0:
.L_simem_size_0:
called_computation.1_lowered:
.L_overlay_start_0:
0x88: {  	s2 =	sld [smem:$0x3FD9]  }
0x89: {  	s3 =	sld [smem:$0x3FFE];
	_ =	sdelay $0x1  }
0x8a: {  	s1 =	srdreg.scid  }
0x8b: {  	s0 =	sand.u32 $0x1, s1  }
0x8c: {  	s14 =	sshll.u32 s0, $0xA;
	s2 =	sadd.s32 s3, s2  }
0x8d: {  	s2 =	sadd.s32 s2, s14  }
0x8e: {  	[smem:$0x3FB1] =	sst s2  }
0x8f: {  	_ = 	snop  }
0x90: {  	s2 =	sld [smem:$0x3FD0];
	_ =	sdelay $0x2  }
0x91: {  	s15 =	simm.s32 $0xB;
	s4 =	simm.s32 $0x10  }
0x92: {  	[smem:s4], [sflag:s15] =	dma.local [hbm:s2], $0x1  }
0x93: {  	_ =	swait.eq [sflag:s15], $0x1  }
0x94: {  	[sflag:s15] =	ssyncset.done $0x0  }
0x95: {  	s16 =	sld [smem:$0x11];
	[sflag:s15] =	ssyncadd.s32 $0xFFFFFFFF  }
0x96: {  	s17 =	sld [smem:$0x12];
	(tm) =	ssettm $0x1  }
0x97: {  	s18 =	sld [smem:$0x3FFB];
	_ =	sdelay $0x3  }
0x98: {  	_ =	strace s18  }
0x99: {  	s4 =	sld [smem:$0x3FFC];
	_ =	sdelay $0x3  }
0x9a: {  	_ =	strace s4  }
0x9b: {  	s4 =	sld [smem:$0x3FFD];
	_ =	sdelay $0x3  }
0x9c: {  	_ =	strace s4  }
0x9d: {  	_ =	strace $0x8FFFFFFF  }
0x9e: {  	s19 =	sld [smem:$0x3FDB];
	_ =	sdelay $0x1  }
0x9f: {  	s5 =	simm.s32 $_scs_section_size  }
0xa0: {  	s6 =	simm.s32 $_size__tile_overlayer_lowered;
	s7 =	simm.s32 $_tile_overlayer_lowered  }
0xa1: {  	s22 =	simm.s32 $0x1BFF;
	s21 =	sshll.u32 s7, $0x1;
	s4 =	sadd.s32 s5, s19  }
0xa2: {  	s8 =	simm.s32 $0x0;
	s20 =	sshll.u32 s6, $0x1;
	s6 =	sadd.s32 s21, s4  }
0xa3: {  	[timem:s8], [sflag:s22] =	dma.local [hbm:s6], s20  }
0xa4: {  	_ =	swait.ge [sflag:s22], s20  }
0xa5: {  	s5 =	ssub.s32 $0x0, s20;
	[sflag:s22] =	ssyncset.done $0x0  }
0xa6: {  	[sflag:s22] =	ssyncadd.s32 s5;
	_ =	sdelay $0x1  }
0xa7: {  	s23 =	simm.s32 $0x1B8B  }
0xa8: {  	_ =	swait.ge [sflag:s23], $0x1  }
0xa9: {  	[sflag:s23] =	ssyncset.done $0x0  }
0xaa: {  	s25 =	simm.s32 $0x1B8E;
	s24 =	sld [smem:$0x3FFE];
	[sflag:s23] =	ssyncadd.s32 $0xFFFFFFFF  }
0xab: {  	s26 =	simm.s32 $execute0_lowered;
	[smem:$0x3FD2] =	sst s25  }
0xac: {  	s6 =	sshll.u32 s26, $0x1;
	_ =	strace $0x80000049;
	[dreg:$0x1] =	wrdreg $0xFFFFFFFF  }
0xad: {  	s28 =	simm.s32 $_size_execute0_lowered;
	s4 =	sadd.s32 s4, s6;
	[dreg:$0x0] =	wrdreg $0x0  }
0xae: {  	s6 =	sshll.u32 s28, $0x1;
	[dreg:$0x2] =	wrdreg s4  }
0xaf: {  	[dreg:$0x3] =	wrdreg s6  }
0xb0: {  	[dreg:$0x4] =	wrdreg $0xC0  }
0xb1: {  	_ =	task [dreg:s8], $0x5FFFF  }
0xb2: {  	[dreg:$0x1] =	wrdreg $0xFFFFFFFF  }
0xb3: {  	[dreg:$0x0] =	wrdreg $0x60  }
0xb4: {  	[dreg:$0x2] =	wrdreg s24  }
0xb5: {  	[dreg:$0x3] =	wrdreg s17  }
0xb6: {  	[dreg:$0x4] =	wrdreg s16  }
0xb7: {  	[dreg:$0x5] =	wrdreg $0x0  }
0xb8: {  	[dreg:$0x6] =	wrdreg $0x50000  }
0xb9: {  	[dreg:$0x7] =	wrdreg $0x9  }
0xba: {  	_ =	task.clear_ibuf [dreg:s8], $0x8FFFF;
	_ =	strace $0x90000049  }
0xbb: {  	s29 =	simm.s32 $0x9;
	_ =	strace $0x8000004B  }
0xbc: {  	_ =	swait.ge [sflag:s29], $0x1  }
0xbd: {  	[sflag:s29] =	ssyncadd.s32 $0xFFFFFFFF  }
0xbe: {  	_ =	strace $0x9000004B  }
0xbf: {  	_ =	sfence  }
0xc0: {  	s30 =	sld [smem:$0x0];
	_ =	sdelay $0x2  }
0xc1: {  	s31 =	sshll.u32 s1, $0xD;
	s1 =	sshrl.u32 s1, $0x2  }
0xc2: {  	s3 =	sand.u32 $0x4000, s31;
	s1 =	sadd.s32 s1, s30  }
0xc3: {  	s0 =	sor.u32 s3, s0;
	s1 =	sshll.u32 s1, $0x11  }
0xc4: {  	s0 =	sor.u32 s1, s0  }
0xc5: {  	s0 =	sadd.s32 $0x8F2B, s0  }
0xc6: {  	[sflag:s0] =	ssyncadd.remote.s32 $0x1  }
0xc7: {  	_ =	sfence.sel $0xFFFF  }
0xc8: {  	[dreg:$0x0] =	wrdreg $0xFFFFFFFF;
	(pc) =	sbr.abs _section_cstart, $3  }
0xc9: {  	[dreg:$0x1] =	wrdreg $0xFFFFFFFF  }
0xca: {  	_ =	task.clear_ibuf [dreg:s8], $0x2FFFF;
	_ =	strace $0x9FFFFFFF  }
0xcb: {  	(tm) =	ssettm $0x7FFFFFFF  }
tec
execute0_lowered:
.L_overlay_start_1:
0x0: {  	(tag) =	ssettag $0x1  }
0x1: {  	s0 =	rddreg [dreg:$0x0]  }
0x2: {  	s1 =	rddreg [dreg:$0x1]  }
0x3: {  	s2 =	rddreg [dreg:$0x2]  }
0x4: {  	s4 =	rddreg [dreg:$0x3]  }
0x5: {  	s5 =	rddreg [dreg:$0x4];
	s3 =	srdreg.scid  }
0x6: {  	s17 =	stileid.u32;
	s6 =	simm.s32 $0x0;
	s18 =	simm.s32 $0x3  }
0x7: {  	s20 =	simm.s32 $0x7800;
	s21 =	simm.s32 $0x7900;
	s22 =	simm.s32 $0x100  }
0x8: {  	s23 =	simm.s32 $0xAA00;
	s28 =	simm.s32 $0x2;
	s29 =	simm.s32 $0x9A00  }
0x9: {  	s3 =	sand.u32 $0x1, s3;
	s10 =	smul.u32 $0x5000, s17;
	[smem:$0x7FF] =	sst s6  }
0xa: {  	s7 =	sadd.s32 $0x46600, s0;
	s13 =	smul.u32 $0x2800, s17;
	s8 =	sadd.s32 $0x11400, s0  }
0xb: {  	s9 =	sadd.s32 $0x7000, s0;
	s14 =	sadd.s32 $0x50600, s0;
	s24 =	sadd.s32 $0x43800, s0  }
0xc: {  	s26 =	sshll.u32 s17, $0x1;
	s30 =	sshll.u32 s17, $0x6;
	s11 =	smul.u32 $0x50000, s3  }
0xd: {  	_ =	strace $0x8000004A;
	s12 =	smul.u32 $0x28000, s3;
	[dreg:$0x6] =	wrdreg s14  }
0xe: {  	[dreg:$0x7] =	wrdreg s24;
	s25 =	ssub.s32 $0x2, s3;
	s3 =	sor.u32 s3, s26  }
0xf: {  	s24 =	simm.s32 $0x7A00;
	s26 =	simm.s32 $0x1;
	s15 =	sshrl.u32 s25, $0x1  }
0x10: {  	s19 =	sadd.s32 s13, s5;
	s11 =	sadd.s32 s10, s11;
	s12 =	sadd.s32 s13, s12  }
0x11: {  	s16 =	ssub.s32 s25, s15;
	s10 =	sadd.s32 s10, s4;
	s13 =	smul.u32 $0x2900, s3  }
0x12: {  	s19 =	sshrl.u32 s19, $0x3;
	s25 =	simm.s32 $0x8A00;
	s11 =	sshrl.u32 s11, $0x3  }
0x13: {  	s12 =	sshrl.u32 s12, $0x3;
	s16 =	smax.u32 s16, $0x1;
	s11 =	sadd.s32 s11, s0  }
0x14: {  	s17 =	sshrl.u32 s10, $0x3;
	s0 =	sadd.s32 s12, s0;
	s31 =	sadd.s32 $0x51000, s11  }
0x15: {  	s12 =	sor.u32 $0x1C03, s30;
	s15 =	sadd.s32 $0x65000, s0;
	[dreg:$0x8] =	wrdreg s31  }
.LBB2_1:
0x16: {  	s0 =	rddreg [dreg:$0x6]  }
0x17: {  	[spmem:s17], [sflag:s12] =	dma.local [hbm:s0], $0xA00  }
0x18: {  	_ =	swait.ge [sflag:s18], $0xA00  }
0x19: {  	[sflag:s18] =	ssyncset.done $0x0  }
0x1a: {  	s31 =	rddreg [dreg:$0x7];
	[sflag:s18] =	ssyncadd.s32 $0xFFFFF600  }
0x1b: {  	[spmem:s19], [sflag:s12] =	dma.local [hbm:s31], $0x500  }
0x1c: {  	_ =	swait.ge [sflag:s18], $0x500  }
0x1d: {  	[sflag:s18] =	ssyncset.done $0x0  }
0x1e: {  	[sflag:s18] =	ssyncadd.s32 $0xFFFFFB00  }
0x1f: {  	s30 =	simm.s32 $0x0;
	[bflag:$0x0] =	sbarrier.arrive $0xFFFF  }
.LBB2_2:
0x20: {  	s0 =	sshll.u32 s30, $0x8  }
0x21: {  	s0 =	sadd.s32 s13, s0  }
0x22: {  	s0 =	sshrl.u32 s0, $0x3  }
0x23: {  	s10 =	simm.s32 $0x0;
	s3 =	sadd.s32 s8, s0  }
0x24: {  	[tilespmem:s20], [sflag:$0x3] =	stream.linear.gather [hbm4b:s3+s10], $0x100, $0x38;
	[tilespmem:$0xCA00] =	vst v63  }
0x25: {  	_ =	swait.ge [sflag:s18], $0x100  }
0x26: {  	[sflag:s18] =	ssyncset.done $0x0  }
0x27: {  	s0 =	sadd.s32 s9, s0;
	[sflag:s18] =	ssyncadd.s32 $0xFFFFFF00  }
0x28: {  	[tilespmem:s21], [sflag:$0x3] =	stream.linear.gather [hbm4b:s0+s10], $0x100, $0x38;
	[tilespmem:$0xCA00] =	vst v63  }
0x29: {  	_ =	swait.ge [sflag:s18], $0x100  }
0x2a: {  	[sflag:s18] =	ssyncset.done $0x0  }
0x2b: {  	[sflag:s18] =	ssyncadd.s32 $0xFFFFFF00  }
0x2c: {  	[tilespmem:s23], [sflag:$0x2] =	stream.indirect.gather [hbm4b:s7+s22], $0x20, s20, s22, $0xb8;
	[tilespmem:$0xCA00] =	vst v63  }
0x2d: {  	_ = 	snop  }
0x2e: {  	[tilespmem:s24], [sflag:$0x1] =	stream.indirect.gather [hbm4b:s1+s22], $0x10, s20, s22, $0xb8;
	[tilespmem:$0xCA00] =	vst v63  }
0x2f: {  	_ = 	snop  }
0x30: {  	[tilespmem:s25], [sflag:$0x1] =	stream.indirect.gather [hbm4b:s2+s22], $0x10, s21, s22, $0xb8;
	[tilespmem:$0xCA00] =	vst v63  }
0x31: {  	_ =	swait.ge [sflag:s26], $0x1000  }
0x32: {  	[sflag:s26] =	ssyncset.done $0x0  }
0x33: {  	[sflag:s26] =	ssyncadd.s32 $0xFFFFF000  }
0x34: {  	_ =	swait.ge [sflag:s26], $0x1000  }
0x35: {  	[sflag:s26] =	ssyncset.done $0x0  }
0x36: {  	s31 =	simm.s32 $0x0;
	[sflag:s26] =	ssyncadd.s32 $0xFFFFF000  }
0x37: {  	v0 =	vld [tilespmem:s31+$0x7A00]  }
0x38: {  	v1 =	vld [tilespmem:s31+$0x8A00];
	_ =	sdelay $0x4  }
0x39: {  	v0 =	vadd.f32 v1, v0;
	_ =	sdelay $0x1  }
0x3a: {  	s0 =	simm.s32 $0x10;
	v1 =	vmul.f32 $2.000000030e-01, v0  }
0x3b: {  	v2 =	vld [tilespmem:s0+$0x7A00];
	vm0 =	vgt.f32 v0, $0.0e+00  }
0x3c: {  	v3 =	vld [tilespmem:s0+$0x8A00];
	v0 =	vsel vm0, v0, v1  }
0x3d: {  	s3 =	simm.s32 $0x20;
	v0 =	vmul.f32 $1.442695020e+00, v0  }
0x3e: {  	v1 =	vld [tilespmem:s3+$0x7A00]  }
0x3f: {  	(erf) = vpow2.f32 v0;
	v0 =	vld [tilespmem:s3+$0x8A00];
	_ =	sdelay $0x1  }
0x40: {  	v2 =	vadd.f32 v3, v2;
	_ =	sdelay $0x1  }
0x41: {  	v3 =	vmul.f32 $2.000000030e-01, v2  }
0x42: {  	vm14 =	vgt.f32 v2, $0.0e+00;
	v4 =	vadd.f32 v0, v1  }
0x43: {  	v0 =	vsel vm14, v2, v3  }
0x44: {  	s10 =	simm.s32 $0x30;
	v1 =	vmul.f32 $1.442695020e+00, v0;
	v2 =	vmul.f32 $2.000000030e-01, v4  }
0x45: {  	v0 =	vld [tilespmem:s10+$0x7A00]  }
0x46: {  	(erf) = vpow2.f32 v1;
	v1 =	vld [tilespmem:s10+$0x8A00]  }
0x47: {  	vm15 =	vgt.f32 v4, $0.0e+00  }
0x48: {  	s11 =	simm.s32 $0x100;
	v3 =	vsel vm15, v4, v2;
	v2 =	vpop (erf)  }
.LBB2_3:
0x49: {  	s14 =	sshra.s32 s11, $0x2  }
0x4a: {  	v3 =	vmul.f32 $1.442695020e+00, v3;
	[tilespmem:s31+$0x9A00] =	vst v2;
	s31 =	smov.u32 s0;
	s0 =	smov.u32 s3;
	p0 =	sne.s32 s11, $0x3FC0  }
.Ltmp0:
0x4b: {  	s11 =	sadd.s32 $0x40, s11;
	v2 =	vadd.f32 v1, v0;
	v0 =	vld [tilespmem:s14+$0x7A00];
	(pc) =	sbr.rel @p0 .LBB2_3-.Ltmp0, $4  }
0x4c: {  	s3 =	smov.u32 s10;
	s10 =	smov.u32 s14;
	v1 =	vld [tilespmem:s14+$0x8A00];
	(erf) = vpow2.f32 v3  }
0x4d: {  	v3 =	vmul.f32 $2.000000030e-01, v2  }
0x4e: {  	vm0 =	vgt.f32 v2, $0.0e+00  }
0x4f: {  	v3 =	vsel vm0, v2, v3;
	v2 =	vpop (erf)  }
0x50: {  	_ = 	snop  }
0x51: {  	v0 =	vadd.f32 v1, v0;
	_ =	sdelay $0x1  }
0x52: {  	v1 =	vmul.f32 $2.000000030e-01, v0  }
0x53: {  	vm0 =	vgt.f32 v0, $0.0e+00  }
0x54: {  	v0 =	vsel vm0, v0, v1;
	v1 =	vmul.f32 $1.442695020e+00, v3  }
0x55: {  	v0 =	vmul.f32 $1.442695020e+00, v0  }
0x56: {  	(erf) = vpow2.f32 v1  }
0x57: {  	(erf) = vpow2.f32 v0;
	_ =	sdelay $0x6  }
0x58: {  	[tilespmem:s31+$0x9A00] =	vst v2;
	v0 =	vpop (erf)  }
0x59: {  	[tilespmem:s0+$0x9A00] =	vst v0;
	v0 =	vpop (erf)  }
0x5a: {  	[tilespmem:s3+$0x9A00] =	vst v0;
	v0 =	vpop (erf)  }
0x5b: {  	[tilespmem:s10+$0x9A00] =	vst v0  }
0x5c: {  	_ =	swait.ge [sflag:s28], $0x2000  }
0x5d: {  	[sflag:s28] =	ssyncset.done $0x0  }
0x5e: {  	s0 =	simm.s32 $0xAA10;
	[sflag:s28] =	ssyncadd.s32 $0xFFFFE000  }
0x5f: {  	s11 =	simm.s32 $0x0;
	s3 =	simm.s32 $0xAA10;
	s10 =	simm.s32 $0x40;
	v0 =	vld [tilespmem:s0+$0xFFFFFFF0]  }
.LBB2_5:
0x60: {  	p0 =	sne.s32 s10, $0x3FC0;
	v1 =	vld.msk [tilespmem:s11+$0x9A00 ss:$0x0], $0xffff  }
0x61: {  	v2 =	vld [tilespmem:s0+$0x0];
	_ =	sdelay $0x3  }
.Ltmp1:
0x62: {  	(pc) =	sbr.rel @p0 .LBB2_5-.Ltmp1, $3  }
0x63: {  	v0 =	vmul.f32 v1, v0;
	v1 =	vmul.f32 v2, v1;
	_ =	sdelay $0x1  }
0x64: {  	s0 =	sadd.s32 $0x20, s0;
	[tilespmem:s3+$0xFFFFFFF0] =	vst v0  }
0x65: {  	s11 =	sshra.s32 s10, $0x2;
	s10 =	sadd.s32 $0x40, s10;
	v0 =	vld [tilespmem:s0+$0xFFFFFFF0];
	[tilespmem:s3+$0x0] =	vst v1;
	s3 =	smov.u32 s0  }
0x66: {  	v1 =	vld.msk [tilespmem:s11+$0x9A00 ss:$0x0], $0xffff  }
0x67: {  	v2 =	vld [tilespmem:s0+$0x0];
	_ =	sdelay $0x3  }
0x68: {  	v0 =	vmul.f32 v1, v0  }
0x69: {  	v1 =	vmul.f32 v2, v1  }
0x6a: {  	[tilespmem:s3+$0xFFFFFFF0] =	vst v0  }
0x6b: {  	[tilespmem:s3+$0x0] =	vst v1  }
0x6c: {  	[spmem:s5] =	stream.indirect.scatter.add.f32 [tilespmem:s29], [sflag:$0x3], $0x10, s21, s22, $0xb8;
	[tilespmem:$0xCA00] =	vst v63  }
0x6d: {  	s30 =	sadd.s32 $0x1, s30;
	_ =	swait.ge [sflag:s18], $0x1000  }
0x6e: {  	p0 =	sne.s32 s30, $0x29;
	[sflag:s18] =	ssyncset.done $0x0  }
.Ltmp2:
0x6f: {  	[sflag:s18] =	ssyncadd.s32 $0xFFFFF000;
	(pc) =	sbr.rel @p0 .LBB2_2-.Ltmp2, $4  }
0x70: {  	[spmem:s4] =	stream.indirect.scatter.add.f32 [tilespmem:s23], [sflag:$0x3], $0x20, s21, s22, $0xb8;
	[tilespmem:$0xCA00] =	vst v63  }
0x71: {  	_ =	swait.ge [sflag:s18], $0x2000  }
0x72: {  	[sflag:s18] =	ssyncset.done $0x0  }
0x73: {  	[sflag:s18] =	ssyncadd.s32 $0xFFFFE000  }
0x74: {  	[bflag:$0x0] =	sbarrier.arrive $0xFFFF  }
0x75: {  	s0 =	rddreg [dreg:$0x8]  }
0x76: {  	[hbm:s0], [sflag:s12] =	dma.local [spmem:s17], $0xA00  }
0x77: {  	s6 =	sadd.s32 $0x1, s6;
	_ =	swait.ge [sflag:s18], $0xA00  }
0x78: {  	p0 =	sne.s32 s6, s16;
	[sflag:s18] =	ssyncset.done $0x0  }
.Ltmp3:
0x79: {  	[sflag:s18] =	ssyncadd.s32 $0xFFFFF600;
	(pc) =	sbr.rel @p0 .LBB2_1-.Ltmp3, $4  }
0x7a: {  	[hbm:s15], [sflag:s12] =	dma.local [spmem:s19], $0x500  }
0x7b: {  	_ =	swait.ge [sflag:s18], $0x500  }
0x7c: {  	[sflag:s18] =	ssyncset.done $0x0  }
0x7d: {  	[sflag:s18] =	ssyncadd.s32 $0xFFFFFB00  }
0x7e: {  	_ =	sfence.sel $0x180000  }
0x7f: {  	[bflag:$0x0] =	sbarrier.arrive $0xFFFF  }
0x80: {  	_ =	strace $0x9000004A  }
0x81: {  	s0 =	stileid.u32;
	[bflag:$0x2] =	sbarrier.arrive $0xFFFF  }
0x82: {  	p0 =	sne.s32 s0, $0x0;
	s0 =	rddreg [dreg:$0x5]  }
0x83: {  	s0 =	sadd.s32 @!p0 $0x100000, s0  }
0x84: {  	[sflag:s0] =	ssyncadd.tile.s32 @!p0 $0x1;
	_ =	shalt  }
.Lfunc_end2:
_tile_overlayer_lowered:
.L_overlay_start_2:
0x85: {  	(tag) =	ssettag $0x2  }
0x86: {  	s0 =	rddreg [dreg:$0x0];
	s2 =	stileid.u32  }
0x87: {  	s1 =	rddreg [dreg:$0x1];
	p0 =	sne.s32 s2, $0x0  }
0x88: {  	s3 =	rddreg [dreg:$0x2];
	[bflag:$0x3] =	sbarrier.arrive $0xFFFF;
	s2 =	simm.s32 @!p0 $0x1C03  }
0x89: {  	[timem:s3], [sflag:s2] =	dma.local @!p0 [hbm:s0], s1  }
0x8a: {  	s0 =	simm.s32 @!p0 $0x3  }
0x8b: {  	_ =	swait.ge @!p0 [sflag:s0], s1  }
0x8c: {  	s1 =	ssub.s32 @!p0 $0x0, s1;
	[sflag:s0] =	ssyncset.done @!p0 $0x0  }
0x8d: {  	[sflag:s0] =	ssyncadd.s32 @!p0 s1  }
0x8e: {  	[bflag:$0x3] =	sbarrier.arrive $0xFFFF  }
0x8f: {  	_ =	shalt  }

// kernel: kernel.18.cloned.1.call-start
scs
__scs_entry_jumppad:
0x0: {  	(pc) =	sbr.rel $0x88, $3  }
0x1: {  	(tag) =	ssettag $0x0;
	lr =	simm.s32 $0x1  }
0x2: {  	[smem:$0x3F8A] =	sst lr;
	_ =	strace $0xD0000000  }
0x3: {  	_ = 	snop  }
0x4: {  	_ = 	snop  }
0x5: {  	_ = 	snop  }
0x6: {  	_ = 	snop  }
0x7: {  	_ = 	snop  }
__scs_overlays_trampoline_lowered:
0x8: {  	[smem:$0x3F99] =	sst s0  }
0x9: {  	[smem:$0x3F9A] =	sst s1  }
0xa: {  	[smem:$0x3F9B] =	sst s2  }
0xb: {  	[smem:$0x3F9C] =	sst s3  }
0xc: {  	[smem:$0x3F9D] =	sst s4  }
0xd: {  	[smem:$0x3F9E] =	sst s5  }
0xe: {  	[smem:$0x3F9F] =	sst s6  }
0xf: {  	[smem:$0x3FA0] =	sst s7  }
0x10: {  	[smem:$0x3FA1] =	sst s8  }
0x11: {  	[smem:$0x3FA2] =	sst s9;
	s0 =	simm.s32 @!p0 $0x0  }
0x12: {  	s1 =	sld [smem:$0x3F88];
	s0 =	simm.s32 @p0 $0x1  }
0x13: {  	[smem:$0x3FA3] =	sst s0;
	s0 =	simm.s32 @!p1 $0x0  }
0x14: {  	s2 =	sld [smem:$0x3F87];
	s0 =	simm.s32 @p1 $0x1  }
0x15: {  	[smem:$0x3FA4] =	sst s0;
	s0 =	simm.s32 @!p2 $0x0  }
0x16: {  	s3 =	sld [smem:$0x3FDB];
	s0 =	simm.s32 @p2 $0x1  }
0x17: {  	s4 =	simm.s32 $0x1BF5;
	[smem:$0x3FA6] =	sst s0  }
0x18: {  	s0 =	sld [smem:$0x3F89];
	_ =	swait.ge [sflag:s4], $0x0  }
0x19: {  	s7 =	sld [smem:$0x3F8A]  }
0x1a: {  	s8 =	sadd.s32 $0xFFFFE003, lr  }
0x1b: {  	s9 =	sadd.s32 $0xFFFFFEF7, lr;
	s5 =	simm.s32 $0xFFFFFFFF;
	p2 =	slt.u32 s8, $0xFFFFF086  }
0x1c: {  	p1 =	slt.u32 s9, $0xF7A;
	s5 =	simm.s32 @!p2 $0x0  }
0x1d: {  	s5 =	simm.s32 @p1 $0x1;
	p0 =	seq.s32 s7, s2  }
0x1e: {  	s7 =	smul.u32 @!p0 $0xF7A, s2;
	p2 =	seq.s32 @!p0 s5, $0x0  }
0x1f: {  	s9 =	smul.u32 $0xF7A, s1;
	s8 =	simm.s32 @!p0 $0x1BF5;
	p2 =	por !p2, p0  }
0x20: {  	[sflag:s8] =	ssyncset.s32 @!p0 $0xFFFFF086;
	s6 =	sadd.s32 @!p0 s3, s7;
	s7 =	simm.s32 @!p0 $0x108  }
0x21: {  	s3 =	sadd.s32 s3, s9;
	s6 =	sadd.s32 @!p0 $0x88, s6;
	s7 =	simm.s32 @p2 $0x1082  }
0x22: {  	[simem:s7], [sflag:s8] =	dma.local @!p0 [hbm:s6], $0xF7A  }
0x23: {  	s9 =	sor.u32 $0xD0000000, s2;
	s6 =	simm.s32 $0x108;
	_ =	swait.ge @!p0 [sflag:s8], $0x0  }
0x24: {  	s3 =	sadd.s32 $0x88, s3;
	s6 =	simm.s32 @!p1 $0x1082;
	[sflag:s4] =	ssyncset.s32 $0xFFFFF086  }
0x25: {  	[simem:s6], [sflag:s4] =	dma.local [hbm:s3], $0xF7A  }
0x26: {  	[smem:$0x3F8A] =	sst s1;
	(tag) =	ssettag s2;
	_ =	strace s9  }
0x27: {  	s1 =	sld [smem:$0x3F9A]  }
0x28: {  	s2 =	sld [smem:$0x3F9B]  }
0x29: {  	s4 =	sld [smem:$0x3F9D]  }
0x2a: {  	p0 =	seq.s32 s5, $0x0;
	s5 =	sld [smem:$0x3F9E]  }
0x2b: {  	s6 =	sld [smem:$0x3F9F]  }
0x2c: {  	s7 =	sld [smem:$0x3FA0]  }
0x2d: {  	s3 =	simm.s32 $0x108;
	s8 =	sld [smem:$0x3FA1]  }
0x2e: {  	s3 =	simm.s32 @!p0 $0x1082;
	s9 =	sld [smem:$0x3FA2]  }
0x2f: {  	lr =	sadd.s32 s0, s3;
	s0 =	sld [smem:$0x3F99]  }
0x30: {  	s3 =	sld [smem:$0x3F9C]  }
0x31: {  	[smem:$0x3FA5] =	sst s10  }
0x32: {  	s10 =	sld [smem:$0x3FA3];
	_ =	sdelay $0x3  }
0x33: {  	p0 =	seq.s32 s10, $0x1;
	s10 =	sld [smem:$0x3FA5];
	_ =	sdelay $0x3  }
0x34: {  	[smem:$0x3FA5] =	sst s10  }
0x35: {  	s10 =	sld [smem:$0x3FA4];
	_ =	sdelay $0x3  }
0x36: {  	p1 =	seq.s32 s10, $0x1;
	s10 =	sld [smem:$0x3FA5];
	_ =	sdelay $0x3  }
0x37: {  	[smem:$0x3FA5] =	sst s10  }
0x38: {  	s10 =	sld [smem:$0x3FA6]  }
0x39: {  	_ = 	snop;
	(pc) =	sbr.ind lr, $3  }
0x3a: {  	_ = 	snop  }
0x3b: {  	_ = 	snop  }
0x3c: {  	p2 =	seq.s32 s10, $0x1;
	s10 =	sld [smem:$0x3FA5]  }
0x3d: {  	_ =	shalt  }
0x3e: {  	_ =	shalt  }
0x3f: {  	_ =	shalt  }
0x40: {  	_ =	shalt  }
0x41: {  	_ =	shalt  }
0x42: {  	_ =	shalt  }
0x43: {  	_ =	shalt  }
0x44: {  	_ =	shalt  }
0x45: {  	_ =	shalt  }
0x46: {  	_ =	shalt  }
0x47: {  	_ =	shalt  }
0x48: {  	_ =	shalt  }
0x49: {  	_ =	shalt  }
0x4a: {  	_ =	shalt  }
0x4b: {  	_ =	shalt  }
0x4c: {  	_ =	shalt  }
0x4d: {  	_ =	shalt  }
0x4e: {  	_ =	shalt  }
0x4f: {  	_ =	shalt  }
0x50: {  	_ =	shalt  }
0x51: {  	_ =	shalt  }
0x52: {  	_ =	shalt  }
0x53: {  	_ =	shalt  }
0x54: {  	_ =	shalt  }
0x55: {  	_ =	shalt  }
0x56: {  	_ =	shalt  }
0x57: {  	_ =	shalt  }
0x58: {  	_ =	shalt  }
0x59: {  	_ =	shalt  }
0x5a: {  	_ =	shalt  }
0x5b: {  	_ =	shalt  }
0x5c: {  	_ =	shalt  }
0x5d: {  	_ =	shalt  }
0x5e: {  	_ =	shalt  }
0x5f: {  	_ =	shalt  }
0x60: {  	_ =	shalt  }
0x61: {  	_ =	shalt  }
0x62: {  	_ =	shalt  }
0x63: {  	_ =	shalt  }
0x64: {  	_ =	shalt  }
0x65: {  	_ =	shalt  }
0x66: {  	_ =	shalt  }
0x67: {  	_ =	shalt  }
0x68: {  	_ =	shalt  }
0x69: {  	_ =	shalt  }
0x6a: {  	_ =	shalt  }
0x6b: {  	_ =	shalt  }
0x6c: {  	_ =	shalt  }
0x6d: {  	_ =	shalt  }
0x6e: {  	_ =	shalt  }
0x6f: {  	_ =	shalt  }
0x70: {  	_ =	shalt  }
0x71: {  	_ =	shalt  }
0x72: {  	_ =	shalt  }
0x73: {  	_ =	shalt  }
0x74: {  	_ =	shalt  }
0x75: {  	_ =	shalt  }
0x76: {  	_ =	shalt  }
0x77: {  	_ =	shalt  }
0x78: {  	_ =	shalt  }
0x79: {  	_ =	shalt  }
0x7a: {  	_ =	shalt  }
0x7b: {  	_ =	shalt  }
0x7c: {  	_ =	shalt  }
0x7d: {  	_ =	shalt  }
0x7e: {  	_ =	shalt  }
0x7f: {  	_ =	shalt  }
0x80: {  	_ =	shalt  }
0x81: {  	_ =	shalt  }
0x82: {  	_ =	shalt  }
0x83: {  	_ =	shalt  }
0x84: {  	_ =	shalt  }
0x85: {  	_ =	shalt  }
0x86: {  	_ =	shalt  }
0x87: {  	_ =	shalt  }
.Lfunc_end0:
.L_simem_size_0:
called_computation.2_lowered:
.L_overlay_start_0:
0x88: {  	s2 =	sld [smem:$0x3FD9]  }
0x89: {  	s3 =	sld [smem:$0x3FFE];
	_ =	sdelay $0x1  }
0x8a: {  	s1 =	srdreg.scid  }
0x8b: {  	s0 =	sand.u32 $0x1, s1  }
0x8c: {  	s15 =	sshll.u32 s0, $0xA;
	s2 =	sadd.s32 s3, s2  }
0x8d: {  	s2 =	sadd.s32 s2, s15  }
0x8e: {  	[smem:$0x3FB1] =	sst s2  }
0x8f: {  	_ = 	snop  }
0x90: {  	s2 =	sld [smem:$0x3FD0];
	_ =	sdelay $0x2  }
0x91: {  	s16 =	simm.s32 $0xB;
	s4 =	simm.s32 $0x10  }
0x92: {  	[smem:s4], [sflag:s16] =	dma.local [hbm:s2], $0x1  }
0x93: {  	_ =	swait.eq [sflag:s16], $0x1  }
0x94: {  	[sflag:s16] =	ssyncset.done $0x0  }
0x95: {  	[sflag:s16] =	ssyncadd.s32 $0xFFFFFFFF  }
0x96: {  	s17 =	sld [smem:$0x10];
	(tm) =	ssettm $0x1  }
0x97: {  	s18 =	sld [smem:$0x3FFB];
	_ =	sdelay $0x3  }
0x98: {  	_ =	strace s18  }
0x99: {  	s2 =	sld [smem:$0x3FFC];
	_ =	sdelay $0x3  }
0x9a: {  	_ =	strace s2  }
0x9b: {  	s2 =	sld [smem:$0x3FFD];
	_ =	sdelay $0x3  }
0x9c: {  	_ =	strace s2  }
0x9d: {  	_ =	strace $0x8FFFFFFF  }
0x9e: {  	s19 =	sld [smem:$0x3FDB];
	_ =	sdelay $0x1  }
0x9f: {  	s20 =	simm.s32 $_scs_section_size  }
0xa0: {  	s5 =	simm.s32 $_size__tile_overlayer_lowered;
	s6 =	simm.s32 $_tile_overlayer_lowered  }
0xa1: {  	s7 =	simm.s32 $0x1BFF;
	s21 =	sshll.u32 s6, $0x1;
	s4 =	sadd.s32 s20, s19  }
0xa2: {  	s22 =	simm.s32 $0x0;
	s5 =	sshll.u32 s5, $0x1;
	s6 =	sadd.s32 s21, s4  }
0xa3: {  	[timem:s22], [sflag:s7] =	dma.local [hbm:s6], s5  }
0xa4: {  	_ =	swait.ge [sflag:s7], s5  }
0xa5: {  	s5 =	ssub.s32 $0x0, s5;
	[sflag:s7] =	ssyncset.done $0x0  }
0xa6: {  	[sflag:s7] =	ssyncadd.s32 s5;
	_ =	sdelay $0x1  }
0xa7: {  	s23 =	simm.s32 $0x1B8B  }
0xa8: {  	_ =	swait.ge [sflag:s23], $0x1  }
0xa9: {  	[sflag:s23] =	ssyncset.done $0x0  }
0xaa: {  	[sflag:s23] =	ssyncadd.s32 $0xFFFFFFFF  }
0xab: {  	s5 =	sld [smem:$0x0]  }
0xac: {  	s6 =	sand.u32 $0xFFFFFFFE, s1  }
0xad: {  	p0 =	sne.s32 s1, s6  }
0xae: {  	s6 =	sshll.u32 @p0 s6, $0xE  }
0xaf: {  	s6 =	sadd.s32 @p0 $0x11B8D, s6;
	s7 =	sshll.u32 @p0 s5, $0x11  }
0xb0: {  	s6 =	sor.u32 @p0 s7, s6  }
0xb1: {  	[sflag:s6] =	ssyncadd.remote.s32 @p0 $0x1;
	_ =	sdelay $0x1  }
0xb2: {  	s6 =	simm.s32 @p0 $0x1B8D  }
0xb3: {  	_ =	swait.eq @p0 [sflag:s6], $0x1  }
0xb4: {  	[sflag:s6] =	ssyncadd.s32 @p0 $0xFFFFFFFF  }
0xb5: {  	s7 =	sshll.u32 @!p0 s1, $0xE  }
0xb6: {  	s7 =	sor.u32 @!p0 $0x4000, s7;
	s6 =	simm.s32 @!p0 $0x1B8D  }
0xb7: {  	s5 =	sshll.u32 @!p0 s5, $0x11;
	s7 =	sadd.s32 @!p0 $0x11B8D, s7;
	_ =	swait.eq @!p0 [sflag:s6], $0x1  }
0xb8: {  	s5 =	sor.u32 @!p0 s5, s7;
	[sflag:s6] =	ssyncadd.s32 @!p0 $0xFFFFFFFF  }
0xb9: {  	s25 =	simm.s32 $0x1B8E;
	s24 =	sld [smem:$0x3FFE];
	[sflag:s5] =	ssyncadd.remote.s32 @!p0 $0x1  }
0xba: {  	s26 =	simm.s32 $execute0_lowered;
	[smem:$0x3FD2] =	sst s25  }
0xbb: {  	s6 =	sshll.u32 s26, $0x1;
	_ =	strace $0x8000004C;
	[dreg:$0x1] =	wrdreg $0xFFFFFFFF  }
0xbc: {  	s28 =	simm.s32 $_size_execute0_lowered;
	s4 =	sadd.s32 s4, s6;
	[dreg:$0x0] =	wrdreg $0x0  }
0xbd: {  	s6 =	sshll.u32 s28, $0x1;
	[dreg:$0x2] =	wrdreg s4  }
0xbe: {  	[dreg:$0x3] =	wrdreg s6  }
0xbf: {  	[dreg:$0x4] =	wrdreg $0xC0  }
0xc0: {  	_ =	task [dreg:s22], $0x5FFFF  }
0xc1: {  	[dreg:$0x1] =	wrdreg $0xFFFFFFFF  }
0xc2: {  	[dreg:$0x0] =	wrdreg $0x60  }
0xc3: {  	[dreg:$0x2] =	wrdreg s24  }
0xc4: {  	[dreg:$0x3] =	wrdreg s17  }
0xc5: {  	[dreg:$0x4] =	wrdreg $0x0  }
0xc6: {  	[dreg:$0x5] =	wrdreg $0x50000  }
0xc7: {  	[dreg:$0x6] =	wrdreg $0xA  }
0xc8: {  	_ =	task.clear_ibuf [dreg:s22], $0x7FFFF;
	_ =	strace $0x9000004C  }
0xc9: {  	s29 =	simm.s32 $0xA;
	_ =	strace $0x8000004E  }
0xca: {  	_ =	swait.ge [sflag:s29], $0x1  }
0xcb: {  	[sflag:s29] =	ssyncadd.s32 $0xFFFFFFFF  }
0xcc: {  	_ =	strace $0x9000004E  }
0xcd: {  	_ =	sfence  }
0xce: {  	s30 =	sld [smem:$0x0];
	_ =	sdelay $0x2  }
0xcf: {  	s31 =	sshll.u32 s1, $0xD;
	s1 =	sshrl.u32 s1, $0x2  }
0xd0: {  	s4 =	sand.u32 $0x4000, s31;
	s1 =	sadd.s32 s1, s30  }
0xd1: {  	s0 =	sor.u32 s4, s0;
	s1 =	sshll.u32 s1, $0x11  }
0xd2: {  	s0 =	sor.u32 s1, s0  }
0xd3: {  	s0 =	sadd.s32 $0x8F2B, s0  }
0xd4: {  	[sflag:s0] =	ssyncadd.remote.s32 $0x1  }
0xd5: {  	_ =	sfence.sel $0xFFFF  }
0xd6: {  	[dreg:$0x0] =	wrdreg $0xFFFFFFFF;
	(pc) =	sbr.abs _section_cstart, $3  }
0xd7: {  	[dreg:$0x1] =	wrdreg $0xFFFFFFFF  }
0xd8: {  	_ =	task.clear_ibuf [dreg:s22], $0x2FFFF;
	_ =	strace $0x9FFFFFFF  }
0xd9: {  	(tm) =	ssettm $0x7FFFFFFF  }
tec
execute0_lowered:
.L_overlay_start_1:
0x0: {  	(tag) =	ssettag $0x1  }
0x1: {  	s0 =	rddreg [dreg:$0x0]  }
0x2: {  	s2 =	rddreg [dreg:$0x1]  }
0x3: {  	s1 =	rddreg [dreg:$0x2]  }
0x4: {  	s3 =	rddreg [dreg:$0x3];
	s4 =	simm.s32 $0x0;
	s5 =	srdreg.scid  }
0x5: {  	s18 =	stileid.u32;
	s20 =	simm.s32 $0x7800;
	s21 =	simm.s32 $0x7900  }
0x6: {  	s28 =	simm.s32 $0x2;
	s29 =	simm.s32 $0x9A00;
	[smem:$0x7FF] =	sst s4  }
0x7: {  	s10 =	sand.u32 $0x1, s5;
	s11 =	smul.u32 $0x2800, s18;
	s5 =	sadd.s32 $0x25800, s0  }
0x8: {  	s6 =	sadd.s32 $0x1B800, s0;
	s7 =	sadd.s32 $0x20800, s0;
	s8 =	sadd.s32 $0x11400, s0  }
0x9: {  	s9 =	sadd.s32 $0x7000, s0;
	s13 =	sadd.s32 $0x50600, s0;
	s22 =	sadd.s32 $0x43800, s0  }
0xa: {  	s24 =	smul.u32 $0x5000, s18;
	s15 =	sshll.u32 s18, $0x1;
	s25 =	sshll.u32 s18, $0x6  }
0xb: {  	s18 =	simm.s32 $0x3;
	_ =	strace $0x8000004D;
	[dreg:$0x5] =	wrdreg s13  }
0xc: {  	s12 =	smul.u32 $0x28000, s10;
	[dreg:$0x6] =	wrdreg s22;
	s23 =	ssub.s32 $0x2, s10  }
0xd: {  	s16 =	smul.u32 $0x50000, s10;
	s10 =	sor.u32 s10, s15;
	s22 =	simm.s32 $0x100  }
0xe: {  	s14 =	sshrl.u32 s23, $0x1;
	s26 =	sadd.s32 s24, s1;
	s13 =	smul.u32 $0x2900, s10  }
0xf: {  	s12 =	sadd.s32 s11, s12;
	s17 =	ssub.s32 s23, s14;
	s30 =	sadd.s32 s24, s16  }
0x10: {  	s11 =	sadd.s32 s11, s3;
	s23 =	simm.s32 $0xAA00;
	s24 =	simm.s32 $0x7A00  }
0x11: {  	s12 =	sshrl.u32 s12, $0x3;
	s31 =	sshrl.u32 s30, $0x3;
	s16 =	smax.u32 s17, $0x1  }
0x12: {  	s17 =	sshrl.u32 s26, $0x3;
	s19 =	sshrl.u32 s11, $0x3;
	s26 =	simm.s32 $0x1  }
0x13: {  	s0 =	sadd.s32 s12, s0;
	s12 =	sor.u32 $0x1C03, s25;
	s2 =	sadd.s32 s2, s31  }
0x14: {  	s25 =	simm.s32 $0x8A00;
	[dreg:$0x7] =	wrdreg s2;
	s15 =	sadd.s32 $0x2F800, s0  }
.LBB2_1:
0x15: {  	s0 =	rddreg [dreg:$0x5]  }
0x16: {  	[spmem:s17], [sflag:s12] =	dma.local [hbm:s0], $0xA00  }
0x17: {  	_ =	swait.ge [sflag:s18], $0xA00  }
0x18: {  	[sflag:s18] =	ssyncset.done $0x0  }
0x19: {  	s31 =	rddreg [dreg:$0x6];
	[sflag:s18] =	ssyncadd.s32 $0xFFFFF600  }
0x1a: {  	[spmem:s19], [sflag:s12] =	dma.local [hbm:s31], $0x500  }
0x1b: {  	_ =	swait.ge [sflag:s18], $0x500  }
0x1c: {  	[sflag:s18] =	ssyncset.done $0x0  }
0x1d: {  	[sflag:s18] =	ssyncadd.s32 $0xFFFFFB00  }
0x1e: {  	s30 =	simm.s32 $0x0;
	[bflag:$0x0] =	sbarrier.arrive $0xFFFF  }
.LBB2_2:
0x1f: {  	s0 =	sshll.u32 s30, $0x8  }
0x20: {  	s0 =	sadd.s32 s13, s0  }
0x21: {  	s0 =	sshrl.u32 s0, $0x3  }
0x22: {  	s10 =	simm.s32 $0x0;
	s2 =	sadd.s32 s8, s0  }
0x23: {  	[tilespmem:s20], [sflag:$0x3] =	stream.linear.gather [hbm4b:s2+s10], $0x100, $0x38;
	[tilespmem:$0xCA00] =	vst v63  }
0x24: {  	_ =	swait.ge [sflag:s18], $0x100  }
0x25: {  	[sflag:s18] =	ssyncset.done $0x0  }
0x26: {  	s0 =	sadd.s32 s9, s0;
	[sflag:s18] =	ssyncadd.s32 $0xFFFFFF00  }
0x27: {  	[tilespmem:s21], [sflag:$0x3] =	stream.linear.gather [hbm4b:s0+s10], $0x100, $0x38;
	[tilespmem:$0xCA00] =	vst v63  }
0x28: {  	_ =	swait.ge [sflag:s18], $0x100  }
0x29: {  	[sflag:s18] =	ssyncset.done $0x0  }
0x2a: {  	[sflag:s18] =	ssyncadd.s32 $0xFFFFFF00  }
0x2b: {  	[tilespmem:s23], [sflag:$0x2] =	stream.indirect.gather [hbm4b:s5+s22], $0x20, s20, s22, $0xb8;
	[tilespmem:$0xCA00] =	vst v63  }
0x2c: {  	_ = 	snop  }
0x2d: {  	[tilespmem:s24], [sflag:$0x1] =	stream.indirect.gather [hbm4b:s6+s22], $0x10, s20, s22, $0xb8;
	[tilespmem:$0xCA00] =	vst v63  }
0x2e: {  	_ = 	snop  }
0x2f: {  	[tilespmem:s25], [sflag:$0x1] =	stream.indirect.gather [hbm4b:s7+s22], $0x10, s21, s22, $0xb8;
	[tilespmem:$0xCA00] =	vst v63  }
0x30: {  	_ =	swait.ge [sflag:s26], $0x1000  }
0x31: {  	[sflag:s26] =	ssyncset.done $0x0  }
0x32: {  	[sflag:s26] =	ssyncadd.s32 $0xFFFFF000  }
0x33: {  	_ =	swait.ge [sflag:s26], $0x1000  }
0x34: {  	[sflag:s26] =	ssyncset.done $0x0  }
0x35: {  	s31 =	simm.s32 $0x0;
	[sflag:s26] =	ssyncadd.s32 $0xFFFFF000  }
0x36: {  	v0 =	vld [tilespmem:s31+$0x7A00]  }
0x37: {  	v1 =	vld [tilespmem:s31+$0x8A00];
	_ =	sdelay $0x4  }
0x38: {  	v0 =	vadd.f32 v1, v0;
	_ =	sdelay $0x1  }
0x39: {  	s0 =	simm.s32 $0x10;
	v1 =	vmul.f32 $2.000000030e-01, v0  }
0x3a: {  	v2 =	vld [tilespmem:s0+$0x7A00];
	vm0 =	vgt.f32 v0, $0.0e+00  }
0x3b: {  	v3 =	vld [tilespmem:s0+$0x8A00];
	v0 =	vsel vm0, v0, v1  }
0x3c: {  	s2 =	simm.s32 $0x20;
	v0 =	vmul.f32 $1.442695020e+00, v0  }
0x3d: {  	v1 =	vld [tilespmem:s2+$0x7A00]  }
0x3e: {  	(erf) = vpow2.f32 v0;
	v0 =	vld [tilespmem:s2+$0x8A00];
	_ =	sdelay $0x1  }
0x3f: {  	v2 =	vadd.f32 v3, v2;
	_ =	sdelay $0x1  }
0x40: {  	v3 =	vmul.f32 $2.000000030e-01, v2  }
0x41: {  	vm14 =	vgt.f32 v2, $0.0e+00;
	v4 =	vadd.f32 v0, v1  }
0x42: {  	v0 =	vsel vm14, v2, v3  }
0x43: {  	s10 =	simm.s32 $0x30;
	v1 =	vmul.f32 $1.442695020e+00, v0;
	v2 =	vmul.f32 $2.000000030e-01, v4  }
0x44: {  	v0 =	vld [tilespmem:s10+$0x7A00]  }
0x45: {  	(erf) = vpow2.f32 v1;
	v1 =	vld [tilespmem:s10+$0x8A00]  }
0x46: {  	vm15 =	vgt.f32 v4, $0.0e+00  }
0x47: {  	s11 =	simm.s32 $0x100;
	v3 =	vsel vm15, v4, v2;
	v2 =	vpop (erf)  }
.LBB2_3:
0x48: {  	s14 =	sshra.s32 s11, $0x2  }
0x49: {  	v3 =	vmul.f32 $1.442695020e+00, v3;
	[tilespmem:s31+$0x9A00] =	vst v2;
	s31 =	smov.u32 s0;
	s0 =	smov.u32 s2;
	p0 =	sne.s32 s11, $0x3FC0  }
.Ltmp0:
0x4a: {  	s11 =	sadd.s32 $0x40, s11;
	v2 =	vadd.f32 v1, v0;
	v0 =	vld [tilespmem:s14+$0x7A00];
	(pc) =	sbr.rel @p0 .LBB2_3-.Ltmp0, $4  }
0x4b: {  	s2 =	smov.u32 s10;
	s10 =	smov.u32 s14;
	v1 =	vld [tilespmem:s14+$0x8A00];
	(erf) = vpow2.f32 v3  }
0x4c: {  	v3 =	vmul.f32 $2.000000030e-01, v2  }
0x4d: {  	vm0 =	vgt.f32 v2, $0.0e+00  }
0x4e: {  	v3 =	vsel vm0, v2, v3;
	v2 =	vpop (erf)  }
0x4f: {  	_ = 	snop  }
0x50: {  	v0 =	vadd.f32 v1, v0;
	_ =	sdelay $0x1  }
0x51: {  	v1 =	vmul.f32 $2.000000030e-01, v0  }
0x52: {  	vm0 =	vgt.f32 v0, $0.0e+00  }
0x53: {  	v0 =	vsel vm0, v0, v1;
	v1 =	vmul.f32 $1.442695020e+00, v3  }
0x54: {  	v0 =	vmul.f32 $1.442695020e+00, v0  }
0x55: {  	(erf) = vpow2.f32 v1  }
0x56: {  	(erf) = vpow2.f32 v0;
	_ =	sdelay $0x6  }
0x57: {  	[tilespmem:s31+$0x9A00] =	vst v2;
	v0 =	vpop (erf)  }
0x58: {  	[tilespmem:s0+$0x9A00] =	vst v0;
	v0 =	vpop (erf)  }
0x59: {  	[tilespmem:s2+$0x9A00] =	vst v0;
	v0 =	vpop (erf)  }
0x5a: {  	[tilespmem:s10+$0x9A00] =	vst v0  }
0x5b: {  	_ =	swait.ge [sflag:s28], $0x2000  }
0x5c: {  	[sflag:s28] =	ssyncset.done $0x0  }
0x5d: {  	s0 =	simm.s32 $0xAA10;
	[sflag:s28] =	ssyncadd.s32 $0xFFFFE000  }
0x5e: {  	s11 =	simm.s32 $0x0;
	s2 =	simm.s32 $0xAA10;
	s10 =	simm.s32 $0x40;
	v0 =	vld [tilespmem:s0+$0xFFFFFFF0]  }
.LBB2_5:
0x5f: {  	p0 =	sne.s32 s10, $0x3FC0;
	v1 =	vld.msk [tilespmem:s11+$0x9A00 ss:$0x0], $0xffff  }
0x60: {  	v2 =	vld [tilespmem:s0+$0x0];
	_ =	sdelay $0x3  }
.Ltmp1:
0x61: {  	(pc) =	sbr.rel @p0 .LBB2_5-.Ltmp1, $3  }
0x62: {  	v0 =	vmul.f32 v1, v0;
	v1 =	vmul.f32 v2, v1;
	_ =	sdelay $0x1  }
0x63: {  	s0 =	sadd.s32 $0x20, s0;
	[tilespmem:s2+$0xFFFFFFF0] =	vst v0  }
0x64: {  	s11 =	sshra.s32 s10, $0x2;
	s10 =	sadd.s32 $0x40, s10;
	v0 =	vld [tilespmem:s0+$0xFFFFFFF0];
	[tilespmem:s2+$0x0] =	vst v1;
	s2 =	smov.u32 s0  }
0x65: {  	v1 =	vld.msk [tilespmem:s11+$0x9A00 ss:$0x0], $0xffff  }
0x66: {  	v2 =	vld [tilespmem:s0+$0x0];
	_ =	sdelay $0x3  }
0x67: {  	v0 =	vmul.f32 v1, v0  }
0x68: {  	v1 =	vmul.f32 v2, v1  }
0x69: {  	[tilespmem:s2+$0xFFFFFFF0] =	vst v0  }
0x6a: {  	[tilespmem:s2+$0x0] =	vst v1  }
0x6b: {  	[spmem:s3] =	stream.indirect.scatter.add.f32 [tilespmem:s29], [sflag:$0x3], $0x10, s21, s22, $0xb8;
	[tilespmem:$0xCA00] =	vst v63  }
0x6c: {  	s30 =	sadd.s32 $0x1, s30;
	_ =	swait.ge [sflag:s18], $0x1000  }
0x6d: {  	p0 =	sne.s32 s30, $0x29;
	[sflag:s18] =	ssyncset.done $0x0  }
.Ltmp2:
0x6e: {  	[sflag:s18] =	ssyncadd.s32 $0xFFFFF000;
	(pc) =	sbr.rel @p0 .LBB2_2-.Ltmp2, $4  }
0x6f: {  	[spmem:s1] =	stream.indirect.scatter.add.f32 [tilespmem:s23], [sflag:$0x3], $0x20, s21, s22, $0xb8;
	[tilespmem:$0xCA00] =	vst v63  }
0x70: {  	_ =	swait.ge [sflag:s18], $0x2000  }
0x71: {  	[sflag:s18] =	ssyncset.done $0x0  }
0x72: {  	[sflag:s18] =	ssyncadd.s32 $0xFFFFE000  }
0x73: {  	[bflag:$0x0] =	sbarrier.arrive $0xFFFF  }
0x74: {  	s0 =	rddreg [dreg:$0x7]  }
0x75: {  	[hbm:s0], [sflag:s12] =	dma.local [spmem:s17], $0xA00  }
0x76: {  	s4 =	sadd.s32 $0x1, s4;
	_ =	swait.ge [sflag:s18], $0xA00  }
0x77: {  	p0 =	sne.s32 s4, s16;
	[sflag:s18] =	ssyncset.done $0x0  }
.Ltmp3:
0x78: {  	[sflag:s18] =	ssyncadd.s32 $0xFFFFF600;
	(pc) =	sbr.rel @p0 .LBB2_1-.Ltmp3, $4  }
0x79: {  	[hbm:s15], [sflag:s12] =	dma.local [spmem:s19], $0x500  }
0x7a: {  	_ =	swait.ge [sflag:s18], $0x500  }
0x7b: {  	[sflag:s18] =	ssyncset.done $0x0  }
0x7c: {  	[sflag:s18] =	ssyncadd.s32 $0xFFFFFB00  }
0x7d: {  	_ =	sfence.sel $0x180000  }
0x7e: {  	[bflag:$0x0] =	sbarrier.arrive $0xFFFF  }
0x7f: {  	_ =	strace $0x9000004D  }
0x80: {  	s0 =	stileid.u32;
	[bflag:$0x2] =	sbarrier.arrive $0xFFFF  }
0x81: {  	p0 =	sne.s32 s0, $0x0;
	s0 =	rddreg [dreg:$0x4]  }
0x82: {  	s0 =	sadd.s32 @!p0 $0x100000, s0  }
0x83: {  	[sflag:s0] =	ssyncadd.tile.s32 @!p0 $0x1;
	_ =	shalt  }
.Lfunc_end2:
_tile_overlayer_lowered:
.L_overlay_start_2:
0x84: {  	(tag) =	ssettag $0x2  }
0x85: {  	s0 =	rddreg [dreg:$0x0];
	s2 =	stileid.u32  }
0x86: {  	s1 =	rddreg [dreg:$0x1];
	p0 =	sne.s32 s2, $0x0  }
0x87: {  	s3 =	rddreg [dreg:$0x2];
	[bflag:$0x3] =	sbarrier.arrive $0xFFFF;
	s2 =	simm.s32 @!p0 $0x1C03  }
0x88: {  	[timem:s3], [sflag:s2] =	dma.local @!p0 [hbm:s0], s1  }
0x89: {  	s0 =	simm.s32 @!p0 $0x3  }
0x8a: {  	_ =	swait.ge @!p0 [sflag:s0], s1  }
0x8b: {  	s1 =	ssub.s32 @!p0 $0x0, s1;
	[sflag:s0] =	ssyncset.done @!p0 $0x0  }
0x8c: {  	[sflag:s0] =	ssyncadd.s32 @!p0 s1  }
0x8d: {  	[bflag:$0x3] =	sbarrier.arrive $0xFFFF  }
0x8e: {  	_ =	shalt  }

// kernel: kernel.21.cloned.1.call-start
scs
__scs_entry_jumppad:
0x0: {  	(pc) =	sbr.rel $0x88, $3  }
0x1: {  	(tag) =	ssettag $0x0;
	lr =	simm.s32 $0x1  }
0x2: {  	[smem:$0x3F8A] =	sst lr;
	_ =	strace $0xD0000000  }
0x3: {  	_ = 	snop  }
0x4: {  	_ = 	snop  }
0x5: {  	_ = 	snop  }
0x6: {  	_ = 	snop  }
0x7: {  	_ = 	snop  }
__scs_overlays_trampoline_lowered:
0x8: {  	[smem:$0x3F99] =	sst s0  }
0x9: {  	[smem:$0x3F9A] =	sst s1  }
0xa: {  	[smem:$0x3F9B] =	sst s2  }
0xb: {  	[smem:$0x3F9C] =	sst s3  }
0xc: {  	[smem:$0x3F9D] =	sst s4  }
0xd: {  	[smem:$0x3F9E] =	sst s5  }
0xe: {  	[smem:$0x3F9F] =	sst s6  }
0xf: {  	[smem:$0x3FA0] =	sst s7  }
0x10: {  	[smem:$0x3FA1] =	sst s8  }
0x11: {  	[smem:$0x3FA2] =	sst s9;
	s0 =	simm.s32 @!p0 $0x0  }
0x12: {  	s1 =	sld [smem:$0x3F88];
	s0 =	simm.s32 @p0 $0x1  }
0x13: {  	[smem:$0x3FA3] =	sst s0;
	s0 =	simm.s32 @!p1 $0x0  }
0x14: {  	s2 =	sld [smem:$0x3F87];
	s0 =	simm.s32 @p1 $0x1  }
0x15: {  	[smem:$0x3FA4] =	sst s0;
	s0 =	simm.s32 @!p2 $0x0  }
0x16: {  	s3 =	sld [smem:$0x3FDB];
	s0 =	simm.s32 @p2 $0x1  }
0x17: {  	s4 =	simm.s32 $0x1BF5;
	[smem:$0x3FA6] =	sst s0  }
0x18: {  	s0 =	sld [smem:$0x3F89];
	_ =	swait.ge [sflag:s4], $0x0  }
0x19: {  	s7 =	sld [smem:$0x3F8A]  }
0x1a: {  	s8 =	sadd.s32 $0xFFFFE003, lr  }
0x1b: {  	s9 =	sadd.s32 $0xFFFFFEF7, lr;
	s5 =	simm.s32 $0xFFFFFFFF;
	p2 =	slt.u32 s8, $0xFFFFF086  }
0x1c: {  	p1 =	slt.u32 s9, $0xF7A;
	s5 =	simm.s32 @!p2 $0x0  }
0x1d: {  	s5 =	simm.s32 @p1 $0x1;
	p0 =	seq.s32 s7, s2  }
0x1e: {  	s7 =	smul.u32 @!p0 $0xF7A, s2;
	p2 =	seq.s32 @!p0 s5, $0x0  }
0x1f: {  	s9 =	smul.u32 $0xF7A, s1;
	s8 =	simm.s32 @!p0 $0x1BF5;
	p2 =	por !p2, p0  }
0x20: {  	[sflag:s8] =	ssyncset.s32 @!p0 $0xFFFFF086;
	s6 =	sadd.s32 @!p0 s3, s7;
	s7 =	simm.s32 @!p0 $0x108  }
0x21: {  	s3 =	sadd.s32 s3, s9;
	s6 =	sadd.s32 @!p0 $0x88, s6;
	s7 =	simm.s32 @p2 $0x1082  }
0x22: {  	[simem:s7], [sflag:s8] =	dma.local @!p0 [hbm:s6], $0xF7A  }
0x23: {  	s9 =	sor.u32 $0xD0000000, s2;
	s6 =	simm.s32 $0x108;
	_ =	swait.ge @!p0 [sflag:s8], $0x0  }
0x24: {  	s3 =	sadd.s32 $0x88, s3;
	s6 =	simm.s32 @!p1 $0x1082;
	[sflag:s4] =	ssyncset.s32 $0xFFFFF086  }
0x25: {  	[simem:s6], [sflag:s4] =	dma.local [hbm:s3], $0xF7A  }
0x26: {  	[smem:$0x3F8A] =	sst s1;
	(tag) =	ssettag s2;
	_ =	strace s9  }
0x27: {  	s1 =	sld [smem:$0x3F9A]  }
0x28: {  	s2 =	sld [smem:$0x3F9B]  }
0x29: {  	s4 =	sld [smem:$0x3F9D]  }
0x2a: {  	p0 =	seq.s32 s5, $0x0;
	s5 =	sld [smem:$0x3F9E]  }
0x2b: {  	s6 =	sld [smem:$0x3F9F]  }
0x2c: {  	s7 =	sld [smem:$0x3FA0]  }
0x2d: {  	s3 =	simm.s32 $0x108;
	s8 =	sld [smem:$0x3FA1]  }
0x2e: {  	s3 =	simm.s32 @!p0 $0x1082;
	s9 =	sld [smem:$0x3FA2]  }
0x2f: {  	lr =	sadd.s32 s0, s3;
	s0 =	sld [smem:$0x3F99]  }
0x30: {  	s3 =	sld [smem:$0x3F9C]  }
0x31: {  	[smem:$0x3FA5] =	sst s10  }
0x32: {  	s10 =	sld [smem:$0x3FA3];
	_ =	sdelay $0x3  }
0x33: {  	p0 =	seq.s32 s10, $0x1;
	s10 =	sld [smem:$0x3FA5];
	_ =	sdelay $0x3  }
0x34: {  	[smem:$0x3FA5] =	sst s10  }
0x35: {  	s10 =	sld [smem:$0x3FA4];
	_ =	sdelay $0x3  }
0x36: {  	p1 =	seq.s32 s10, $0x1;
	s10 =	sld [smem:$0x3FA5];
	_ =	sdelay $0x3  }
0x37: {  	[smem:$0x3FA5] =	sst s10  }
0x38: {  	s10 =	sld [smem:$0x3FA6]  }
0x39: {  	_ = 	snop;
	(pc) =	sbr.ind lr, $3  }
0x3a: {  	_ = 	snop  }
0x3b: {  	_ = 	snop  }
0x3c: {  	p2 =	seq.s32 s10, $0x1;
	s10 =	sld [smem:$0x3FA5]  }
0x3d: {  	_ =	shalt  }
0x3e: {  	_ =	shalt  }
0x3f: {  	_ =	shalt  }
0x40: {  	_ =	shalt  }
0x41: {  	_ =	shalt  }
0x42: {  	_ =	shalt  }
0x43: {  	_ =	shalt  }
0x44: {  	_ =	shalt  }
0x45: {  	_ =	shalt  }
0x46: {  	_ =	shalt  }
0x47: {  	_ =	shalt  }
0x48: {  	_ =	shalt  }
0x49: {  	_ =	shalt  }
0x4a: {  	_ =	shalt  }
0x4b: {  	_ =	shalt  }
0x4c: {  	_ =	shalt  }
0x4d: {  	_ =	shalt  }
0x4e: {  	_ =	shalt  }
0x4f: {  	_ =	shalt  }
0x50: {  	_ =	shalt  }
0x51: {  	_ =	shalt  }
0x52: {  	_ =	shalt  }
0x53: {  	_ =	shalt  }
0x54: {  	_ =	shalt  }
0x55: {  	_ =	shalt  }
0x56: {  	_ =	shalt  }
0x57: {  	_ =	shalt  }
0x58: {  	_ =	shalt  }
0x59: {  	_ =	shalt  }
0x5a: {  	_ =	shalt  }
0x5b: {  	_ =	shalt  }
0x5c: {  	_ =	shalt  }
0x5d: {  	_ =	shalt  }
0x5e: {  	_ =	shalt  }
0x5f: {  	_ =	shalt  }
0x60: {  	_ =	shalt  }
0x61: {  	_ =	shalt  }
0x62: {  	_ =	shalt  }
0x63: {  	_ =	shalt  }
0x64: {  	_ =	shalt  }
0x65: {  	_ =	shalt  }
0x66: {  	_ =	shalt  }
0x67: {  	_ =	shalt  }
0x68: {  	_ =	shalt  }
0x69: {  	_ =	shalt  }
0x6a: {  	_ =	shalt  }
0x6b: {  	_ =	shalt  }
0x6c: {  	_ =	shalt  }
0x6d: {  	_ =	shalt  }
0x6e: {  	_ =	shalt  }
0x6f: {  	_ =	shalt  }
0x70: {  	_ =	shalt  }
0x71: {  	_ =	shalt  }
0x72: {  	_ =	shalt  }
0x73: {  	_ =	shalt  }
0x74: {  	_ =	shalt  }
0x75: {  	_ =	shalt  }
0x76: {  	_ =	shalt  }
0x77: {  	_ =	shalt  }
0x78: {  	_ =	shalt  }
0x79: {  	_ =	shalt  }
0x7a: {  	_ =	shalt  }
0x7b: {  	_ =	shalt  }
0x7c: {  	_ =	shalt  }
0x7d: {  	_ =	shalt  }
0x7e: {  	_ =	shalt  }
0x7f: {  	_ =	shalt  }
0x80: {  	_ =	shalt  }
0x81: {  	_ =	shalt  }
0x82: {  	_ =	shalt  }
0x83: {  	_ =	shalt  }
0x84: {  	_ =	shalt  }
0x85: {  	_ =	shalt  }
0x86: {  	_ =	shalt  }
0x87: {  	_ =	shalt  }
.Lfunc_end0:
.L_simem_size_0:
called_computation.3_lowered:
.L_overlay_start_0:
0x88: {  	s2 =	sld [smem:$0x3FD9]  }
0x89: {  	s3 =	sld [smem:$0x3FFE];
	_ =	sdelay $0x1  }
0x8a: {  	s1 =	srdreg.scid  }
0x8b: {  	s0 =	sand.u32 $0x1, s1  }
0x8c: {  	s14 =	sshll.u32 s0, $0xA;
	s2 =	sadd.s32 s3, s2  }
0x8d: {  	s2 =	sadd.s32 s2, s14  }
0x8e: {  	[smem:$0x3FB1] =	sst s2  }
0x8f: {  	_ = 	snop  }
0x90: {  	s2 =	sld [smem:$0x3FD0];
	_ =	sdelay $0x2  }
0x91: {  	s15 =	simm.s32 $0xB;
	s4 =	simm.s32 $0x10  }
0x92: {  	[smem:s4], [sflag:s15] =	dma.local [hbm:s2], $0x1  }
0x93: {  	_ =	swait.eq [sflag:s15], $0x1  }
0x94: {  	s16 =	sld [smem:$0x10];
	[sflag:s15] =	ssyncset.done $0x0  }
0x95: {  	s17 =	sld [smem:$0x11];
	[sflag:s15] =	ssyncadd.s32 $0xFFFFFFFF  }
0x96: {  	s18 =	sld [smem:$0x12];
	(tm) =	ssettm $0x1  }
0x97: {  	s5 =	sld [smem:$0x3FFB];
	_ =	sdelay $0x3  }
0x98: {  	_ =	strace s5  }
0x99: {  	s5 =	sld [smem:$0x3FFC];
	_ =	sdelay $0x3  }
0x9a: {  	_ =	strace s5  }
0x9b: {  	s5 =	sld [smem:$0x3FFD];
	_ =	sdelay $0x3  }
0x9c: {  	_ =	strace s5  }
0x9d: {  	_ =	strace $0x8FFFFFFF  }
0x9e: {  	s19 =	sld [smem:$0x3FDB];
	_ =	sdelay $0x1  }
0x9f: {  	s6 =	simm.s32 $_scs_section_size  }
0xa0: {  	s7 =	simm.s32 $_size__tile_overlayer_lowered;
	s8 =	simm.s32 $_tile_overlayer_lowered  }
0xa1: {  	s22 =	simm.s32 $0x1BFF;
	s21 =	sshll.u32 s8, $0x1;
	s5 =	sadd.s32 s6, s19  }
0xa2: {  	s9 =	simm.s32 $0x0;
	s20 =	sshll.u32 s7, $0x1;
	s7 =	sadd.s32 s21, s5  }
0xa3: {  	[timem:s9], [sflag:s22] =	dma.local [hbm:s7], s20  }
0xa4: {  	_ =	swait.ge [sflag:s22], s20  }
0xa5: {  	s6 =	ssub.s32 $0x0, s20;
	[sflag:s22] =	ssyncset.done $0x0  }
0xa6: {  	[sflag:s22] =	ssyncadd.s32 s6;
	_ =	sdelay $0x1  }
0xa7: {  	s23 =	simm.s32 $0x1B8B  }
0xa8: {  	_ =	swait.ge [sflag:s23], $0x1  }
0xa9: {  	[sflag:s23] =	ssyncset.done $0x0  }
0xaa: {  	s25 =	simm.s32 $0x1B8E;
	s24 =	sld [smem:$0x3FFE];
	[sflag:s23] =	ssyncadd.s32 $0xFFFFFFFF  }
0xab: {  	s26 =	simm.s32 $execute0_lowered;
	[smem:$0x3FD2] =	sst s25  }
0xac: {  	s7 =	sshll.u32 s26, $0x1;
	_ =	strace $0x8000004F;
	[dreg:$0x1] =	wrdreg $0xFFFFFFFF  }
0xad: {  	s28 =	simm.s32 $_size_execute0_lowered;
	s5 =	sadd.s32 s5, s7;
	[dreg:$0x0] =	wrdreg $0x0  }
0xae: {  	s7 =	sshll.u32 s28, $0x1;
	[dreg:$0x2] =	wrdreg s5  }
0xaf: {  	[dreg:$0x3] =	wrdreg s7  }
0xb0: {  	[dreg:$0x4] =	wrdreg $0xC0  }
0xb1: {  	_ =	task [dreg:s9], $0x5FFFF  }
0xb2: {  	[dreg:$0x1] =	wrdreg $0xFFFFFFFF  }
0xb3: {  	[dreg:$0x0] =	wrdreg $0x60  }
0xb4: {  	[dreg:$0x2] =	wrdreg s24  }
0xb5: {  	[dreg:$0x3] =	wrdreg s18  }
0xb6: {  	[dreg:$0x4] =	wrdreg s17  }
0xb7: {  	[dreg:$0x5] =	wrdreg s16  }
0xb8: {  	[dreg:$0x6] =	wrdreg $0x0  }
0xb9: {  	[dreg:$0x7] =	wrdreg $0x140000  }
0xba: {  	[dreg:$0x8] =	wrdreg $0x9  }
0xbb: {  	_ =	task.clear_ibuf [dreg:s9], $0x9FFFF;
	_ =	strace $0x9000004F  }
0xbc: {  	s29 =	simm.s32 $0x9;
	_ =	strace $0x80000051  }
0xbd: {  	_ =	swait.ge [sflag:s29], $0x1  }
0xbe: {  	[sflag:s29] =	ssyncadd.s32 $0xFFFFFFFF  }
0xbf: {  	_ =	strace $0x90000051  }
0xc0: {  	_ =	sfence  }
0xc1: {  	s30 =	sld [smem:$0x0];
	_ =	sdelay $0x2  }
0xc2: {  	s31 =	sshll.u32 s1, $0xD;
	s1 =	sshrl.u32 s1, $0x2  }
0xc3: {  	s3 =	sand.u32 $0x4000, s31;
	s1 =	sadd.s32 s1, s30  }
0xc4: {  	s0 =	sor.u32 s3, s0;
	s1 =	sshll.u32 s1, $0x11  }
0xc5: {  	s0 =	sor.u32 s1, s0  }
0xc6: {  	s0 =	sadd.s32 $0x8F2B, s0  }
0xc7: {  	[sflag:s0] =	ssyncadd.remote.s32 $0x1  }
0xc8: {  	_ =	sfence.sel $0xFFFF  }
0xc9: {  	[dreg:$0x0] =	wrdreg $0xFFFFFFFF;
	(pc) =	sbr.abs _section_cstart, $3  }
0xca: {  	[dreg:$0x1] =	wrdreg $0xFFFFFFFF  }
0xcb: {  	_ =	task.clear_ibuf [dreg:s9], $0x2FFFF;
	_ =	strace $0x9FFFFFFF  }
0xcc: {  	(tm) =	ssettm $0x7FFFFFFF  }
0xcd: {  	_ =	shalt  }
tec
execute0_lowered:
.L_overlay_start_1:
0x0: {  	(tag) =	ssettag $0x1  }
0x1: {  	s0 =	rddreg [dreg:$0x0]  }
0x2: {  	s1 =	rddreg [dreg:$0x1]  }
0x3: {  	s2 =	rddreg [dreg:$0x2]  }
0x4: {  	s3 =	rddreg [dreg:$0x3]  }
0x5: {  	s4 =	rddreg [dreg:$0x4]  }
0x6: {  	s5 =	rddreg [dreg:$0x5]  }
0x7: {  	s7 =	srdreg.scid;
	s18 =	stileid.u32;
	s6 =	simm.s32 $0x0  }
0x8: {  	s20 =	simm.s32 $0x16800;
	s21 =	simm.s32 $0x16880;
	s22 =	simm.s32 $0x80  }
0x9: {  	s28 =	simm.s32 $0x2;
	s29 =	simm.s32 $0x17900;
	s10 =	sand.u32 $0x1, s7  }
0xa: {  	s11 =	smul.u32 $0x14000, s18;
	[smem:$0x7FF] =	sst s6;
	s7 =	sadd.s32 $0x46600, s0  }
0xb: {  	s8 =	sadd.s32 $0x11400, s0;
	s9 =	sadd.s32 $0x7000, s0;
	s13 =	sadd.s32 $0x43E00, s0  }
0xc: {  	s23 =	sadd.s32 $0x43800, s0;
	s25 =	smul.u32 $0x2800, s18;
	s15 =	sshll.u32 s18, $0x1  }
0xd: {  	s26 =	sshll.u32 s18, $0x6;
	_ =	strace $0x80000050;
	[dreg:$0x7] =	wrdreg s13  }
0xe: {  	s18 =	simm.s32 $0x3;
	s12 =	smul.u32 $0x140000, s10;
	[dreg:$0x8] =	wrdreg s23  }
0xf: {  	s24 =	ssub.s32 $0x2, s10;
	s16 =	smul.u32 $0x28000, s10;
	s10 =	sor.u32 s10, s15  }
0x10: {  	s23 =	simm.s32 $0x18100;
	s14 =	sshrl.u32 s24, $0x1;
	s19 =	sadd.s32 s25, s5  }
0x11: {  	s13 =	smul.u32 $0x2900, s10;
	s12 =	sadd.s32 s11, s12;
	s17 =	ssub.s32 s24, s14  }
0x12: {  	s11 =	sadd.s32 s11, s4;
	s30 =	sadd.s32 s25, s16;
	s19 =	sshrl.u32 s19, $0x3  }
0x13: {  	s24 =	simm.s32 $0x16900;
	s25 =	simm.s32 $0x17100;
	s12 =	sshrl.u32 s12, $0x3  }
0x14: {  	s31 =	sshrl.u32 s30, $0x3;
	s16 =	smax.u32 s17, $0x1;
	s0 =	sadd.s32 s12, s0  }
0x15: {  	s17 =	sshrl.u32 s11, $0x3;
	s12 =	sor.u32 $0x1C03, s26;
	s0 =	sadd.s32 $0x6E600, s0  }
0x16: {  	s15 =	sadd.s32 s3, s31;
	s26 =	simm.s32 $0x1;
	[dreg:$0x9] =	wrdreg s0  }
.LBB2_1:
0x17: {  	s0 =	rddreg [dreg:$0x7]  }
0x18: {  	[spmem:s17], [sflag:s12] =	dma.local [hbm:s0], $0x2800  }
0x19: {  	_ =	swait.ge [sflag:s18], $0x2800  }
0x1a: {  	[sflag:s18] =	ssyncset.done $0x0  }
0x1b: {  	s31 =	rddreg [dreg:$0x8];
	[sflag:s18] =	ssyncadd.s32 $0xFFFFD800  }
0x1c: {  	[spmem:s19], [sflag:s12] =	dma.local [hbm:s31], $0x500  }
0x1d: {  	_ =	swait.ge [sflag:s18], $0x500  }
0x1e: {  	[sflag:s18] =	ssyncset.done $0x0  }
0x1f: {  	[sflag:s18] =	ssyncadd.s32 $0xFFFFFB00  }
0x20: {  	s30 =	simm.s32 $0x0;
	[bflag:$0x0] =	sbarrier.arrive $0xFFFF  }
.LBB2_2:
0x21: {  	s0 =	sshll.u32 s30, $0x7  }
0x22: {  	s0 =	sadd.s32 s13, s0  }
0x23: {  	s0 =	sshrl.u32 s0, $0x3  }
0x24: {  	s10 =	simm.s32 $0x0;
	s3 =	sadd.s32 s8, s0  }
0x25: {  	[tilespmem:s20], [sflag:$0x3] =	stream.linear.gather [hbm4b:s3+s10], $0x80, $0x38;
	[tilespmem:$0x1C100] =	vst v63  }
0x26: {  	_ =	swait.ge [sflag:s18], $0x80  }
0x27: {  	[sflag:s18] =	ssyncset.done $0x0  }
0x28: {  	s0 =	sadd.s32 s9, s0;
	[sflag:s18] =	ssyncadd.s32 $0xFFFFFF80  }
0x29: {  	[tilespmem:s21], [sflag:$0x3] =	stream.linear.gather [hbm4b:s0+s10], $0x80, $0x38;
	[tilespmem:$0x1C100] =	vst v63  }
0x2a: {  	_ =	swait.ge [sflag:s18], $0x80  }
0x2b: {  	[sflag:s18] =	ssyncset.done $0x0  }
0x2c: {  	[sflag:s18] =	ssyncadd.s32 $0xFFFFFF80  }
0x2d: {  	[tilespmem:s23], [sflag:$0x2] =	stream.indirect.gather [hbm4b:s7+s22], $0x80, s20, s22, $0xb8;
	[tilespmem:$0x1C100] =	vst v63  }
0x2e: {  	_ = 	snop  }
0x2f: {  	[tilespmem:s24], [sflag:$0x1] =	stream.indirect.gather [hbm4b:s1+s22], $0x10, s20, s22, $0xb8;
	[tilespmem:$0x1C100] =	vst v63  }
0x30: {  	_ = 	snop  }
0x31: {  	[tilespmem:s25], [sflag:$0x1] =	stream.indirect.gather [hbm4b:s2+s22], $0x10, s21, s22, $0xb8;
	[tilespmem:$0x1C100] =	vst v63  }
0x32: {  	_ =	swait.ge [sflag:s26], $0x800  }
0x33: {  	[sflag:s26] =	ssyncset.done $0x0  }
0x34: {  	[sflag:s26] =	ssyncadd.s32 $0xFFFFF800  }
0x35: {  	_ =	swait.ge [sflag:s26], $0x800  }
0x36: {  	[sflag:s26] =	ssyncset.done $0x0  }
0x37: {  	s31 =	simm.s32 $0x0;
	[sflag:s26] =	ssyncadd.s32 $0xFFFFF800  }
0x38: {  	v0 =	vld [tilespmem:s31+$0x16900]  }
0x39: {  	v1 =	vld [tilespmem:s31+$0x17100];
	_ =	sdelay $0x4  }
0x3a: {  	v0 =	vadd.f32 v1, v0;
	_ =	sdelay $0x1  }
0x3b: {  	s0 =	simm.s32 $0x10;
	v1 =	vmul.f32 $2.000000030e-01, v0  }
0x3c: {  	v2 =	vld [tilespmem:s0+$0x16900];
	vm0 =	vgt.f32 v0, $0.0e+00  }
0x3d: {  	v3 =	vld [tilespmem:s0+$0x17100];
	v0 =	vsel vm0, v0, v1  }
0x3e: {  	s3 =	simm.s32 $0x20;
	v0 =	vmul.f32 $1.442695020e+00, v0  }
0x3f: {  	v1 =	vld [tilespmem:s3+$0x16900]  }
0x40: {  	(erf) = vpow2.f32 v0;
	v0 =	vld [tilespmem:s3+$0x17100];
	_ =	sdelay $0x1  }
0x41: {  	v2 =	vadd.f32 v3, v2;
	_ =	sdelay $0x1  }
0x42: {  	v3 =	vmul.f32 $2.000000030e-01, v2  }
0x43: {  	vm14 =	vgt.f32 v2, $0.0e+00;
	v4 =	vadd.f32 v0, v1  }
0x44: {  	v0 =	vsel vm14, v2, v3  }
0x45: {  	s10 =	simm.s32 $0x30;
	v1 =	vmul.f32 $1.442695020e+00, v0;
	v2 =	vmul.f32 $2.000000030e-01, v4  }
0x46: {  	v0 =	vld [tilespmem:s10+$0x16900]  }
0x47: {  	(erf) = vpow2.f32 v1;
	v1 =	vld [tilespmem:s10+$0x17100]  }
0x48: {  	vm15 =	vgt.f32 v4, $0.0e+00  }
0x49: {  	s11 =	simm.s32 $0x100;
	v3 =	vsel vm15, v4, v2;
	v2 =	vpop (erf)  }
.LBB2_3:
0x4a: {  	s14 =	sshra.s32 s11, $0x2  }
0x4b: {  	v3 =	vmul.f32 $1.442695020e+00, v3;
	[tilespmem:s31+$0x17900] =	vst v2;
	s31 =	smov.u32 s0;
	s0 =	smov.u32 s3;
	p0 =	sne.s32 s11, $0x1FC0  }
.Ltmp0:
0x4c: {  	s11 =	sadd.s32 $0x40, s11;
	v2 =	vadd.f32 v1, v0;
	v0 =	vld [tilespmem:s14+$0x16900];
	(pc) =	sbr.rel @p0 .LBB2_3-.Ltmp0, $4  }
0x4d: {  	s3 =	smov.u32 s10;
	s10 =	smov.u32 s14;
	v1 =	vld [tilespmem:s14+$0x17100];
	(erf) = vpow2.f32 v3  }
0x4e: {  	v3 =	vmul.f32 $2.000000030e-01, v2  }
0x4f: {  	vm0 =	vgt.f32 v2, $0.0e+00  }
0x50: {  	v3 =	vsel vm0, v2, v3;
	v2 =	vpop (erf)  }
0x51: {  	_ = 	snop  }
0x52: {  	v0 =	vadd.f32 v1, v0;
	_ =	sdelay $0x1  }
0x53: {  	v1 =	vmul.f32 $2.000000030e-01, v0  }
0x54: {  	vm0 =	vgt.f32 v0, $0.0e+00  }
0x55: {  	v3 =	vmul.f32 $1.442695020e+00, v3;
	v0 =	vsel vm0, v0, v1  }
0x56: {  	v0 =	vmul.f32 $1.442695020e+00, v0  }
0x57: {  	(erf) = vpow2.f32 v3  }
0x58: {  	(erf) = vpow2.f32 v0;
	_ =	sdelay $0x6  }
0x59: {  	[tilespmem:s31+$0x17900] =	vst v2;
	v0 =	vpop (erf)  }
0x5a: {  	[tilespmem:s0+$0x17900] =	vst v0;
	v0 =	vpop (erf)  }
0x5b: {  	[tilespmem:s3+$0x17900] =	vst v0;
	v0 =	vpop (erf)  }
0x5c: {  	[tilespmem:s10+$0x17900] =	vst v0  }
0x5d: {  	_ =	swait.ge [sflag:s28], $0x4000  }
0x5e: {  	[sflag:s28] =	ssyncset.done $0x0  }
0x5f: {  	s31 =	simm.s32 $0x18140;
	[sflag:s28] =	ssyncadd.s32 $0xFFFFC000  }
0x60: {  	v4 =	vld [tilespmem:s31+$0x30]  }
0x61: {  	v7 =	vld [tilespmem:s31+$0x10]  }
0x62: {  	s14 =	simm.s32 $0x0;
	v5 =	vld [tilespmem:s31+$0xFFFFFFC0]  }
0x63: {  	v1 =	vld.msk [tilespmem:s14+$0x17900 ss:$0x0], $0xffff  }
0x64: {  	v9 =	vld [tilespmem:s31+$0xFFFFFFE0]  }
0x65: {  	v0 =	vld [tilespmem:s31+$0xFFFFFFF0]  }
0x66: {  	v2 =	vld [tilespmem:s31+$0x20]  }
0x67: {  	v3 =	vld [tilespmem:s31+$0xFFFFFFD0]  }
0x68: {  	v8 =	vmul.f32 v4, v1;
	v4 =	vld [tilespmem:s31+$0x0]  }
0x69: {  	v6 =	vmul.f32 v1, v5  }
0x6a: {  	s0 =	simm.s32 $0x40;
	s3 =	simm.s32 $0x18140;
	v5 =	vmul.f32 v9, v1;
	v7 =	vmul.f32 v7, v1  }
.LBB2_5:
0x6b: {  	p0 =	sne.s32 s0, $0x1FC0  }
0x6c: {  	v3 =	vmul.f32 v3, v1;
	v2 =	vmul.f32 v2, v1;
	[tilespmem:s31+$0x30] =	vst v8;
	s3 =	sadd.s32 $0x80, s3;
	s10 =	smov.u32 s0;
	s0 =	sadd.s32 $0x40, s0  }
0x6d: {  	[tilespmem:s31+$0xFFFFFFC0] =	vst v6;
	v6 =	vmul.f32 v0, v1;
	v1 =	vmul.f32 v4, v1  }
0x6e: {  	[tilespmem:s31+$0x10] =	vst v7  }
0x6f: {  	[tilespmem:s31+$0xFFFFFFE0] =	vst v5  }
0x70: {  	v0 =	vld [tilespmem:s3+$0xFFFFFFF0];
	[tilespmem:s31+$0xFFFFFFF0] =	vst v6  }
0x71: {  	v5 =	vld [tilespmem:s3+$0x30];
	[tilespmem:s31+$0x0] =	vst v1  }
0x72: {  	v7 =	vld [tilespmem:s3+$0x10];
	[tilespmem:s31+$0x20] =	vst v2  }
0x73: {  	s10 =	sshra.s32 s10, $0x2;
	v6 =	vld [tilespmem:s3+$0xFFFFFFC0];
	[tilespmem:s31+$0xFFFFFFD0] =	vst v3;
	s31 =	smov.u32 s3  }
0x74: {  	v1 =	vld.msk [tilespmem:s10+$0x17900 ss:$0x0], $0xffff  }
0x75: {  	v9 =	vld [tilespmem:s3+$0xFFFFFFE0]  }
0x76: {  	v2 =	vld [tilespmem:s3+$0x20]  }
.Ltmp1:
0x77: {  	v3 =	vld [tilespmem:s3+$0xFFFFFFD0];
	(pc) =	sbr.rel @p0 .LBB2_5-.Ltmp1, $3  }
0x78: {  	v4 =	vld [tilespmem:s3+$0x0];
	_ =	sdelay $0x1  }
0x79: {  	v6 =	vmul.f32 v1, v6;
	v8 =	vmul.f32 v5, v1  }
0x7a: {  	v7 =	vmul.f32 v7, v1;
	v5 =	vmul.f32 v9, v1  }
0x7b: {  	[tilespmem:s31+$0x30] =	vst v8  }
0x7c: {  	[tilespmem:s31+$0xFFFFFFC0] =	vst v6  }
0x7d: {  	v0 =	vmul.f32 v0, v1;
	[tilespmem:s31+$0x10] =	vst v7  }
0x7e: {  	v2 =	vmul.f32 v2, v1;
	[tilespmem:s31+$0xFFFFFFE0] =	vst v5  }
0x7f: {  	v63 =	vmul.f32 v3, v1;
	[tilespmem:s31+$0xFFFFFFF0] =	vst v0  }
0x80: {  	v4 =	vmul.f32 v4, v1;
	[tilespmem:s31+$0x20] =	vst v2  }
0x81: {  	[tilespmem:s31+$0xFFFFFFD0] =	vst v63  }
0x82: {  	[tilespmem:s31+$0x0] =	vst v4  }
0x83: {  	[spmem:s5] =	stream.indirect.scatter.add.f32 [tilespmem:s29], [sflag:$0x3], $0x10, s21, s22, $0xb8;
	[tilespmem:$0x1C100] =	vst v63  }
0x84: {  	s30 =	sadd.s32 $0x1, s30;
	_ =	swait.ge [sflag:s18], $0x800  }
0x85: {  	p0 =	sne.s32 s30, $0x52;
	[sflag:s18] =	ssyncset.done $0x0  }
.Ltmp2:
0x86: {  	[sflag:s18] =	ssyncadd.s32 $0xFFFFF800;
	(pc) =	sbr.rel @p0 .LBB2_2-.Ltmp2, $4  }
0x87: {  	[spmem:s4] =	stream.indirect.scatter.add.f32 [tilespmem:s23], [sflag:$0x3], $0x80, s21, s22, $0xb8;
	[tilespmem:$0x1C100] =	vst v63  }
0x88: {  	_ =	swait.ge [sflag:s18], $0x4000  }
0x89: {  	[sflag:s18] =	ssyncset.done $0x0  }
0x8a: {  	[sflag:s18] =	ssyncadd.s32 $0xFFFFC000  }
0x8b: {  	[bflag:$0x0] =	sbarrier.arrive $0xFFFF  }
0x8c: {  	s0 =	rddreg [dreg:$0x9]  }
0x8d: {  	[hbm:s0], [sflag:s12] =	dma.local [spmem:s17], $0x2800  }
0x8e: {  	s6 =	sadd.s32 $0x1, s6;
	_ =	swait.ge [sflag:s18], $0x2800  }
0x8f: {  	p0 =	sne.s32 s6, s16;
	[sflag:s18] =	ssyncset.done $0x0  }
.Ltmp3:
0x90: {  	[sflag:s18] =	ssyncadd.s32 $0xFFFFD800;
	(pc) =	sbr.rel @p0 .LBB2_1-.Ltmp3, $4  }
0x91: {  	[hbm:s15], [sflag:s12] =	dma.local [spmem:s19], $0x500  }
0x92: {  	_ =	swait.ge [sflag:s18], $0x500  }
0x93: {  	[sflag:s18] =	ssyncset.done $0x0  }
0x94: {  	[sflag:s18] =	ssyncadd.s32 $0xFFFFFB00  }
0x95: {  	_ =	sfence.sel $0x180000  }
0x96: {  	[bflag:$0x0] =	sbarrier.arrive $0xFFFF  }
0x97: {  	_ =	strace $0x90000050  }
0x98: {  	s0 =	stileid.u32;
	[bflag:$0x2] =	sbarrier.arrive $0xFFFF  }
0x99: {  	p0 =	sne.s32 s0, $0x0;
	s0 =	rddreg [dreg:$0x6]  }
0x9a: {  	s0 =	sadd.s32 @!p0 $0x100000, s0  }
0x9b: {  	[sflag:s0] =	ssyncadd.tile.s32 @!p0 $0x1;
	_ =	shalt  }
.Lfunc_end2:
_tile_overlayer_lowered:
.L_overlay_start_2:
0x9c: {  	(tag) =	ssettag $0x2  }
0x9d: {  	s0 =	rddreg [dreg:$0x0];
	s2 =	stileid.u32  }
0x9e: {  	s1 =	rddreg [dreg:$0x1];
	p0 =	sne.s32 s2, $0x0  }
0x9f: {  	s3 =	rddreg [dreg:$0x2];
	[bflag:$0x3] =	sbarrier.arrive $0xFFFF;
	s2 =	simm.s32 @!p0 $0x1C03  }
0xa0: {  	[timem:s3], [sflag:s2] =	dma.local @!p0 [hbm:s0], s1  }
0xa1: {  	s0 =	simm.s32 @!p0 $0x3  }
0xa2: {  	_ =	swait.ge @!p0 [sflag:s0], s1  }
0xa3: {  	s1 =	ssub.s32 @!p0 $0x0, s1;
	[sflag:s0] =	ssyncset.done @!p0 $0x0  }
0xa4: {  	[sflag:s0] =	ssyncadd.s32 @!p0 s1  }
0xa5: {  	[bflag:$0x3] =	sbarrier.arrive $0xFFFF  }
0xa6: {  	_ =	shalt  }

// kernel: kernel.24.cloned.1.call-start
scs
__scs_entry_jumppad:
0x0: {  	(pc) =	sbr.rel $0x88, $3  }
0x1: {  	(tag) =	ssettag $0x0;
	lr =	simm.s32 $0x1  }
0x2: {  	[smem:$0x3F8A] =	sst lr;
	_ =	strace $0xD0000000  }
0x3: {  	_ = 	snop  }
0x4: {  	_ = 	snop  }
0x5: {  	_ = 	snop  }
0x6: {  	_ = 	snop  }
0x7: {  	_ = 	snop  }
__scs_overlays_trampoline_lowered:
0x8: {  	[smem:$0x3F99] =	sst s0  }
0x9: {  	[smem:$0x3F9A] =	sst s1  }
0xa: {  	[smem:$0x3F9B] =	sst s2  }
0xb: {  	[smem:$0x3F9C] =	sst s3  }
0xc: {  	[smem:$0x3F9D] =	sst s4  }
0xd: {  	[smem:$0x3F9E] =	sst s5  }
0xe: {  	[smem:$0x3F9F] =	sst s6  }
0xf: {  	[smem:$0x3FA0] =	sst s7  }
0x10: {  	[smem:$0x3FA1] =	sst s8  }
0x11: {  	[smem:$0x3FA2] =	sst s9;
	s0 =	simm.s32 @!p0 $0x0  }
0x12: {  	s1 =	sld [smem:$0x3F88];
	s0 =	simm.s32 @p0 $0x1  }
0x13: {  	[smem:$0x3FA3] =	sst s0;
	s0 =	simm.s32 @!p1 $0x0  }
0x14: {  	s2 =	sld [smem:$0x3F87];
	s0 =	simm.s32 @p1 $0x1  }
0x15: {  	[smem:$0x3FA4] =	sst s0;
	s0 =	simm.s32 @!p2 $0x0  }
0x16: {  	s3 =	sld [smem:$0x3FDB];
	s0 =	simm.s32 @p2 $0x1  }
0x17: {  	s4 =	simm.s32 $0x1BF5;
	[smem:$0x3FA6] =	sst s0  }
0x18: {  	s0 =	sld [smem:$0x3F89];
	_ =	swait.ge [sflag:s4], $0x0  }
0x19: {  	s7 =	sld [smem:$0x3F8A]  }
0x1a: {  	s8 =	sadd.s32 $0xFFFFE003, lr  }
0x1b: {  	s9 =	sadd.s32 $0xFFFFFEF7, lr;
	s5 =	simm.s32 $0xFFFFFFFF;
	p2 =	slt.u32 s8, $0xFFFFF086  }
0x1c: {  	p1 =	slt.u32 s9, $0xF7A;
	s5 =	simm.s32 @!p2 $0x0  }
0x1d: {  	s5 =	simm.s32 @p1 $0x1;
	p0 =	seq.s32 s7, s2  }
0x1e: {  	s7 =	smul.u32 @!p0 $0xF7A, s2;
	p2 =	seq.s32 @!p0 s5, $0x0  }
0x1f: {  	s9 =	smul.u32 $0xF7A, s1;
	s8 =	simm.s32 @!p0 $0x1BF5;
	p2 =	por !p2, p0  }
0x20: {  	[sflag:s8] =	ssyncset.s32 @!p0 $0xFFFFF086;
	s6 =	sadd.s32 @!p0 s3, s7;
	s7 =	simm.s32 @!p0 $0x108  }
0x21: {  	s3 =	sadd.s32 s3, s9;
	s6 =	sadd.s32 @!p0 $0x88, s6;
	s7 =	simm.s32 @p2 $0x1082  }
0x22: {  	[simem:s7], [sflag:s8] =	dma.local @!p0 [hbm:s6], $0xF7A  }
0x23: {  	s9 =	sor.u32 $0xD0000000, s2;
	s6 =	simm.s32 $0x108;
	_ =	swait.ge @!p0 [sflag:s8], $0x0  }
0x24: {  	s3 =	sadd.s32 $0x88, s3;
	s6 =	simm.s32 @!p1 $0x1082;
	[sflag:s4] =	ssyncset.s32 $0xFFFFF086  }
0x25: {  	[simem:s6], [sflag:s4] =	dma.local [hbm:s3], $0xF7A  }
0x26: {  	[smem:$0x3F8A] =	sst s1;
	(tag) =	ssettag s2;
	_ =	strace s9  }
0x27: {  	s1 =	sld [smem:$0x3F9A]  }
0x28: {  	s2 =	sld [smem:$0x3F9B]  }
0x29: {  	s4 =	sld [smem:$0x3F9D]  }
0x2a: {  	p0 =	seq.s32 s5, $0x0;
	s5 =	sld [smem:$0x3F9E]  }
0x2b: {  	s6 =	sld [smem:$0x3F9F]  }
0x2c: {  	s7 =	sld [smem:$0x3FA0]  }
0x2d: {  	s3 =	simm.s32 $0x108;
	s8 =	sld [smem:$0x3FA1]  }
0x2e: {  	s3 =	simm.s32 @!p0 $0x1082;
	s9 =	sld [smem:$0x3FA2]  }
0x2f: {  	lr =	sadd.s32 s0, s3;
	s0 =	sld [smem:$0x3F99]  }
0x30: {  	s3 =	sld [smem:$0x3F9C]  }
0x31: {  	[smem:$0x3FA5] =	sst s10  }
0x32: {  	s10 =	sld [smem:$0x3FA3];
	_ =	sdelay $0x3  }
0x33: {  	p0 =	seq.s32 s10, $0x1;
	s10 =	sld [smem:$0x3FA5];
	_ =	sdelay $0x3  }
0x34: {  	[smem:$0x3FA5] =	sst s10  }
0x35: {  	s10 =	sld [smem:$0x3FA4];
	_ =	sdelay $0x3  }
0x36: {  	p1 =	seq.s32 s10, $0x1;
	s10 =	sld [smem:$0x3FA5];
	_ =	sdelay $0x3  }
0x37: {  	[smem:$0x3FA5] =	sst s10  }
0x38: {  	s10 =	sld [smem:$0x3FA6]  }
0x39: {  	_ = 	snop;
	(pc) =	sbr.ind lr, $3  }
0x3a: {  	_ = 	snop  }
0x3b: {  	_ = 	snop  }
0x3c: {  	p2 =	seq.s32 s10, $0x1;
	s10 =	sld [smem:$0x3FA5]  }
0x3d: {  	_ =	shalt  }
0x3e: {  	_ =	shalt  }
0x3f: {  	_ =	shalt  }
0x40: {  	_ =	shalt  }
0x41: {  	_ =	shalt  }
0x42: {  	_ =	shalt  }
0x43: {  	_ =	shalt  }
0x44: {  	_ =	shalt  }
0x45: {  	_ =	shalt  }
0x46: {  	_ =	shalt  }
0x47: {  	_ =	shalt  }
0x48: {  	_ =	shalt  }
0x49: {  	_ =	shalt  }
0x4a: {  	_ =	shalt  }
0x4b: {  	_ =	shalt  }
0x4c: {  	_ =	shalt  }
0x4d: {  	_ =	shalt  }
0x4e: {  	_ =	shalt  }
0x4f: {  	_ =	shalt  }
0x50: {  	_ =	shalt  }
0x51: {  	_ =	shalt  }
0x52: {  	_ =	shalt  }
0x53: {  	_ =	shalt  }
0x54: {  	_ =	shalt  }
0x55: {  	_ =	shalt  }
0x56: {  	_ =	shalt  }
0x57: {  	_ =	shalt  }
0x58: {  	_ =	shalt  }
0x59: {  	_ =	shalt  }
0x5a: {  	_ =	shalt  }
0x5b: {  	_ =	shalt  }
0x5c: {  	_ =	shalt  }
0x5d: {  	_ =	shalt  }
0x5e: {  	_ =	shalt  }
0x5f: {  	_ =	shalt  }
0x60: {  	_ =	shalt  }
0x61: {  	_ =	shalt  }
0x62: {  	_ =	shalt  }
0x63: {  	_ =	shalt  }
0x64: {  	_ =	shalt  }
0x65: {  	_ =	shalt  }
0x66: {  	_ =	shalt  }
0x67: {  	_ =	shalt  }
0x68: {  	_ =	shalt  }
0x69: {  	_ =	shalt  }
0x6a: {  	_ =	shalt  }
0x6b: {  	_ =	shalt  }
0x6c: {  	_ =	shalt  }
0x6d: {  	_ =	shalt  }
0x6e: {  	_ =	shalt  }
0x6f: {  	_ =	shalt  }
0x70: {  	_ =	shalt  }
0x71: {  	_ =	shalt  }
0x72: {  	_ =	shalt  }
0x73: {  	_ =	shalt  }
0x74: {  	_ =	shalt  }
0x75: {  	_ =	shalt  }
0x76: {  	_ =	shalt  }
0x77: {  	_ =	shalt  }
0x78: {  	_ =	shalt  }
0x79: {  	_ =	shalt  }
0x7a: {  	_ =	shalt  }
0x7b: {  	_ =	shalt  }
0x7c: {  	_ =	shalt  }
0x7d: {  	_ =	shalt  }
0x7e: {  	_ =	shalt  }
0x7f: {  	_ =	shalt  }
0x80: {  	_ =	shalt  }
0x81: {  	_ =	shalt  }
0x82: {  	_ =	shalt  }
0x83: {  	_ =	shalt  }
0x84: {  	_ =	shalt  }
0x85: {  	_ =	shalt  }
0x86: {  	_ =	shalt  }
0x87: {  	_ =	shalt  }
.Lfunc_end0:
.L_simem_size_0:
called_computation.4_lowered:
.L_overlay_start_0:
0x88: {  	s2 =	sld [smem:$0x3FD9]  }
0x89: {  	s3 =	sld [smem:$0x3FFE];
	_ =	sdelay $0x1  }
0x8a: {  	s1 =	srdreg.scid  }
0x8b: {  	s0 =	sand.u32 $0x1, s1  }
0x8c: {  	s14 =	sshll.u32 s0, $0xA;
	s2 =	sadd.s32 s3, s2  }
0x8d: {  	s2 =	sadd.s32 s2, s14  }
0x8e: {  	[smem:$0x3FB1] =	sst s2  }
0x8f: {  	_ = 	snop  }
0x90: {  	s2 =	sld [smem:$0x3FD0];
	_ =	sdelay $0x2  }
0x91: {  	s15 =	simm.s32 $0xB;
	s4 =	simm.s32 $0x10  }
0x92: {  	[smem:s4], [sflag:s15] =	dma.local [hbm:s2], $0x1  }
0x93: {  	_ =	swait.eq [sflag:s15], $0x1  }
0x94: {  	[sflag:s15] =	ssyncset.done $0x0  }
0x95: {  	[sflag:s15] =	ssyncadd.s32 $0xFFFFFFFF  }
0x96: {  	s16 =	sld [smem:$0x10];
	(tm) =	ssettm $0x1  }
0x97: {  	s17 =	sld [smem:$0x3FFB];
	_ =	sdelay $0x3  }
0x98: {  	_ =	strace s17  }
0x99: {  	s3 =	sld [smem:$0x3FFC];
	_ =	sdelay $0x3  }
0x9a: {  	_ =	strace s3  }
0x9b: {  	s3 =	sld [smem:$0x3FFD];
	_ =	sdelay $0x3  }
0x9c: {  	_ =	strace s3  }
0x9d: {  	_ =	strace $0x8FFFFFFF  }
0x9e: {  	s18 =	sld [smem:$0x3FDB];
	_ =	sdelay $0x1  }
0x9f: {  	s19 =	simm.s32 $_scs_section_size  }
0xa0: {  	s5 =	simm.s32 $_size__tile_overlayer_lowered;
	s6 =	simm.s32 $_tile_overlayer_lowered  }
0xa1: {  	s22 =	simm.s32 $0x1BFF;
	s21 =	sshll.u32 s6, $0x1;
	s3 =	sadd.s32 s19, s18  }
0xa2: {  	s7 =	simm.s32 $0x0;
	s20 =	sshll.u32 s5, $0x1;
	s5 =	sadd.s32 s21, s3  }
0xa3: {  	[timem:s7], [sflag:s22] =	dma.local [hbm:s5], s20  }
0xa4: {  	_ =	swait.ge [sflag:s22], s20  }
0xa5: {  	s4 =	ssub.s32 $0x0, s20;
	[sflag:s22] =	ssyncset.done $0x0  }
0xa6: {  	[sflag:s22] =	ssyncadd.s32 s4;
	_ =	sdelay $0x1  }
0xa7: {  	s23 =	simm.s32 $0x1B8B  }
0xa8: {  	_ =	swait.ge [sflag:s23], $0x1  }
0xa9: {  	[sflag:s23] =	ssyncset.done $0x0  }
0xaa: {  	s25 =	simm.s32 $0x1B8E;
	s24 =	sld [smem:$0x3FFE];
	[sflag:s23] =	ssyncadd.s32 $0xFFFFFFFF  }
0xab: {  	s26 =	simm.s32 $execute0_lowered;
	[smem:$0x3FD2] =	sst s25  }
0xac: {  	s5 =	sshll.u32 s26, $0x1;
	_ =	strace $0x80000052;
	[dreg:$0x1] =	wrdreg $0xFFFFFFFF  }
0xad: {  	s28 =	simm.s32 $_size_execute0_lowered;
	s3 =	sadd.s32 s3, s5;
	[dreg:$0x0] =	wrdreg $0x0  }
0xae: {  	s5 =	sshll.u32 s28, $0x1;
	[dreg:$0x2] =	wrdreg s3  }
0xaf: {  	[dreg:$0x3] =	wrdreg s5  }
0xb0: {  	[dreg:$0x4] =	wrdreg $0xC0  }
0xb1: {  	_ =	task [dreg:s7], $0x5FFFF  }
0xb2: {  	[dreg:$0x1] =	wrdreg $0xFFFFFFFF  }
0xb3: {  	[dreg:$0x0] =	wrdreg $0x60  }
0xb4: {  	[dreg:$0x2] =	wrdreg s24  }
0xb5: {  	[dreg:$0x3] =	wrdreg s16  }
0xb6: {  	[dreg:$0x4] =	wrdreg $0x0  }
0xb7: {  	[dreg:$0x5] =	wrdreg $0x140000  }
0xb8: {  	[dreg:$0x6] =	wrdreg $0x9  }
0xb9: {  	_ =	task.clear_ibuf [dreg:s7], $0x7FFFF;
	_ =	strace $0x90000052  }
0xba: {  	s29 =	simm.s32 $0x9;
	_ =	strace $0x80000054  }
0xbb: {  	_ =	swait.ge [sflag:s29], $0x1  }
0xbc: {  	[sflag:s29] =	ssyncadd.s32 $0xFFFFFFFF  }
0xbd: {  	_ =	strace $0x90000054  }
0xbe: {  	_ =	sfence  }
0xbf: {  	s30 =	sld [smem:$0x0];
	_ =	sdelay $0x2  }
0xc0: {  	s31 =	sshll.u32 s1, $0xD;
	s1 =	sshrl.u32 s1, $0x2  }
0xc1: {  	s3 =	sand.u32 $0x4000, s31;
	s1 =	sadd.s32 s1, s30  }
0xc2: {  	s0 =	sor.u32 s3, s0;
	s1 =	sshll.u32 s1, $0x11  }
0xc3: {  	s0 =	sor.u32 s1, s0  }
0xc4: {  	s0 =	sadd.s32 $0x8F2B, s0  }
0xc5: {  	[sflag:s0] =	ssyncadd.remote.s32 $0x1  }
0xc6: {  	_ =	sfence.sel $0xFFFF  }
0xc7: {  	[dreg:$0x0] =	wrdreg $0xFFFFFFFF;
	(pc) =	sbr.abs _section_cstart, $3  }
0xc8: {  	[dreg:$0x1] =	wrdreg $0xFFFFFFFF  }
0xc9: {  	_ =	task.clear_ibuf [dreg:s7], $0x2FFFF;
	_ =	strace $0x9FFFFFFF  }
0xca: {  	(tm) =	ssettm $0x7FFFFFFF  }
0xcb: {  	_ =	shalt  }
tec
execute0_lowered:
.L_overlay_start_1:
0x0: {  	(tag) =	ssettag $0x1  }
0x1: {  	s0 =	rddreg [dreg:$0x0]  }
0x2: {  	s2 =	rddreg [dreg:$0x1]  }
0x3: {  	s1 =	rddreg [dreg:$0x2]  }
0x4: {  	s3 =	rddreg [dreg:$0x3];
	s4 =	simm.s32 $0x0;
	s5 =	srdreg.scid  }
0x5: {  	s18 =	stileid.u32;
	s20 =	simm.s32 $0x16800;
	s21 =	simm.s32 $0x16880  }
0x6: {  	s22 =	simm.s32 $0x80;
	s28 =	simm.s32 $0x2;
	s29 =	simm.s32 $0x17900  }
0x7: {  	[smem:$0x7FF] =	sst s4;
	s10 =	sand.u32 $0x1, s5;
	s11 =	smul.u32 $0x14000, s18  }
0x8: {  	s5 =	sadd.s32 $0x1B800, s0;
	s6 =	sadd.s32 $0x46600, s0;
	s7 =	sadd.s32 $0x4B600, s0  }
0x9: {  	s8 =	sadd.s32 $0x11400, s0;
	s9 =	sadd.s32 $0x7000, s0;
	s13 =	sadd.s32 $0x43E00, s0  }
0xa: {  	s23 =	sadd.s32 $0x43800, s0;
	s25 =	smul.u32 $0x2800, s18;
	s15 =	sshll.u32 s18, $0x1  }
0xb: {  	s26 =	sshll.u32 s18, $0x6;
	_ =	strace $0x80000053;
	[dreg:$0x5] =	wrdreg s13  }
0xc: {  	s18 =	simm.s32 $0x3;
	s12 =	smul.u32 $0x140000, s10;
	[dreg:$0x6] =	wrdreg s23  }
0xd: {  	s24 =	ssub.s32 $0x2, s10;
	s16 =	smul.u32 $0x28000, s10;
	s10 =	sor.u32 s10, s15  }
0xe: {  	s23 =	simm.s32 $0x18100;
	s14 =	sshrl.u32 s24, $0x1;
	s19 =	sadd.s32 s25, s3  }
0xf: {  	s13 =	smul.u32 $0x2900, s10;
	s12 =	sadd.s32 s11, s12;
	s17 =	ssub.s32 s24, s14  }
0x10: {  	s11 =	sadd.s32 s11, s1;
	s30 =	sadd.s32 s25, s16;
	s19 =	sshrl.u32 s19, $0x3  }
0x11: {  	s24 =	simm.s32 $0x16900;
	s25 =	simm.s32 $0x17100;
	s12 =	sshrl.u32 s12, $0x3  }
0x12: {  	s31 =	sshrl.u32 s30, $0x3;
	s16 =	smax.u32 s17, $0x1;
	s0 =	sadd.s32 s12, s0  }
0x13: {  	s17 =	sshrl.u32 s11, $0x3;
	s12 =	sor.u32 $0x1C03, s26;
	s0 =	sadd.s32 $0x50600, s0  }
0x14: {  	s15 =	sadd.s32 s2, s31;
	s26 =	simm.s32 $0x1;
	[dreg:$0x7] =	wrdreg s0  }
.LBB2_1:
0x15: {  	s0 =	rddreg [dreg:$0x5]  }
0x16: {  	[spmem:s17], [sflag:s12] =	dma.local [hbm:s0], $0x2800  }
0x17: {  	_ =	swait.ge [sflag:s18], $0x2800  }
0x18: {  	[sflag:s18] =	ssyncset.done $0x0  }
0x19: {  	s31 =	rddreg [dreg:$0x6];
	[sflag:s18] =	ssyncadd.s32 $0xFFFFD800  }
0x1a: {  	[spmem:s19], [sflag:s12] =	dma.local [hbm:s31], $0x500  }
0x1b: {  	_ =	swait.ge [sflag:s18], $0x500  }
0x1c: {  	[sflag:s18] =	ssyncset.done $0x0  }
0x1d: {  	[sflag:s18] =	ssyncadd.s32 $0xFFFFFB00  }
0x1e: {  	s30 =	simm.s32 $0x0;
	[bflag:$0x0] =	sbarrier.arrive $0xFFFF  }
.LBB2_2:
0x1f: {  	s0 =	sshll.u32 s30, $0x7  }
0x20: {  	s0 =	sadd.s32 s13, s0  }
0x21: {  	s0 =	sshrl.u32 s0, $0x3  }
0x22: {  	s10 =	simm.s32 $0x0;
	s2 =	sadd.s32 s8, s0  }
0x23: {  	[tilespmem:s20], [sflag:$0x3] =	stream.linear.gather [hbm4b:s2+s10], $0x80, $0x38;
	[tilespmem:$0x1C100] =	vst v63  }
0x24: {  	_ =	swait.ge [sflag:s18], $0x80  }
0x25: {  	[sflag:s18] =	ssyncset.done $0x0  }
0x26: {  	s0 =	sadd.s32 s9, s0;
	[sflag:s18] =	ssyncadd.s32 $0xFFFFFF80  }
0x27: {  	[tilespmem:s21], [sflag:$0x3] =	stream.linear.gather [hbm4b:s0+s10], $0x80, $0x38;
	[tilespmem:$0x1C100] =	vst v63  }
0x28: {  	_ =	swait.ge [sflag:s18], $0x80  }
0x29: {  	[sflag:s18] =	ssyncset.done $0x0  }
0x2a: {  	[sflag:s18] =	ssyncadd.s32 $0xFFFFFF80  }
0x2b: {  	[tilespmem:s23], [sflag:$0x2] =	stream.indirect.gather [hbm4b:s5+s22], $0x80, s20, s22, $0xb8;
	[tilespmem:$0x1C100] =	vst v63  }
0x2c: {  	_ = 	snop  }
0x2d: {  	[tilespmem:s24], [sflag:$0x1] =	stream.indirect.gather [hbm4b:s6+s22], $0x10, s20, s22, $0xb8;
	[tilespmem:$0x1C100] =	vst v63  }
0x2e: {  	_ = 	snop  }
0x2f: {  	[tilespmem:s25], [sflag:$0x1] =	stream.indirect.gather [hbm4b:s7+s22], $0x10, s21, s22, $0xb8;
	[tilespmem:$0x1C100] =	vst v63  }
0x30: {  	_ =	swait.ge [sflag:s26], $0x800  }
0x31: {  	[sflag:s26] =	ssyncset.done $0x0  }
0x32: {  	[sflag:s26] =	ssyncadd.s32 $0xFFFFF800  }
0x33: {  	_ =	swait.ge [sflag:s26], $0x800  }
0x34: {  	[sflag:s26] =	ssyncset.done $0x0  }
0x35: {  	s0 =	simm.s32 $0x0;
	[sflag:s26] =	ssyncadd.s32 $0xFFFFF800  }
0x36: {  	v0 =	vld [tilespmem:s0+$0x16900]  }
0x37: {  	v1 =	vld [tilespmem:s0+$0x17100];
	_ =	sdelay $0x4  }
0x38: {  	v0 =	vadd.f32 v1, v0;
	_ =	sdelay $0x1  }
0x39: {  	s31 =	simm.s32 $0x10;
	v1 =	vmul.f32 $2.000000030e-01, v0  }
0x3a: {  	v2 =	vld [tilespmem:s31+$0x16900];
	vm0 =	vgt.f32 v0, $0.0e+00  }
0x3b: {  	v3 =	vld [tilespmem:s31+$0x17100];
	v0 =	vsel vm0, v0, v1  }
0x3c: {  	s2 =	simm.s32 $0x20;
	v0 =	vmul.f32 $1.442695020e+00, v0  }
0x3d: {  	v1 =	vld [tilespmem:s2+$0x16900]  }
0x3e: {  	(erf) = vpow2.f32 v0;
	v0 =	vld [tilespmem:s2+$0x17100];
	_ =	sdelay $0x1  }
0x3f: {  	v2 =	vadd.f32 v3, v2;
	_ =	sdelay $0x1  }
0x40: {  	v3 =	vmul.f32 $2.000000030e-01, v2  }
0x41: {  	vm14 =	vgt.f32 v2, $0.0e+00;
	v4 =	vadd.f32 v0, v1  }
0x42: {  	v0 =	vsel vm14, v2, v3  }
0x43: {  	s10 =	simm.s32 $0x30;
	v1 =	vmul.f32 $1.442695020e+00, v0;
	v2 =	vmul.f32 $2.000000030e-01, v4  }
0x44: {  	v0 =	vld [tilespmem:s10+$0x16900]  }
0x45: {  	(erf) = vpow2.f32 v1;
	v1 =	vld [tilespmem:s10+$0x17100]  }
0x46: {  	vm15 =	vgt.f32 v4, $0.0e+00  }
0x47: {  	s11 =	simm.s32 $0x100;
	v3 =	vsel vm15, v4, v2;
	v2 =	vpop (erf)  }
.LBB2_3:
0x48: {  	s14 =	sshra.s32 s11, $0x2  }
0x49: {  	v3 =	vmul.f32 $1.442695020e+00, v3;
	[tilespmem:s0+$0x17900] =	vst v2;
	s0 =	smov.u32 s31;
	s31 =	smov.u32 s2;
	p0 =	sne.s32 s11, $0x1FC0  }
.Ltmp0:
0x4a: {  	s11 =	sadd.s32 $0x40, s11;
	v2 =	vadd.f32 v1, v0;
	v0 =	vld [tilespmem:s14+$0x16900];
	(pc) =	sbr.rel @p0 .LBB2_3-.Ltmp0, $4  }
0x4b: {  	s2 =	smov.u32 s10;
	s10 =	smov.u32 s14;
	v1 =	vld [tilespmem:s14+$0x17100];
	(erf) = vpow2.f32 v3  }
0x4c: {  	v3 =	vmul.f32 $2.000000030e-01, v2  }
0x4d: {  	vm0 =	vgt.f32 v2, $0.0e+00  }
0x4e: {  	v3 =	vsel vm0, v2, v3;
	v2 =	vpop (erf)  }
0x4f: {  	_ = 	snop  }
0x50: {  	v0 =	vadd.f32 v1, v0;
	_ =	sdelay $0x1  }
0x51: {  	v1 =	vmul.f32 $2.000000030e-01, v0  }
0x52: {  	vm0 =	vgt.f32 v0, $0.0e+00  }
0x53: {  	v0 =	vsel vm0, v0, v1;
	v1 =	vmul.f32 $1.442695020e+00, v3  }
0x54: {  	v0 =	vmul.f32 $1.442695020e+00, v0  }
0x55: {  	(erf) = vpow2.f32 v1  }
0x56: {  	(erf) = vpow2.f32 v0;
	_ =	sdelay $0x6  }
0x57: {  	[tilespmem:s0+$0x17900] =	vst v2;
	v0 =	vpop (erf)  }
0x58: {  	[tilespmem:s31+$0x17900] =	vst v0;
	v0 =	vpop (erf)  }
0x59: {  	[tilespmem:s2+$0x17900] =	vst v0;
	v0 =	vpop (erf)  }
0x5a: {  	[tilespmem:s10+$0x17900] =	vst v0  }
0x5b: {  	_ =	swait.ge [sflag:s28], $0x4000  }
0x5c: {  	[sflag:s28] =	ssyncset.done $0x0  }
0x5d: {  	s31 =	simm.s32 $0x18140;
	[sflag:s28] =	ssyncadd.s32 $0xFFFFC000  }
0x5e: {  	s0 =	simm.s32 $0x18140;
	s2 =	simm.s32 $0x40;
	s10 =	simm.s32 $0x0;
	v0 =	vld [tilespmem:s31+$0xFFFFFFF0]  }
.LBB2_5:
0x5f: {  	p0 =	sne.s32 s2, $0x1FC0;
	v1 =	vld [tilespmem:s10+$0x17900]  }
0x60: {  	v2 =	vld [tilespmem:s31+$0xFFFFFFD0]  }
0x61: {  	v3 =	vld [tilespmem:s31+$0xFFFFFFC0]  }
0x62: {  	v4 =	vld [tilespmem:s31+$0xFFFFFFE0]  }
0x63: {  	v5 =	vld [tilespmem:s31+$0x30]  }
0x64: {  	v6 =	vbroadcast v1, $0x0;
	v7 =	vbroadcast v1, $0x1;
	v8 =	vld [tilespmem:s31+$0x10]  }
0x65: {  	v9 =	vbroadcast v1, $0x2;
	v10 =	vbroadcast v1, $0x3;
	v11 =	vld [tilespmem:s31+$0x0]  }
0x66: {  	v3 =	vmul.f32 v6, v3;
	v2 =	vmul.f32 v2, v7;
	v6 =	vld [tilespmem:s31+$0x20]  }
0x67: {  	v0 =	vmul.f32 v0, v10;
	v4 =	vmul.f32 v4, v9  }
0x68: {  	v7 =	vbroadcast v1, $0x5;
	[tilespmem:s31+$0xFFFFFFC0] =	vst v3;
	v3 =	vbroadcast v1, $0x4  }
0x69: {  	[tilespmem:s31+$0xFFFFFFD0] =	vst v2;
	v2 =	vbroadcast v1, $0x6;
	v1 =	vbroadcast v1, $0x7  }
0x6a: {  	[tilespmem:s31+$0xFFFFFFE0] =	vst v4;
	v3 =	vmul.f32 v11, v3;
	v4 =	vmul.f32 v8, v7  }
.Ltmp1:
0x6b: {  	[tilespmem:s31+$0xFFFFFFF0] =	vst v0;
	v0 =	vmul.f32 v6, v2;
	v1 =	vmul.f32 v5, v1;
	(pc) =	sbr.rel @p0 .LBB2_5-.Ltmp1, $4  }
0x6c: {  	[tilespmem:s31+$0x0] =	vst v3  }
0x6d: {  	[tilespmem:s31+$0x10] =	vst v4  }
0x6e: {  	s31 =	sadd.s32 $0x80, s31;
	[tilespmem:s0+$0x20] =	vst v0  }
0x6f: {  	s10 =	sshra.s32 s2, $0x2;
	s2 =	sadd.s32 $0x40, s2;
	v0 =	vld [tilespmem:s31+$0xFFFFFFF0];
	[tilespmem:s0+$0x30] =	vst v1;
	s0 =	smov.u32 s31  }
0x70: {  	v1 =	vld [tilespmem:s10+$0x17900];
	_ =	sdelay $0x1  }
0x71: {  	v2 =	vld [tilespmem:s31+$0xFFFFFFC0]  }
0x72: {  	v3 =	vld [tilespmem:s31+$0xFFFFFFD0]  }
0x73: {  	v4 =	vld [tilespmem:s31+$0xFFFFFFE0]  }
0x74: {  	v5 =	vbroadcast v1, $0x0  }
0x75: {  	v8 =	vld [tilespmem:s31+$0x10];
	v6 =	vbroadcast v1, $0x1  }
0x76: {  	v7 =	vld [tilespmem:s31+$0x0];
	v9 =	vbroadcast v1, $0x2;
	v2 =	vmul.f32 v5, v2  }
0x77: {  	v58 =	vld [tilespmem:s31+$0x20];
	v57 =	vbroadcast v1, $0x3;
	v3 =	vmul.f32 v3, v6  }
0x78: {  	v10 =	vld [tilespmem:s31+$0x30];
	v60 =	vbroadcast v1, $0x5;
	v4 =	vmul.f32 v4, v9;
	[tilespmem:s31+$0xFFFFFFC0] =	vst v2  }
0x79: {  	v59 =	vbroadcast v1, $0x4;
	v0 =	vmul.f32 v0, v57;
	[tilespmem:s31+$0xFFFFFFD0] =	vst v3  }
0x7a: {  	v61 =	vbroadcast v1, $0x6;
	v62 =	vmul.f32 v8, v60;
	[tilespmem:s31+$0xFFFFFFE0] =	vst v4  }
0x7b: {  	v1 =	vbroadcast v1, $0x7;
	v2 =	vmul.f32 v7, v59;
	[tilespmem:s31+$0xFFFFFFF0] =	vst v0  }
0x7c: {  	v63 =	vmul.f32 v58, v61;
	[tilespmem:s31+$0x10] =	vst v62  }
0x7d: {  	v1 =	vmul.f32 v10, v1;
	[tilespmem:s31+$0x0] =	vst v2  }
0x7e: {  	[tilespmem:s0+$0x20] =	vst v63  }
0x7f: {  	[tilespmem:s0+$0x30] =	vst v1  }
0x80: {  	[spmem:s3] =	stream.indirect.scatter.add.f32 [tilespmem:s29], [sflag:$0x3], $0x10, s21, s22, $0xb8;
	[tilespmem:$0x1C100] =	vst v63  }
0x81: {  	s30 =	sadd.s32 $0x1, s30;
	_ =	swait.ge [sflag:s18], $0x800  }
0x82: {  	p0 =	sne.s32 s30, $0x52;
	[sflag:s18] =	ssyncset.done $0x0  }
.Ltmp2:
0x83: {  	[sflag:s18] =	ssyncadd.s32 $0xFFFFF800;
	(pc) =	sbr.rel @p0 .LBB2_2-.Ltmp2, $4  }
0x84: {  	[spmem:s1] =	stream.indirect.scatter.add.f32 [tilespmem:s23], [sflag:$0x3], $0x80, s21, s22, $0xb8;
	[tilespmem:$0x1C100] =	vst v63  }
0x85: {  	_ =	swait.ge [sflag:s18], $0x4000  }
0x86: {  	[sflag:s18] =	ssyncset.done $0x0  }
0x87: {  	[sflag:s18] =	ssyncadd.s32 $0xFFFFC000  }
0x88: {  	[bflag:$0x0] =	sbarrier.arrive $0xFFFF  }
0x89: {  	s0 =	rddreg [dreg:$0x7]  }
0x8a: {  	[hbm:s0], [sflag:s12] =	dma.local [spmem:s17], $0x2800  }
0x8b: {  	s4 =	sadd.s32 $0x1, s4;
	_ =	swait.ge [sflag:s18], $0x2800  }
0x8c: {  	p0 =	sne.s32 s4, s16;
	[sflag:s18] =	ssyncset.done $0x0  }
.Ltmp3:
0x8d: {  	[sflag:s18] =	ssyncadd.s32 $0xFFFFD800;
	(pc) =	sbr.rel @p0 .LBB2_1-.Ltmp3, $4  }
0x8e: {  	[hbm:s15], [sflag:s12] =	dma.local [spmem:s19], $0x500  }
0x8f: {  	_ =	swait.ge [sflag:s18], $0x500  }
0x90: {  	[sflag:s18] =	ssyncset.done $0x0  }
0x91: {  	[sflag:s18] =	ssyncadd.s32 $0xFFFFFB00  }
0x92: {  	_ =	sfence.sel $0x180000  }
0x93: {  	[bflag:$0x0] =	sbarrier.arrive $0xFFFF  }
0x94: {  	_ =	strace $0x90000053  }
0x95: {  	s0 =	stileid.u32;
	[bflag:$0x2] =	sbarrier.arrive $0xFFFF  }
0x96: {  	p0 =	sne.s32 s0, $0x0;
	s0 =	rddreg [dreg:$0x4]  }
0x97: {  	s0 =	sadd.s32 @!p0 $0x100000, s0  }
0x98: {  	[sflag:s0] =	ssyncadd.tile.s32 @!p0 $0x1;
	_ =	shalt  }
.Lfunc_end2:
_tile_overlayer_lowered:
.L_overlay_start_2:
0x99: {  	(tag) =	ssettag $0x2  }
0x9a: {  	s0 =	rddreg [dreg:$0x0];
	s2 =	stileid.u32  }
0x9b: {  	s1 =	rddreg [dreg:$0x1];
	p0 =	sne.s32 s2, $0x0  }
0x9c: {  	s3 =	rddreg [dreg:$0x2];
	[bflag:$0x3] =	sbarrier.arrive $0xFFFF;
	s2 =	simm.s32 @!p0 $0x1C03  }
0x9d: {  	[timem:s3], [sflag:s2] =	dma.local @!p0 [hbm:s0], s1  }
0x9e: {  	s0 =	simm.s32 @!p0 $0x3  }
0x9f: {  	_ =	swait.ge @!p0 [sflag:s0], s1  }
0xa0: {  	s1 =	ssub.s32 @!p0 $0x0, s1;
	[sflag:s0] =	ssyncset.done @!p0 $0x0  }
0xa1: {  	[sflag:s0] =	ssyncadd.s32 @!p0 s1  }
0xa2: {  	[bflag:$0x3] =	sbarrier.arrive $0xFFFF  }
0xa3: {  	_ =	shalt  }

</sc_bundles>
